<compile_context>
chip_gen: v7x
topology: tpu7x:2x2x1
jax: 0.10.2.dev20260603
libtpu: 0.0.44.dev20260713+nightly
codegen_flags: <defaults>
</compile_context>

<pallas_src>
import functools

import jax
import jax.numpy as jnp
from jax import lax
from jax.experimental import pallas as pl
from jax.experimental.pallas import tpu as pltpu
from jax.experimental.pallas import tpu_sc as plsc

B = 1
D = 128
N = 10000
K = 16

NW = 32
NPAD = 10240
NODES_PER_W = NPAD // NW
CHUNK = 8
NCHUNK = NODES_PER_W // CHUNK
IDX_PER_CHUNK = CHUNK * K
NB = 5120
NBLK = NPAD // NB
ROWS_PER_TILE = NPAD // 16


def _mm_body(x_ref, w_ref, yt_ref):
    xb = x_ref[...]
    w1 = w_ref[:, :D]
    dn = (((0,), (1,)), ((), ()))
    yt_ref[...] = lax.dot_general(xb, w1, dn, preferred_element_type=jnp.float32)


def _add_body(x_ref, m_ref, w_ref, b_ref, o_ref):
    xb = x_ref[...]
    wz = w_ref[:, D:] - w_ref[:, :D]
    z = lax.dot_general(wz, xb, (((1,), (0,)), ((), ())),
                        preferred_element_type=jnp.float32) + b_ref[...].T
    o_ref[...] = xb + jnp.maximum(z + m_ref[...].T, 0.0)


def _sc_knn(yt_hbm, idx_hbm, out_hbm, idx_v, gbuf_a, gbuf_b, obuf_a, obuf_b,
            yt_sp, sem_a, sem_b):
    cid = lax.axis_index("c")
    sid = lax.axis_index("s")
    wid = sid * 2 + cid
    base = wid * NODES_PER_W
    pltpu.sync_copy(yt_hbm.at[pl.ds(sid * ROWS_PER_TILE, ROWS_PER_TILE)],
                    yt_sp.at[pl.ds(sid * ROWS_PER_TILE, ROWS_PER_TILE)])
    pltpu.sync_copy(idx_hbm.at[wid], idx_v)
    plsc.subcore_barrier()

    def issue(jc, buf, sem):
        pltpu.async_copy(yt_sp.at[idx_v.at[jc]], buf, sem)

    def wait(buf, sem):
        pltpu.make_async_copy(yt_sp.at[pl.ds(0, IDX_PER_CHUNK)], buf, sem).wait()

    def compute_store(j, buf, obuf):
        def node_body(i, _):
            r0 = i * K
            for g in range(D // 16):
                sl = pl.ds(g * 16, 16)
                m = buf[r0, sl]
                for k in range(1, K):
                    m = jnp.maximum(m, buf[r0 + k, sl])
                obuf[i, sl] = m
            return 0

        lax.fori_loop(0, CHUNK, node_body, 0)
        pltpu.sync_copy(obuf, out_hbm.at[pl.ds(base + j * CHUNK, CHUNK)])

    issue(0, gbuf_a, sem_a)
    issue(1, gbuf_b, sem_b)

    def chunk_body(jj, _):
        j0 = jj * 2
        wait(gbuf_a, sem_a)
        compute_store(j0, gbuf_a, obuf_a)
        issue(jnp.minimum(j0 + 2, NCHUNK - 1), gbuf_a, sem_a)
        wait(gbuf_b, sem_b)
        compute_store(j0 + 1, gbuf_b, obuf_b)
        issue(jnp.minimum(j0 + 3, NCHUNK - 1), gbuf_b, sem_b)
        return 0

    lax.fori_loop(0, NCHUNK // 2, chunk_body, 0)
    wait(gbuf_a, sem_a)
    wait(gbuf_b, sem_b)


def kernel(x, idx, W, b):
    x2 = x[0]
    idx_flat = idx[0].astype(jnp.int32).reshape(-1)
    idx3 = jnp.pad(idx_flat, (0, (NPAD - N) * K)).reshape(NW, NCHUNK, IDX_PER_CHUNK)
    b2 = b.reshape(1, D)

    yt = pl.pallas_call(
        _mm_body,
        grid=(NBLK,),
        in_specs=[
            pl.BlockSpec((D, NB), lambda i: (0, i)),
            pl.BlockSpec((D, 2 * D), lambda i: (0, 0)),
        ],
        out_specs=pl.BlockSpec((NB, D), lambda i: (i, 0)),
        out_shape=jax.ShapeDtypeStruct((NPAD, D), jnp.float32),
    )(x2, W)

    mesh = plsc.VectorSubcoreMesh(core_axis_name="c", subcore_axis_name="s")
    mt = pl.kernel(
        _sc_knn,
        out_type=jax.ShapeDtypeStruct((NPAD, D), jnp.float32),
        mesh=mesh,
        scratch_types=[
            pltpu.VMEM((NCHUNK, IDX_PER_CHUNK), jnp.int32),
            pltpu.VMEM((IDX_PER_CHUNK, D), jnp.float32),
            pltpu.VMEM((IDX_PER_CHUNK, D), jnp.float32),
            pltpu.VMEM((CHUNK, D), jnp.float32),
            pltpu.VMEM((CHUNK, D), jnp.float32),
            pltpu.VMEM_SHARED((NPAD, D), jnp.float32),
            pltpu.SemaphoreType.DMA,
            pltpu.SemaphoreType.DMA,
        ],
    )(yt, idx3)

    out = pl.pallas_call(
        _add_body,
        grid=(NBLK,),
        in_specs=[
            pl.BlockSpec((D, NB), lambda i: (0, i)),
            pl.BlockSpec((NB, D), lambda i: (i, 0)),
            pl.BlockSpec((D, 2 * D), lambda i: (0, 0)),
            pl.BlockSpec((1, D), lambda i: (0, 0)),
        ],
        out_specs=pl.BlockSpec((D, NB), lambda i: (0, i)),
        out_shape=jax.ShapeDtypeStruct((D, N), jnp.float32),
    )(x2, mt, W, b2)

    return out[None]

# --- scband reference (transcript-rebuilt; emitter-appended) ---
"""Pipeline reference for scband-k-nnpropagation-66795331387611 (READ-ONLY COPY).

The authoritative reference and input builder live on the scoring server;
editing this copy changes nothing except your own understanding.
"""

import jax, jax.numpy as jnp
import numpy as np

B = 1
D = 128
N = 10000
K = 16


def setup_inputs(seed: int = 0) -> dict:
    key = jax.random.key(seed)
    k1, k2, k3, k4 = jax.random.split(key, 4)
    x = jax.random.normal(k1, (B, D, N), dtype=jnp.float32)
    idx = jax.random.randint(k2, (B, N, K), 0, N, dtype=jnp.int64)
    # MLP([2*D, D], is_2d=True, act_out=True) == 1x1 Conv2d(2D -> D) + ReLU
    W = jax.random.normal(k3, (D, 2 * D), dtype=jnp.float32) * 0.05
    b = jax.random.normal(k4, (D,), dtype=jnp.float32) * 0.05
    return {"x": x, "idx": idx, "W": W, "b": b}


def gather_graph_feature(x, idx):
    # x: (B, D, N), idx: (B, N, K) with values in [0, N)
    def gather_b(xb, idxb):
        # xb: (D, N), idxb: (N, K) -> (D, N, K)
        return xb[:, idxb]
    nbr = jax.vmap(gather_b)(x, idx)  # (B, D, N, K)
    xc = jnp.broadcast_to(x[:, :, :, None], nbr.shape)  # (B, D, N, K)
    feat = jnp.concatenate([nbr - xc, xc], axis=1)  # (B, 2D, N, K)
    return feat


def reference(x, idx, W, b):
    feat = gather_graph_feature(x, idx)  # (B, 2D, N, K)
    h = jnp.einsum('bcnk,oc->bonk', feat, W) + b[None, :, None, None]
    h = jax.nn.relu(h)  # act_out=True
    message = jnp.max(h, axis=-1)  # (B, D, N)
    return x + message

if __name__ == "__main__":
    import jax
    _d = setup_inputs()
    print(jax.jit(kernel)(*tuple(_d.values())))

</pallas_src>

<mosaic_0001>
#map = affine_map<(d0, d1) -> (0, 0)>
#map1 = affine_map<(d0, d1) -> (0, 0, 0)>
module attributes {stable_mosaic.version = 14 : i64} {
  func.func @_sc_knn(%arg0: i32, %arg1: i32, %arg2: memref<10240x128xf32, #tpu.memory_space<hbm>>, %arg3: memref<32x40x128xi32, #tpu.memory_space<hbm>>, %arg4: memref<10240x128xf32, #tpu.memory_space<hbm>>, %arg5: memref<40x128xi32, #tpu.memory_space<vmem>>, %arg6: memref<128x128xf32, #tpu.memory_space<vmem>>, %arg7: memref<128x128xf32, #tpu.memory_space<vmem>>, %arg8: memref<8x128xf32, #tpu.memory_space<vmem>>, %arg9: memref<8x128xf32, #tpu.memory_space<vmem>>, %arg10: memref<10240x128xf32, #tpu.memory_space<vmem_shared>>, %arg11: memref<!tpu.dma_semaphore, #tpu.memory_space<semaphore_mem>>, %arg12: memref<!tpu.dma_semaphore, #tpu.memory_space<semaphore_mem>>) attributes {dimension_semantics = [#tpu.dimension_semantics<core_parallel>, #tpu.dimension_semantics<subcore_parallel>], iteration_bounds = array<i64: 2, 16>, scalar_prefetch = 0 : i64, scratch_operands = 8 : i64, tpu.core_type = #tpu.core_type<sc_vector_subcore>, window_params = [{transform_indices = #map}, {transform_indices = #map1}, {transform_indices = #map}]} {
    %mul3A = arith.constant 2 : i32
    %mul3A_0 = arith.muli %arg1, %mul3A : i32
    %add3A = arith.addi %mul3A_0, %arg0 : i32
    %mul3A_1 = arith.constant 320 : i32
    %mul3A_2 = arith.muli %add3A, %mul3A_1 : i32
    %mul3A_3 = arith.constant 640 : i32
    %mul3A_4 = arith.muli %arg1, %mul3A_3 : i32
    %mul3A_5 = arith.constant 640 : i32
    %mul3A_6 = arith.muli %arg1, %mul3A_5 : i32
    "tpu.region"() ({
      %run_scoped3A = tpu.sem_alloc : memref<!tpu.dma_semaphore, #tpu.memory_space<semaphore_mem>>
      %dma_start3A_37 = arith.constant 0 : i32
      %dma_start3A_38 = tpu.memref_slice %arg10[%mul3A_6, %dma_start3A_37] : memref<10240x128xf32, #tpu.memory_space<vmem_shared>> -> memref<640x128xf32, #tpu.memory_space<vmem_shared>>
      %dma_start3A_39 = arith.constant 0 : i32
      %dma_start3A_40 = tpu.memref_slice %arg2[%mul3A_4, %dma_start3A_39] : memref<10240x128xf32, #tpu.memory_space<hbm>> -> memref<640x128xf32, #tpu.memory_space<hbm>>
      tpu.enqueue_dma source(%dma_start3A_40 : memref<640x128xf32, #tpu.memory_space<hbm>>) target(%dma_start3A_38 : memref<640x128xf32, #tpu.memory_space<vmem_shared>>) target_semaphore(%run_scoped3A : memref<!tpu.dma_semaphore, #tpu.memory_space<semaphore_mem>>)
      %dma_wait3A_41 = arith.constant 0 : i32
      %dma_wait3A_42 = tpu.memref_slice %arg10[%mul3A_6, %dma_wait3A_41] : memref<10240x128xf32, #tpu.memory_space<vmem_shared>> -> memref<640x128xf32, #tpu.memory_space<vmem_shared>>
      %dma_wait3A_43 = arith.constant 0 : i32
      %dma_wait3A_44 = tpu.memref_slice %arg2[%mul3A_4, %dma_wait3A_43] : memref<10240x128xf32, #tpu.memory_space<hbm>> -> memref<640x128xf32, #tpu.memory_space<hbm>>
      tpu.wait_dma2 semaphore(%run_scoped3A : memref<!tpu.dma_semaphore, #tpu.memory_space<semaphore_mem>>) src(%dma_wait3A_44 : memref<640x128xf32, #tpu.memory_space<hbm>>) dst(%dma_wait3A_42 : memref<640x128xf32, #tpu.memory_space<vmem_shared>>)
      tpu.yield
    }) : () -> ()
    "tpu.region"() ({
      %run_scoped3A = tpu.sem_alloc : memref<!tpu.dma_semaphore, #tpu.memory_space<semaphore_mem>>
      %dma_start3A_37 = arith.constant 0 : i32
      %dma_start3A_38 = arith.constant 0 : i32
      %dma_start3A_39 = tpu.memref_slice %arg3[%add3A, %dma_start3A_37, %dma_start3A_38] : memref<32x40x128xi32, #tpu.memory_space<hbm>> -> memref<1x40x128xi32, #tpu.memory_space<hbm>>
      %dma_start3A_40 = tpu.memref_squeeze %dma_start3A_39 : memref<1x40x128xi32, #tpu.memory_space<hbm>> -> memref<40x128xi32, #tpu.memory_space<hbm>>
      %dma_start3A_41 = arith.constant 0 : i32
      %dma_start3A_42 = arith.constant 0 : i32
      %dma_start3A_43 = tpu.memref_slice %arg3[%add3A, %dma_start3A_41, %dma_start3A_42] : memref<32x40x128xi32, #tpu.memory_space<hbm>> -> memref<1x40x128xi32, #tpu.memory_space<hbm>>
      %dma_start3A_44 = tpu.memref_squeeze %dma_start3A_43 : memref<1x40x128xi32, #tpu.memory_space<hbm>> -> memref<40x128xi32, #tpu.memory_space<hbm>>
      tpu.enqueue_dma source(%dma_start3A_44 : memref<40x128xi32, #tpu.memory_space<hbm>>) target(%arg5 : memref<40x128xi32, #tpu.memory_space<vmem>>) target_semaphore(%run_scoped3A : memref<!tpu.dma_semaphore, #tpu.memory_space<semaphore_mem>>)
      %dma_wait3A_45 = arith.constant 0 : i32
      %dma_wait3A_46 = arith.constant 0 : i32
      %dma_wait3A_47 = tpu.memref_slice %arg3[%add3A, %dma_wait3A_45, %dma_wait3A_46] : memref<32x40x128xi32, #tpu.memory_space<hbm>> -> memref<1x40x128xi32, #tpu.memory_space<hbm>>
      %dma_wait3A_48 = tpu.memref_squeeze %dma_wait3A_47 : memref<1x40x128xi32, #tpu.memory_space<hbm>> -> memref<40x128xi32, #tpu.memory_space<hbm>>
      %dma_wait3A_49 = arith.constant 0 : i32
      %dma_wait3A_50 = arith.constant 0 : i32
      %dma_wait3A_51 = tpu.memref_slice %arg3[%add3A, %dma_wait3A_49, %dma_wait3A_50] : memref<32x40x128xi32, #tpu.memory_space<hbm>> -> memref<1x40x128xi32, #tpu.memory_space<hbm>>
      %dma_wait3A_52 = tpu.memref_squeeze %dma_wait3A_51 : memref<1x40x128xi32, #tpu.memory_space<hbm>> -> memref<40x128xi32, #tpu.memory_space<hbm>>
      tpu.wait_dma2 semaphore(%run_scoped3A : memref<!tpu.dma_semaphore, #tpu.memory_space<semaphore_mem>>) src(%dma_wait3A_52 : memref<40x128xi32, #tpu.memory_space<hbm>>) dst(%arg5 : memref<40x128xi32, #tpu.memory_space<vmem>>)
      tpu.yield
    }) : () -> ()
    %barrier3A = arith.constant 0 : index
    tpu.barrier barrier_id(%barrier3A)
    %dma_start3A = arith.constant 0 : i32
    %dma_start3A_7 = arith.constant 0 : i32
    %dma_start3A_8 = tpu.memref_slice %arg5[%dma_start3A, %dma_start3A_7] : memref<40x128xi32, #tpu.memory_space<vmem>> -> memref<1x128xi32, #tpu.memory_space<vmem>>
    %dma_start3A_9 = tpu.memref_squeeze %dma_start3A_8 : memref<1x128xi32, #tpu.memory_space<vmem>> -> memref<128xi32, #tpu.memory_space<vmem>>
    %dma_start3A_10 = arith.constant 0 : i32
    %dma_start3A_11 = arith.constant 0 : i32
    %dma_start3A_12 = tpu.memref_slice %arg10[%dma_start3A_10, %dma_start3A_11] : memref<10240x128xf32, #tpu.memory_space<vmem_shared>> -> memref<10240x128xf32, #tpu.memory_space<vmem_shared>>
    tpu.enqueue_indirect_dma source(%dma_start3A_12 : memref<10240x128xf32, #tpu.memory_space<vmem_shared>>) target(%arg6 : memref<128x128xf32, #tpu.memory_space<vmem>>) offsets(%dma_start3A_9 : memref<128xi32, #tpu.memory_space<vmem>>) semaphore(%arg11 : memref<!tpu.dma_semaphore, #tpu.memory_space<semaphore_mem>>)
    %dma_start3A_13 = arith.constant 1 : i32
    %dma_start3A_14 = arith.constant 0 : i32
    %dma_start3A_15 = tpu.memref_slice %arg5[%dma_start3A_13, %dma_start3A_14] : memref<40x128xi32, #tpu.memory_space<vmem>> -> memref<1x128xi32, #tpu.memory_space<vmem>>
    %dma_start3A_16 = tpu.memref_squeeze %dma_start3A_15 : memref<1x128xi32, #tpu.memory_space<vmem>> -> memref<128xi32, #tpu.memory_space<vmem>>
    %dma_start3A_17 = arith.constant 0 : i32
    %dma_start3A_18 = arith.constant 0 : i32
    %dma_start3A_19 = tpu.memref_slice %arg10[%dma_start3A_17, %dma_start3A_18] : memref<10240x128xf32, #tpu.memory_space<vmem_shared>> -> memref<10240x128xf32, #tpu.memory_space<vmem_shared>>
    tpu.enqueue_indirect_dma source(%dma_start3A_19 : memref<10240x128xf32, #tpu.memory_space<vmem_shared>>) target(%arg7 : memref<128x128xf32, #tpu.memory_space<vmem>>) offsets(%dma_start3A_16 : memref<128xi32, #tpu.memory_space<vmem>>) semaphore(%arg12 : memref<!tpu.dma_semaphore, #tpu.memory_space<semaphore_mem>>)
    %scan3A = arith.constant 0 : i32
    %scan3A_20 = arith.constant 0 : i32
    %scan3A_21 = arith.constant 20 : i32
    %scan3A_22 = arith.addi %scan3A_20, %scan3A_21 : i32
    %scan3A_23 = arith.constant 1 : i32
    %scan3A_24 = scf.for %scan3A_37 = %scan3A_20 to %scan3A_22 step %scan3A_23 iter_args(%scan3A_38 = %scan3A) -> (i32)  : i32 {
      %mul3A_39 = arith.constant 2 : i32
      %mul3A_40 = arith.muli %scan3A_37, %mul3A_39 : i32
      %dma_wait3A_41 = arith.constant 0 : i32
      %dma_wait3A_42 = arith.constant 0 : i32
      %dma_wait3A_43 = tpu.memref_slice %arg10[%dma_wait3A_41, %dma_wait3A_42] : memref<10240x128xf32, #tpu.memory_space<vmem_shared>> -> memref<128x128xf32, #tpu.memory_space<vmem_shared>>
      %dma_wait3A_44 = arith.constant 0 : i32
      %dma_wait3A_45 = arith.constant 0 : i32
      %dma_wait3A_46 = tpu.memref_slice %arg10[%dma_wait3A_44, %dma_wait3A_45] : memref<10240x128xf32, #tpu.memory_space<vmem_shared>> -> memref<128x128xf32, #tpu.memory_space<vmem_shared>>
      tpu.wait_dma2 semaphore(%arg11 : memref<!tpu.dma_semaphore, #tpu.memory_space<semaphore_mem>>) src(%dma_wait3A_46 : memref<128x128xf32, #tpu.memory_space<vmem_shared>>) dst(%arg6 : memref<128x128xf32, #tpu.memory_space<vmem>>)
      %scan3A_47 = arith.constant 0 : i32
      %scan3A_48 = arith.constant 0 : i32
      %scan3A_49 = arith.constant 8 : i32
      %scan3A_50 = arith.addi %scan3A_48, %scan3A_49 : i32
      %scan3A_51 = arith.constant 1 : i32
      %scan3A_52 = scf.for %scan3A_95 = %scan3A_48 to %scan3A_50 step %scan3A_51 iter_args(%scan3A_96 = %scan3A_47) -> (i32)  : i32 {
        %mul3A_97 = arith.constant 16 : i32
        %mul3A_98 = arith.muli %scan3A_95, %mul3A_97 : i32
        %get3A = arith.index_cast %mul3A_98 : i32 to index
        %get3A_99 = arith.constant 0 : index
        %get3A_100 = tpu.vector_load %arg6[%get3A, %get3A_99] {strides = array<i32>} : memref<128x128xf32, #tpu.memory_space<vmem>>, vector<1x16xf32>,
        %get3A_101 = vector.shape_cast %get3A_100 : vector<1x16xf32> to vector<16xf32>
        %add3A_102 = arith.constant 1 : i32
        %add3A_103 = arith.addi %mul3A_98, %add3A_102 : i32
        %get3A_104 = arith.index_cast %add3A_103 : i32 to index
        %get3A_105 = arith.constant 0 : index
        %get3A_106 = tpu.vector_load %arg6[%get3A_104, %get3A_105] {strides = array<i32>} : memref<128x128xf32, #tpu.memory_space<vmem>>, vector<1x16xf32>,
        %get3A_107 = vector.shape_cast %get3A_106 : vector<1x16xf32> to vector<16xf32>
        %max3A = arith.maximumf %get3A_101, %get3A_107 : vector<16xf32>
        %add3A_108 = arith.constant 2 : i32
        %add3A_109 = arith.addi %mul3A_98, %add3A_108 : i32
        %get3A_110 = arith.index_cast %add3A_109 : i32 to index
        %get3A_111 = arith.constant 0 : index
        %get3A_112 = tpu.vector_load %arg6[%get3A_110, %get3A_111] {strides = array<i32>} : memref<128x128xf32, #tpu.memory_space<vmem>>, vector<1x16xf32>,
        %get3A_113 = vector.shape_cast %get3A_112 : vector<1x16xf32> to vector<16xf32>
        %max3A_114 = arith.maximumf %max3A, %get3A_113 : vector<16xf32>
        %add3A_115 = arith.constant 3 : i32
        %add3A_116 = arith.addi %mul3A_98, %add3A_115 : i32
        %get3A_117 = arith.index_cast %add3A_116 : i32 to index
        %get3A_118 = arith.constant 0 : index
        %get3A_119 = tpu.vector_load %arg6[%get3A_117, %get3A_118] {strides = array<i32>} : memref<128x128xf32, #tpu.memory_space<vmem>>, vector<1x16xf32>,
        %get3A_120 = vector.shape_cast %get3A_119 : vector<1x16xf32> to vector<16xf32>
        %max3A_121 = arith.maximumf %max3A_114, %get3A_120 : vector<16xf32>
        %add3A_122 = arith.constant 4 : i32
        %add3A_123 = arith.addi %mul3A_98, %add3A_122 : i32
        %get3A_124 = arith.index_cast %add3A_123 : i32 to index
        %get3A_125 = arith.constant 0 : index
        %get3A_126 = tpu.vector_load %arg6[%get3A_124, %get3A_125] {strides = array<i32>} : memref<128x128xf32, #tpu.memory_space<vmem>>, vector<1x16xf32>,
        %get3A_127 = vector.shape_cast %get3A_126 : vector<1x16xf32> to vector<16xf32>
        %max3A_128 = arith.maximumf %max3A_121, %get3A_127 : vector<16xf32>
        %add3A_129 = arith.constant 5 : i32
        %add3A_130 = arith.addi %mul3A_98, %add3A_129 : i32
        %get3A_131 = arith.index_cast %add3A_130 : i32 to index
        %get3A_132 = arith.constant 0 : index
        %get3A_133 = tpu.vector_load %arg6[%get3A_131, %get3A_132] {strides = array<i32>} : memref<128x128xf32, #tpu.memory_space<vmem>>, vector<1x16xf32>,
        %get3A_134 = vector.shape_cast %get3A_133 : vector<1x16xf32> to vector<16xf32>
        %max3A_135 = arith.maximumf %max3A_128, %get3A_134 : vector<16xf32>
        %add3A_136 = arith.constant 6 : i32
        %add3A_137 = arith.addi %mul3A_98, %add3A_136 : i32
        %get3A_138 = arith.index_cast %add3A_137 : i32 to index
        %get3A_139 = arith.constant 0 : index
        %get3A_140 = tpu.vector_load %arg6[%get3A_138, %get3A_139] {strides = array<i32>} : memref<128x128xf32, #tpu.memory_space<vmem>>, vector<1x16xf32>,
        %get3A_141 = vector.shape_cast %get3A_140 : vector<1x16xf32> to vector<16xf32>
        %max3A_142 = arith.maximumf %max3A_135, %get3A_141 : vector<16xf32>
        %add3A_143 = arith.constant 7 : i32
        %add3A_144 = arith.addi %mul3A_98, %add3A_143 : i32
        %get3A_145 = arith.index_cast %add3A_144 : i32 to index
        %get3A_146 = arith.constant 0 : index
        %get3A_147 = tpu.vector_load %arg6[%get3A_145, %get3A_146] {strides = array<i32>} : memref<128x128xf32, #tpu.memory_space<vmem>>, vector<1x16xf32>,
        %get3A_148 = vector.shape_cast %get3A_147 : vector<1x16xf32> to vector<16xf32>
        %max3A_149 = arith.maximumf %max3A_142, %get3A_148 : vector<16xf32>
        %add3A_150 = arith.constant 8 : i32
        %add3A_151 = arith.addi %mul3A_98, %add3A_150 : i32
        %get3A_152 = arith.index_cast %add3A_151 : i32 to index
        %get3A_153 = arith.constant 0 : index
        %get3A_154 = tpu.vector_load %arg6[%get3A_152, %get3A_153] {strides = array<i32>} : memref<128x128xf32, #tpu.memory_space<vmem>>, vector<1x16xf32>,
        %get3A_155 = vector.shape_cast %get3A_154 : vector<1x16xf32> to vector<16xf32>
        %max3A_156 = arith.maximumf %max3A_149, %get3A_155 : vector<16xf32>
        %add3A_157 = arith.constant 9 : i32
        %add3A_158 = arith.addi %mul3A_98, %add3A_157 : i32
        %get3A_159 = arith.index_cast %add3A_158 : i32 to index
        %get3A_160 = arith.constant 0 : index
        %get3A_161 = tpu.vector_load %arg6[%get3A_159, %get3A_160] {strides = array<i32>} : memref<128x128xf32, #tpu.memory_space<vmem>>, vector<1x16xf32>,
        %get3A_162 = vector.shape_cast %get3A_161 : vector<1x16xf32> to vector<16xf32>
        %max3A_163 = arith.maximumf %max3A_156, %get3A_162 : vector<16xf32>
        %add3A_164 = arith.constant 10 : i32
        %add3A_165 = arith.addi %mul3A_98, %add3A_164 : i32
        %get3A_166 = arith.index_cast %add3A_165 : i32 to index
        %get3A_167 = arith.constant 0 : index
        %get3A_168 = tpu.vector_load %arg6[%get3A_166, %get3A_167] {strides = array<i32>} : memref<128x128xf32, #tpu.memory_space<vmem>>, vector<1x16xf32>,
        %get3A_169 = vector.shape_cast %get3A_168 : vector<1x16xf32> to vector<16xf32>
        %max3A_170 = arith.maximumf %max3A_163, %get3A_169 : vector<16xf32>
        %add3A_171 = arith.constant 11 : i32
        %add3A_172 = arith.addi %mul3A_98, %add3A_171 : i32
        %get3A_173 = arith.index_cast %add3A_172 : i32 to index
        %get3A_174 = arith.constant 0 : index
        %get3A_175 = tpu.vector_load %arg6[%get3A_173, %get3A_174] {strides = array<i32>} : memref<128x128xf32, #tpu.memory_space<vmem>>, vector<1x16xf32>,
        %get3A_176 = vector.shape_cast %get3A_175 : vector<1x16xf32> to vector<16xf32>
        %max3A_177 = arith.maximumf %max3A_170, %get3A_176 : vector<16xf32>
        %add3A_178 = arith.constant 12 : i32
        %add3A_179 = arith.addi %mul3A_98, %add3A_178 : i32
        %get3A_180 = arith.index_cast %add3A_179 : i32 to index
        %get3A_181 = arith.constant 0 : index
        %get3A_182 = tpu.vector_load %arg6[%get3A_180, %get3A_181] {strides = array<i32>} : memref<128x128xf32, #tpu.memory_space<vmem>>, vector<1x16xf32>,
        %get3A_183 = vector.shape_cast %get3A_182 : vector<1x16xf32> to vector<16xf32>
        %max3A_184 = arith.maximumf %max3A_177, %get3A_183 : vector<16xf32>
        %add3A_185 = arith.constant 13 : i32
        %add3A_186 = arith.addi %mul3A_98, %add3A_185 : i32
        %get3A_187 = arith.index_cast %add3A_186 : i32 to index
        %get3A_188 = arith.constant 0 : index
        %get3A_189 = tpu.vector_load %arg6[%get3A_187, %get3A_188] {strides = array<i32>} : memref<128x128xf32, #tpu.memory_space<vmem>>, vector<1x16xf32>,
        %get3A_190 = vector.shape_cast %get3A_189 : vector<1x16xf32> to vector<16xf32>
        %max3A_191 = arith.maximumf %max3A_184, %get3A_190 : vector<16xf32>
        %add3A_192 = arith.constant 14 : i32
        %add3A_193 = arith.addi %mul3A_98, %add3A_192 : i32
        %get3A_194 = arith.index_cast %add3A_193 : i32 to index
        %get3A_195 = arith.constant 0 : index
        %get3A_196 = tpu.vector_load %arg6[%get3A_194, %get3A_195] {strides = array<i32>} : memref<128x128xf32, #tpu.memory_space<vmem>>, vector<1x16xf32>,
        %get3A_197 = vector.shape_cast %get3A_196 : vector<1x16xf32> to vector<16xf32>
        %max3A_198 = arith.maximumf %max3A_191, %get3A_197 : vector<16xf32>
        %add3A_199 = arith.constant 15 : i32
        %add3A_200 = arith.addi %mul3A_98, %add3A_199 : i32
        %get3A_201 = arith.index_cast %add3A_200 : i32 to index
        %get3A_202 = arith.constant 0 : index
        %get3A_203 = tpu.vector_load %arg6[%get3A_201, %get3A_202] {strides = array<i32>} : memref<128x128xf32, #tpu.memory_space<vmem>>, vector<1x16xf32>,
        %get3A_204 = vector.shape_cast %get3A_203 : vector<1x16xf32> to vector<16xf32>
        %max3A_205 = arith.maximumf %max3A_198, %get3A_204 : vector<16xf32>
        %swap3A = arith.index_cast %scan3A_95 : i32 to index
        %swap3A_206 = arith.constant 0 : index
        %swap3A_207 = tpu.vector_load %arg8[%swap3A, %swap3A_206] {strides = array<i32>} : memref<8x128xf32, #tpu.memory_space<vmem>>, vector<1x16xf32>,
        %swap3A_208 = vector.shape_cast %swap3A_207 : vector<1x16xf32> to vector<16xf32>
        %swap3A_209 = vector.shape_cast %max3A_205 : vector<16xf32> to vector<1x16xf32>
        tpu.vector_store %arg8[%swap3A, %swap3A_206], %swap3A_209 {strides = array<i32>} : memref<8x128xf32, #tpu.memory_space<vmem>>, vector<1x16xf32>,
        %get3A_210 = arith.index_cast %mul3A_98 : i32 to index
        %get3A_211 = arith.constant 16 : index
        %get3A_212 = tpu.vector_load %arg6[%get3A_210, %get3A_211] {strides = array<i32>} : memref<128x128xf32, #tpu.memory_space<vmem>>, vector<1x16xf32>,
        %get3A_213 = vector.shape_cast %get3A_212 : vector<1x16xf32> to vector<16xf32>
        %add3A_214 = arith.constant 1 : i32
        %add3A_215 = arith.addi %mul3A_98, %add3A_214 : i32
        %get3A_216 = arith.index_cast %add3A_215 : i32 to index
        %get3A_217 = arith.constant 16 : index
        %get3A_218 = tpu.vector_load %arg6[%get3A_216, %get3A_217] {strides = array<i32>} : memref<128x128xf32, #tpu.memory_space<vmem>>, vector<1x16xf32>,
        %get3A_219 = vector.shape_cast %get3A_218 : vector<1x16xf32> to vector<16xf32>
        %max3A_220 = arith.maximumf %get3A_213, %get3A_219 : vector<16xf32>
        %add3A_221 = arith.constant 2 : i32
        %add3A_222 = arith.addi %mul3A_98, %add3A_221 : i32
        %get3A_223 = arith.index_cast %add3A_222 : i32 to index
        %get3A_224 = arith.constant 16 : index
        %get3A_225 = tpu.vector_load %arg6[%get3A_223, %get3A_224] {strides = array<i32>} : memref<128x128xf32, #tpu.memory_space<vmem>>, vector<1x16xf32>,
        %get3A_226 = vector.shape_cast %get3A_225 : vector<1x16xf32> to vector<16xf32>
        %max3A_227 = arith.maximumf %max3A_220, %get3A_226 : vector<16xf32>
        %add3A_228 = arith.constant 3 : i32
        %add3A_229 = arith.addi %mul3A_98, %add3A_228 : i32
        %get3A_230 = arith.index_cast %add3A_229 : i32 to index
        %get3A_231 = arith.constant 16 : index
        %get3A_232 = tpu.vector_load %arg6[%get3A_230, %get3A_231] {strides = array<i32>} : memref<128x128xf32, #tpu.memory_space<vmem>>, vector<1x16xf32>,
        %get3A_233 = vector.shape_cast %get3A_232 : vector<1x16xf32> to vector<16xf32>
        %max3A_234 = arith.maximumf %max3A_227, %get3A_233 : vector<16xf32>
        %add3A_235 = arith.constant 4 : i32
        %add3A_236 = arith.addi %mul3A_98, %add3A_235 : i32
        %get3A_237 = arith.index_cast %add3A_236 : i32 to index
        %get3A_238 = arith.constant 16 : index
        %get3A_239 = tpu.vector_load %arg6[%get3A_237, %get3A_238] {strides = array<i32>} : memref<128x128xf32, #tpu.memory_space<vmem>>, vector<1x16xf32>,
        %get3A_240 = vector.shape_cast %get3A_239 : vector<1x16xf32> to vector<16xf32>
        %max3A_241 = arith.maximumf %max3A_234, %get3A_240 : vector<16xf32>
        %add3A_242 = arith.constant 5 : i32
        %add3A_243 = arith.addi %mul3A_98, %add3A_242 : i32
        %get3A_244 = arith.index_cast %add3A_243 : i32 to index
        %get3A_245 = arith.constant 16 : index
        %get3A_246 = tpu.vector_load %arg6[%get3A_244, %get3A_245] {strides = array<i32>} : memref<128x128xf32, #tpu.memory_space<vmem>>, vector<1x16xf32>,
        %get3A_247 = vector.shape_cast %get3A_246 : vector<1x16xf32> to vector<16xf32>
        %max3A_248 = arith.maximumf %max3A_241, %get3A_247 : vector<16xf32>
        %add3A_249 = arith.constant 6 : i32
        %add3A_250 = arith.addi %mul3A_98, %add3A_249 : i32
        %get3A_251 = arith.index_cast %add3A_250 : i32 to index
        %get3A_252 = arith.constant 16 : index
        %get3A_253 = tpu.vector_load %arg6[%get3A_251, %get3A_252] {strides = array<i32>} : memref<128x128xf32, #tpu.memory_space<vmem>>, vector<1x16xf32>,
        %get3A_254 = vector.shape_cast %get3A_253 : vector<1x16xf32> to vector<16xf32>
        %max3A_255 = arith.maximumf %max3A_248, %get3A_254 : vector<16xf32>
        %add3A_256 = arith.constant 7 : i32
        %add3A_257 = arith.addi %mul3A_98, %add3A_256 : i32
        %get3A_258 = arith.index_cast %add3A_257 : i32 to index
        %get3A_259 = arith.constant 16 : index
        %get3A_260 = tpu.vector_load %arg6[%get3A_258, %get3A_259] {strides = array<i32>} : memref<128x128xf32, #tpu.memory_space<vmem>>, vector<1x16xf32>,
        %get3A_261 = vector.shape_cast %get3A_260 : vector<1x16xf32> to vector<16xf32>
        %max3A_262 = arith.maximumf %max3A_255, %get3A_261 : vector<16xf32>
        %add3A_263 = arith.constant 8 : i32
        %add3A_264 = arith.addi %mul3A_98, %add3A_263 : i32
        %get3A_265 = arith.index_cast %add3A_264 : i32 to index
        %get3A_266 = arith.constant 16 : index
        %get3A_267 = tpu.vector_load %arg6[%get3A_265, %get3A_266] {strides = array<i32>} : memref<128x128xf32, #tpu.memory_space<vmem>>, vector<1x16xf32>,
        %get3A_268 = vector.shape_cast %get3A_267 : vector<1x16xf32> to vector<16xf32>
        %max3A_269 = arith.maximumf %max3A_262, %get3A_268 : vector<16xf32>
        %add3A_270 = arith.constant 9 : i32
        %add3A_271 = arith.addi %mul3A_98, %add3A_270 : i32
        %get3A_272 = arith.index_cast %add3A_271 : i32 to index
        %get3A_273 = arith.constant 16 : index
        %get3A_274 = tpu.vector_load %arg6[%get3A_272, %get3A_273] {strides = array<i32>} : memref<128x128xf32, #tpu.memory_space<vmem>>, vector<1x16xf32>,
        %get3A_275 = vector.shape_cast %get3A_274 : vector<1x16xf32> to vector<16xf32>
        %max3A_276 = arith.maximumf %max3A_269, %get3A_275 : vector<16xf32>
        %add3A_277 = arith.constant 10 : i32
        %add3A_278 = arith.addi %mul3A_98, %add3A_277 : i32
        %get3A_279 = arith.index_cast %add3A_278 : i32 to index
        %get3A_280 = arith.constant 16 : index
        %get3A_281 = tpu.vector_load %arg6[%get3A_279, %get3A_280] {strides = array<i32>} : memref<128x128xf32, #tpu.memory_space<vmem>>, vector<1x16xf32>,
        %get3A_282 = vector.shape_cast %get3A_281 : vector<1x16xf32> to vector<16xf32>
        %max3A_283 = arith.maximumf %max3A_276, %get3A_282 : vector<16xf32>
        %add3A_284 = arith.constant 11 : i32
        %add3A_285 = arith.addi %mul3A_98, %add3A_284 : i32
        %get3A_286 = arith.index_cast %add3A_285 : i32 to index
        %get3A_287 = arith.constant 16 : index
        %get3A_288 = tpu.vector_load %arg6[%get3A_286, %get3A_287] {strides = array<i32>} : memref<128x128xf32, #tpu.memory_space<vmem>>, vector<1x16xf32>,
        %get3A_289 = vector.shape_cast %get3A_288 : vector<1x16xf32> to vector<16xf32>
        %max3A_290 = arith.maximumf %max3A_283, %get3A_289 : vector<16xf32>
        %add3A_291 = arith.constant 12 : i32
        %add3A_292 = arith.addi %mul3A_98, %add3A_291 : i32
        %get3A_293 = arith.index_cast %add3A_292 : i32 to index
        %get3A_294 = arith.constant 16 : index
        %get3A_295 = tpu.vector_load %arg6[%get3A_293, %get3A_294] {strides = array<i32>} : memref<128x128xf32, #tpu.memory_space<vmem>>, vector<1x16xf32>,
        %get3A_296 = vector.shape_cast %get3A_295 : vector<1x16xf32> to vector<16xf32>
        %max3A_297 = arith.maximumf %max3A_290, %get3A_296 : vector<16xf32>
        %add3A_298 = arith.constant 13 : i32
        %add3A_299 = arith.addi %mul3A_98, %add3A_298 : i32
        %get3A_300 = arith.index_cast %add3A_299 : i32 to index
        %get3A_301 = arith.constant 16 : index
        %get3A_302 = tpu.vector_load %arg6[%get3A_300, %get3A_301] {strides = array<i32>} : memref<128x128xf32, #tpu.memory_space<vmem>>, vector<1x16xf32>,
        %get3A_303 = vector.shape_cast %get3A_302 : vector<1x16xf32> to vector<16xf32>
        %max3A_304 = arith.maximumf %max3A_297, %get3A_303 : vector<16xf32>
        %add3A_305 = arith.constant 14 : i32
        %add3A_306 = arith.addi %mul3A_98, %add3A_305 : i32
        %get3A_307 = arith.index_cast %add3A_306 : i32 to index
        %get3A_308 = arith.constant 16 : index
        %get3A_309 = tpu.vector_load %arg6[%get3A_307, %get3A_308] {strides = array<i32>} : memref<128x128xf32, #tpu.memory_space<vmem>>, vector<1x16xf32>,
        %get3A_310 = vector.shape_cast %get3A_309 : vector<1x16xf32> to vector<16xf32>
        %max3A_311 = arith.maximumf %max3A_304, %get3A_310 : vector<16xf32>
        %add3A_312 = arith.constant 15 : i32
        %add3A_313 = arith.addi %mul3A_98, %add3A_312 : i32
        %get3A_314 = arith.index_cast %add3A_313 : i32 to index
        %get3A_315 = arith.constant 16 : index
        %get3A_316 = tpu.vector_load %arg6[%get3A_314, %get3A_315] {strides = array<i32>} : memref<128x128xf32, #tpu.memory_space<vmem>>, vector<1x16xf32>,
        %get3A_317 = vector.shape_cast %get3A_316 : vector<1x16xf32> to vector<16xf32>
        %max3A_318 = arith.maximumf %max3A_311, %get3A_317 : vector<16xf32>
        %swap3A_319 = arith.index_cast %scan3A_95 : i32 to index
        %swap3A_320 = arith.constant 16 : index
        %swap3A_321 = tpu.vector_load %arg8[%swap3A_319, %swap3A_320] {strides = array<i32>} : memref<8x128xf32, #tpu.memory_space<vmem>>, vector<1x16xf32>,
        %swap3A_322 = vector.shape_cast %swap3A_321 : vector<1x16xf32> to vector<16xf32>
        %swap3A_323 = vector.shape_cast %max3A_318 : vector<16xf32> to vector<1x16xf32>
        tpu.vector_store %arg8[%swap3A_319, %swap3A_320], %swap3A_323 {strides = array<i32>} : memref<8x128xf32, #tpu.memory_space<vmem>>, vector<1x16xf32>,
        %get3A_324 = arith.index_cast %mul3A_98 : i32 to index
        %get3A_325 = arith.constant 32 : index
        %get3A_326 = tpu.vector_load %arg6[%get3A_324, %get3A_325] {strides = array<i32>} : memref<128x128xf32, #tpu.memory_space<vmem>>, vector<1x16xf32>,
        %get3A_327 = vector.shape_cast %get3A_326 : vector<1x16xf32> to vector<16xf32>
        %add3A_328 = arith.constant 1 : i32
        %add3A_329 = arith.addi %mul3A_98, %add3A_328 : i32
        %get3A_330 = arith.index_cast %add3A_329 : i32 to index
        %get3A_331 = arith.constant 32 : index
        %get3A_332 = tpu.vector_load %arg6[%get3A_330, %get3A_331] {strides = array<i32>} : memref<128x128xf32, #tpu.memory_space<vmem>>, vector<1x16xf32>,
        %get3A_333 = vector.shape_cast %get3A_332 : vector<1x16xf32> to vector<16xf32>
        %max3A_334 = arith.maximumf %get3A_327, %get3A_333 : vector<16xf32>
        %add3A_335 = arith.constant 2 : i32
        %add3A_336 = arith.addi %mul3A_98, %add3A_335 : i32
        %get3A_337 = arith.index_cast %add3A_336 : i32 to index
        %get3A_338 = arith.constant 32 : index
        %get3A_339 = tpu.vector_load %arg6[%get3A_337, %get3A_338] {strides = array<i32>} : memref<128x128xf32, #tpu.memory_space<vmem>>, vector<1x16xf32>,
        %get3A_340 = vector.shape_cast %get3A_339 : vector<1x16xf32> to vector<16xf32>
        %max3A_341 = arith.maximumf %max3A_334, %get3A_340 : vector<16xf32>
        %add3A_342 = arith.constant 3 : i32
        %add3A_343 = arith.addi %mul3A_98, %add3A_342 : i32
        %get3A_344 = arith.index_cast %add3A_343 : i32 to index
        %get3A_345 = arith.constant 32 : index
        %get3A_346 = tpu.vector_load %arg6[%get3A_344, %get3A_345] {strides = array<i32>} : memref<128x128xf32, #tpu.memory_space<vmem>>, vector<1x16xf32>,
        %get3A_347 = vector.shape_cast %get3A_346 : vector<1x16xf32> to vector<16xf32>
        %max3A_348 = arith.maximumf %max3A_341, %get3A_347 : vector<16xf32>
        %add3A_349 = arith.constant 4 : i32
        %add3A_350 = arith.addi %mul3A_98, %add3A_349 : i32
        %get3A_351 = arith.index_cast %add3A_350 : i32 to index
        %get3A_352 = arith.constant 32 : index
        %get3A_353 = tpu.vector_load %arg6[%get3A_351, %get3A_352] {strides = array<i32>} : memref<128x128xf32, #tpu.memory_space<vmem>>, vector<1x16xf32>,
        %get3A_354 = vector.shape_cast %get3A_353 : vector<1x16xf32> to vector<16xf32>
        %max3A_355 = arith.maximumf %max3A_348, %get3A_354 : vector<16xf32>
        %add3A_356 = arith.constant 5 : i32
        %add3A_357 = arith.addi %mul3A_98, %add3A_356 : i32
        %get3A_358 = arith.index_cast %add3A_357 : i32 to index
        %get3A_359 = arith.constant 32 : index
        %get3A_360 = tpu.vector_load %arg6[%get3A_358, %get3A_359] {strides = array<i32>} : memref<128x128xf32, #tpu.memory_space<vmem>>, vector<1x16xf32>,
        %get3A_361 = vector.shape_cast %get3A_360 : vector<1x16xf32> to vector<16xf32>
        %max3A_362 = arith.maximumf %max3A_355, %get3A_361 : vector<16xf32>
        %add3A_363 = arith.constant 6 : i32
        %add3A_364 = arith.addi %mul3A_98, %add3A_363 : i32
        %get3A_365 = arith.index_cast %add3A_364 : i32 to index
        %get3A_366 = arith.constant 32 : index
        %get3A_367 = tpu.vector_load %arg6[%get3A_365, %get3A_366] {strides = array<i32>} : memref<128x128xf32, #tpu.memory_space<vmem>>, vector<1x16xf32>,
        %get3A_368 = vector.shape_cast %get3A_367 : vector<1x16xf32> to vector<16xf32>
        %max3A_369 = arith.maximumf %max3A_362, %get3A_368 : vector<16xf32>
        %add3A_370 = arith.constant 7 : i32
        %add3A_371 = arith.addi %mul3A_98, %add3A_370 : i32
        %get3A_372 = arith.index_cast %add3A_371 : i32 to index
        %get3A_373 = arith.constant 32 : index
        %get3A_374 = tpu.vector_load %arg6[%get3A_372, %get3A_373] {strides = array<i32>} : memref<128x128xf32, #tpu.memory_space<vmem>>, vector<1x16xf32>,
        %get3A_375 = vector.shape_cast %get3A_374 : vector<1x16xf32> to vector<16xf32>
        %max3A_376 = arith.maximumf %max3A_369, %get3A_375 : vector<16xf32>
        %add3A_377 = arith.constant 8 : i32
        %add3A_378 = arith.addi %mul3A_98, %add3A_377 : i32
        %get3A_379 = arith.index_cast %add3A_378 : i32 to index
        %get3A_380 = arith.constant 32 : index
        %get3A_381 = tpu.vector_load %arg6[%get3A_379, %get3A_380] {strides = array<i32>} : memref<128x128xf32, #tpu.memory_space<vmem>>, vector<1x16xf32>,
        %get3A_382 = vector.shape_cast %get3A_381 : vector<1x16xf32> to vector<16xf32>
        %max3A_383 = arith.maximumf %max3A_376, %get3A_382 : vector<16xf32>
        %add3A_384 = arith.constant 9 : i32
        %add3A_385 = arith.addi %mul3A_98, %add3A_384 : i32
        %get3A_386 = arith.index_cast %add3A_385 : i32 to index
        %get3A_387 = arith.constant 32 : index
        %get3A_388 = tpu.vector_load %arg6[%get3A_386, %get3A_387] {strides = array<i32>} : memref<128x128xf32, #tpu.memory_space<vmem>>, vector<1x16xf32>,
        %get3A_389 = vector.shape_cast %get3A_388 : vector<1x16xf32> to vector<16xf32>
        %max3A_390 = arith.maximumf %max3A_383, %get3A_389 : vector<16xf32>
        %add3A_391 = arith.constant 10 : i32
        %add3A_392 = arith.addi %mul3A_98, %add3A_391 : i32
        %get3A_393 = arith.index_cast %add3A_392 : i32 to index
        %get3A_394 = arith.constant 32 : index
        %get3A_395 = tpu.vector_load %arg6[%get3A_393, %get3A_394] {strides = array<i32>} : memref<128x128xf32, #tpu.memory_space<vmem>>, vector<1x16xf32>,
        %get3A_396 = vector.shape_cast %get3A_395 : vector<1x16xf32> to vector<16xf32>
        %max3A_397 = arith.maximumf %max3A_390, %get3A_396 : vector<16xf32>
        %add3A_398 = arith.constant 11 : i32
        %add3A_399 = arith.addi %mul3A_98, %add3A_398 : i32
        %get3A_400 = arith.index_cast %add3A_399 : i32 to index
        %get3A_401 = arith.constant 32 : index
        %get3A_402 = tpu.vector_load %arg6[%get3A_400, %get3A_401] {strides = array<i32>} : memref<128x128xf32, #tpu.memory_space<vmem>>, vector<1x16xf32>,
        %get3A_403 = vector.shape_cast %get3A_402 : vector<1x16xf32> to vector<16xf32>
        %max3A_404 = arith.maximumf %max3A_397, %get3A_403 : vector<16xf32>
        %add3A_405 = arith.constant 12 : i32
        %add3A_406 = arith.addi %mul3A_98, %add3A_405 : i32
        %get3A_407 = arith.index_cast %add3A_406 : i32 to index
        %get3A_408 = arith.constant 32 : index
        %get3A_409 = tpu.vector_load %arg6[%get3A_407, %get3A_408] {strides = array<i32>} : memref<128x128xf32, #tpu.memory_space<vmem>>, vector<1x16xf32>,
        %get3A_410 = vector.shape_cast %get3A_409 : vector<1x16xf32> to vector<16xf32>
        %max3A_411 = arith.maximumf %max3A_404, %get3A_410 : vector<16xf32>
        %add3A_412 = arith.constant 13 : i32
        %add3A_413 = arith.addi %mul3A_98, %add3A_412 : i32
        %get3A_414 = arith.index_cast %add3A_413 : i32 to index
        %get3A_415 = arith.constant 32 : index
        %get3A_416 = tpu.vector_load %arg6[%get3A_414, %get3A_415] {strides = array<i32>} : memref<128x128xf32, #tpu.memory_space<vmem>>, vector<1x16xf32>,
        %get3A_417 = vector.shape_cast %get3A_416 : vector<1x16xf32> to vector<16xf32>
        %max3A_418 = arith.maximumf %max3A_411, %get3A_417 : vector<16xf32>
        %add3A_419 = arith.constant 14 : i32
        %add3A_420 = arith.addi %mul3A_98, %add3A_419 : i32
        %get3A_421 = arith.index_cast %add3A_420 : i32 to index
        %get3A_422 = arith.constant 32 : index
        %get3A_423 = tpu.vector_load %arg6[%get3A_421, %get3A_422] {strides = array<i32>} : memref<128x128xf32, #tpu.memory_space<vmem>>, vector<1x16xf32>,
        %get3A_424 = vector.shape_cast %get3A_423 : vector<1x16xf32> to vector<16xf32>
        %max3A_425 = arith.maximumf %max3A_418, %get3A_424 : vector<16xf32>
        %add3A_426 = arith.constant 15 : i32
        %add3A_427 = arith.addi %mul3A_98, %add3A_426 : i32
        %get3A_428 = arith.index_cast %add3A_427 : i32 to index
        %get3A_429 = arith.constant 32 : index
        %get3A_430 = tpu.vector_load %arg6[%get3A_428, %get3A_429] {strides = array<i32>} : memref<128x128xf32, #tpu.memory_space<vmem>>, vector<1x16xf32>,
        %get3A_431 = vector.shape_cast %get3A_430 : vector<1x16xf32> to vector<16xf32>
        %max3A_432 = arith.maximumf %max3A_425, %get3A_431 : vector<16xf32>
        %swap3A_433 = arith.index_cast %scan3A_95 : i32 to index
        %swap3A_434 = arith.constant 32 : index
        %swap3A_435 = tpu.vector_load %arg8[%swap3A_433, %swap3A_434] {strides = array<i32>} : memref<8x128xf32, #tpu.memory_space<vmem>>, vector<1x16xf32>,
        %swap3A_436 = vector.shape_cast %swap3A_435 : vector<1x16xf32> to vector<16xf32>
        %swap3A_437 = vector.shape_cast %max3A_432 : vector<16xf32> to vector<1x16xf32>
        tpu.vector_store %arg8[%swap3A_433, %swap3A_434], %swap3A_437 {strides = array<i32>} : memref<8x128xf32, #tpu.memory_space<vmem>>, vector<1x16xf32>,
        %get3A_438 = arith.index_cast %mul3A_98 : i32 to index
        %get3A_439 = arith.constant 48 : index
        %get3A_440 = tpu.vector_load %arg6[%get3A_438, %get3A_439] {strides = array<i32>} : memref<128x128xf32, #tpu.memory_space<vmem>>, vector<1x16xf32>,
        %get3A_441 = vector.shape_cast %get3A_440 : vector<1x16xf32> to vector<16xf32>
        %add3A_442 = arith.constant 1 : i32
        %add3A_443 = arith.addi %mul3A_98, %add3A_442 : i32
        %get3A_444 = arith.index_cast %add3A_443 : i32 to index
        %get3A_445 = arith.constant 48 : index
        %get3A_446 = tpu.vector_load %arg6[%get3A_444, %get3A_445] {strides = array<i32>} : memref<128x128xf32, #tpu.memory_space<vmem>>, vector<1x16xf32>,
        %get3A_447 = vector.shape_cast %get3A_446 : vector<1x16xf32> to vector<16xf32>
        %max3A_448 = arith.maximumf %get3A_441, %get3A_447 : vector<16xf32>
        %add3A_449 = arith.constant 2 : i32
        %add3A_450 = arith.addi %mul3A_98, %add3A_449 : i32
        %get3A_451 = arith.index_cast %add3A_450 : i32 to index
        %get3A_452 = arith.constant 48 : index
        %get3A_453 = tpu.vector_load %arg6[%get3A_451, %get3A_452] {strides = array<i32>} : memref<128x128xf32, #tpu.memory_space<vmem>>, vector<1x16xf32>,
        %get3A_454 = vector.shape_cast %get3A_453 : vector<1x16xf32> to vector<16xf32>
        %max3A_455 = arith.maximumf %max3A_448, %get3A_454 : vector<16xf32>
        %add3A_456 = arith.constant 3 : i32
        %add3A_457 = arith.addi %mul3A_98, %add3A_456 : i32
        %get3A_458 = arith.index_cast %add3A_457 : i32 to index
        %get3A_459 = arith.constant 48 : index
        %get3A_460 = tpu.vector_load %arg6[%get3A_458, %get3A_459] {strides = array<i32>} : memref<128x128xf32, #tpu.memory_space<vmem>>, vector<1x16xf32>,
        %get3A_461 = vector.shape_cast %get3A_460 : vector<1x16xf32> to vector<16xf32>
        %max3A_462 = arith.maximumf %max3A_455, %get3A_461 : vector<16xf32>
        %add3A_463 = arith.constant 4 : i32
        %add3A_464 = arith.addi %mul3A_98, %add3A_463 : i32
        %get3A_465 = arith.index_cast %add3A_464 : i32 to index
        %get3A_466 = arith.constant 48 : index
        %get3A_467 = tpu.vector_load %arg6[%get3A_465, %get3A_466] {strides = array<i32>} : memref<128x128xf32, #tpu.memory_space<vmem>>, vector<1x16xf32>,
        %get3A_468 = vector.shape_cast %get3A_467 : vector<1x16xf32> to vector<16xf32>
        %max3A_469 = arith.maximumf %max3A_462, %get3A_468 : vector<16xf32>
        %add3A_470 = arith.constant 5 : i32
        %add3A_471 = arith.addi %mul3A_98, %add3A_470 : i32
        %get3A_472 = arith.index_cast %add3A_471 : i32 to index
        %get3A_473 = arith.constant 48 : index
        %get3A_474 = tpu.vector_load %arg6[%get3A_472, %get3A_473] {strides = array<i32>} : memref<128x128xf32, #tpu.memory_space<vmem>>, vector<1x16xf32>,
        %get3A_475 = vector.shape_cast %get3A_474 : vector<1x16xf32> to vector<16xf32>
        %max3A_476 = arith.maximumf %max3A_469, %get3A_475 : vector<16xf32>
        %add3A_477 = arith.constant 6 : i32
        %add3A_478 = arith.addi %mul3A_98, %add3A_477 : i32
        %get3A_479 = arith.index_cast %add3A_478 : i32 to index
        %get3A_480 = arith.constant 48 : index
        %get3A_481 = tpu.vector_load %arg6[%get3A_479, %get3A_480] {strides = array<i32>} : memref<128x128xf32, #tpu.memory_space<vmem>>, vector<1x16xf32>,
        %get3A_482 = vector.shape_cast %get3A_481 : vector<1x16xf32> to vector<16xf32>
        %max3A_483 = arith.maximumf %max3A_476, %get3A_482 : vector<16xf32>
        %add3A_484 = arith.constant 7 : i32
        %add3A_485 = arith.addi %mul3A_98, %add3A_484 : i32
        %get3A_486 = arith.index_cast %add3A_485 : i32 to index
        %get3A_487 = arith.constant 48 : index
        %get3A_488 = tpu.vector_load %arg6[%get3A_486, %get3A_487] {strides = array<i32>} : memref<128x128xf32, #tpu.memory_space<vmem>>, vector<1x16xf32>,
        %get3A_489 = vector.shape_cast %get3A_488 : vector<1x16xf32> to vector<16xf32>
        %max3A_490 = arith.maximumf %max3A_483, %get3A_489 : vector<16xf32>
        %add3A_491 = arith.constant 8 : i32
        %add3A_492 = arith.addi %mul3A_98, %add3A_491 : i32
        %get3A_493 = arith.index_cast %add3A_492 : i32 to index
        %get3A_494 = arith.constant 48 : index
        %get3A_495 = tpu.vector_load %arg6[%get3A_493, %get3A_494] {strides = array<i32>} : memref<128x128xf32, #tpu.memory_space<vmem>>, vector<1x16xf32>,
        %get3A_496 = vector.shape_cast %get3A_495 : vector<1x16xf32> to vector<16xf32>
        %max3A_497 = arith.maximumf %max3A_490, %get3A_496 : vector<16xf32>
        %add3A_498 = arith.constant 9 : i32
        %add3A_499 = arith.addi %mul3A_98, %add3A_498 : i32
        %get3A_500 = arith.index_cast %add3A_499 : i32 to index
        %get3A_501 = arith.constant 48 : index
        %get3A_502 = tpu.vector_load %arg6[%get3A_500, %get3A_501] {strides = array<i32>} : memref<128x128xf32, #tpu.memory_space<vmem>>, vector<1x16xf32>,
        %get3A_503 = vector.shape_cast %get3A_502 : vector<1x16xf32> to vector<16xf32>
        %max3A_504 = arith.maximumf %max3A_497, %get3A_503 : vector<16xf32>
        %add3A_505 = arith.constant 10 : i32
        %add3A_506 = arith.addi %mul3A_98, %add3A_505 : i32
        %get3A_507 = arith.index_cast %add3A_506 : i32 to index
        %get3A_508 = arith.constant 48 : index
        %get3A_509 = tpu.vector_load %arg6[%get3A_507, %get3A_508] {strides = array<i32>} : memref<128x128xf32, #tpu.memory_space<vmem>>, vector<1x16xf32>,
        %get3A_510 = vector.shape_cast %get3A_509 : vector<1x16xf32> to vector<16xf32>
        %max3A_511 = arith.maximumf %max3A_504, %get3A_510 : vector<16xf32>
        %add3A_512 = arith.constant 11 : i32
        %add3A_513 = arith.addi %mul3A_98, %add3A_512 : i32
        %get3A_514 = arith.index_cast %add3A_513 : i32 to index
        %get3A_515 = arith.constant 48 : index
        %get3A_516 = tpu.vector_load %arg6[%get3A_514, %get3A_515] {strides = array<i32>} : memref<128x128xf32, #tpu.memory_space<vmem>>, vector<1x16xf32>,
        %get3A_517 = vector.shape_cast %get3A_516 : vector<1x16xf32> to vector<16xf32>
        %max3A_518 = arith.maximumf %max3A_511, %get3A_517 : vector<16xf32>
        %add3A_519 = arith.constant 12 : i32
        %add3A_520 = arith.addi %mul3A_98, %add3A_519 : i32
        %get3A_521 = arith.index_cast %add3A_520 : i32 to index
        %get3A_522 = arith.constant 48 : index
        %get3A_523 = tpu.vector_load %arg6[%get3A_521, %get3A_522] {strides = array<i32>} : memref<128x128xf32, #tpu.memory_space<vmem>>, vector<1x16xf32>,
        %get3A_524 = vector.shape_cast %get3A_523 : vector<1x16xf32> to vector<16xf32>
        %max3A_525 = arith.maximumf %max3A_518, %get3A_524 : vector<16xf32>
        %add3A_526 = arith.constant 13 : i32
        %add3A_527 = arith.addi %mul3A_98, %add3A_526 : i32
        %get3A_528 = arith.index_cast %add3A_527 : i32 to index
        %get3A_529 = arith.constant 48 : index
        %get3A_530 = tpu.vector_load %arg6[%get3A_528, %get3A_529] {strides = array<i32>} : memref<128x128xf32, #tpu.memory_space<vmem>>, vector<1x16xf32>,
        %get3A_531 = vector.shape_cast %get3A_530 : vector<1x16xf32> to vector<16xf32>
        %max3A_532 = arith.maximumf %max3A_525, %get3A_531 : vector<16xf32>
        %add3A_533 = arith.constant 14 : i32
        %add3A_534 = arith.addi %mul3A_98, %add3A_533 : i32
        %get3A_535 = arith.index_cast %add3A_534 : i32 to index
        %get3A_536 = arith.constant 48 : index
        %get3A_537 = tpu.vector_load %arg6[%get3A_535, %get3A_536] {strides = array<i32>} : memref<128x128xf32, #tpu.memory_space<vmem>>, vector<1x16xf32>,
        %get3A_538 = vector.shape_cast %get3A_537 : vector<1x16xf32> to vector<16xf32>
        %max3A_539 = arith.maximumf %max3A_532, %get3A_538 : vector<16xf32>
        %add3A_540 = arith.constant 15 : i32
        %add3A_541 = arith.addi %mul3A_98, %add3A_540 : i32
        %get3A_542 = arith.index_cast %add3A_541 : i32 to index
        %get3A_543 = arith.constant 48 : index
        %get3A_544 = tpu.vector_load %arg6[%get3A_542, %get3A_543] {strides = array<i32>} : memref<128x128xf32, #tpu.memory_space<vmem>>, vector<1x16xf32>,
        %get3A_545 = vector.shape_cast %get3A_544 : vector<1x16xf32> to vector<16xf32>
        %max3A_546 = arith.maximumf %max3A_539, %get3A_545 : vector<16xf32>
        %swap3A_547 = arith.index_cast %scan3A_95 : i32 to index
        %swap3A_548 = arith.constant 48 : index
        %swap3A_549 = tpu.vector_load %arg8[%swap3A_547, %swap3A_548] {strides = array<i32>} : memref<8x128xf32, #tpu.memory_space<vmem>>, vector<1x16xf32>,
        %swap3A_550 = vector.shape_cast %swap3A_549 : vector<1x16xf32> to vector<16xf32>
        %swap3A_551 = vector.shape_cast %max3A_546 : vector<16xf32> to vector<1x16xf32>
        tpu.vector_store %arg8[%swap3A_547, %swap3A_548], %swap3A_551 {strides = array<i32>} : memref<8x128xf32, #tpu.memory_space<vmem>>, vector<1x16xf32>,
        %get3A_552 = arith.index_cast %mul3A_98 : i32 to index
        %get3A_553 = arith.constant 64 : index
        %get3A_554 = tpu.vector_load %arg6[%get3A_552, %get3A_553] {strides = array<i32>} : memref<128x128xf32, #tpu.memory_space<vmem>>, vector<1x16xf32>,
        %get3A_555 = vector.shape_cast %get3A_554 : vector<1x16xf32> to vector<16xf32>
        %add3A_556 = arith.constant 1 : i32
        %add3A_557 = arith.addi %mul3A_98, %add3A_556 : i32
        %get3A_558 = arith.index_cast %add3A_557 : i32 to index
        %get3A_559 = arith.constant 64 : index
        %get3A_560 = tpu.vector_load %arg6[%get3A_558, %get3A_559] {strides = array<i32>} : memref<128x128xf32, #tpu.memory_space<vmem>>, vector<1x16xf32>,
        %get3A_561 = vector.shape_cast %get3A_560 : vector<1x16xf32> to vector<16xf32>
        %max3A_562 = arith.maximumf %get3A_555, %get3A_561 : vector<16xf32>
        %add3A_563 = arith.constant 2 : i32
        %add3A_564 = arith.addi %mul3A_98, %add3A_563 : i32
        %get3A_565 = arith.index_cast %add3A_564 : i32 to index
        %get3A_566 = arith.constant 64 : index
        %get3A_567 = tpu.vector_load %arg6[%get3A_565, %get3A_566] {strides = array<i32>} : memref<128x128xf32, #tpu.memory_space<vmem>>, vector<1x16xf32>,
        %get3A_568 = vector.shape_cast %get3A_567 : vector<1x16xf32> to vector<16xf32>
        %max3A_569 = arith.maximumf %max3A_562, %get3A_568 : vector<16xf32>
        %add3A_570 = arith.constant 3 : i32
        %add3A_571 = arith.addi %mul3A_98, %add3A_570 : i32
        %get3A_572 = arith.index_cast %add3A_571 : i32 to index
        %get3A_573 = arith.constant 64 : index
        %get3A_574 = tpu.vector_load %arg6[%get3A_572, %get3A_573] {strides = array<i32>} : memref<128x128xf32, #tpu.memory_space<vmem>>, vector<1x16xf32>,
        %get3A_575 = vector.shape_cast %get3A_574 : vector<1x16xf32> to vector<16xf32>
        %max3A_576 = arith.maximumf %max3A_569, %get3A_575 : vector<16xf32>
        %add3A_577 = arith.constant 4 : i32
        %add3A_578 = arith.addi %mul3A_98, %add3A_577 : i32
        %get3A_579 = arith.index_cast %add3A_578 : i32 to index
        %get3A_580 = arith.constant 64 : index
        %get3A_581 = tpu.vector_load %arg6[%get3A_579, %get3A_580] {strides = array<i32>} : memref<128x128xf32, #tpu.memory_space<vmem>>, vector<1x16xf32>,
        %get3A_582 = vector.shape_cast %get3A_581 : vector<1x16xf32> to vector<16xf32>
        %max3A_583 = arith.maximumf %max3A_576, %get3A_582 : vector<16xf32>
        %add3A_584 = arith.constant 5 : i32
        %add3A_585 = arith.addi %mul3A_98, %add3A_584 : i32
        %get3A_586 = arith.index_cast %add3A_585 : i32 to index
        %get3A_587 = arith.constant 64 : index
        %get3A_588 = tpu.vector_load %arg6[%get3A_586, %get3A_587] {strides = array<i32>} : memref<128x128xf32, #tpu.memory_space<vmem>>, vector<1x16xf32>,
        %get3A_589 = vector.shape_cast %get3A_588 : vector<1x16xf32> to vector<16xf32>
        %max3A_590 = arith.maximumf %max3A_583, %get3A_589 : vector<16xf32>
        %add3A_591 = arith.constant 6 : i32
        %add3A_592 = arith.addi %mul3A_98, %add3A_591 : i32
        %get3A_593 = arith.index_cast %add3A_592 : i32 to index
        %get3A_594 = arith.constant 64 : index
        %get3A_595 = tpu.vector_load %arg6[%get3A_593, %get3A_594] {strides = array<i32>} : memref<128x128xf32, #tpu.memory_space<vmem>>, vector<1x16xf32>,
        %get3A_596 = vector.shape_cast %get3A_595 : vector<1x16xf32> to vector<16xf32>
        %max3A_597 = arith.maximumf %max3A_590, %get3A_596 : vector<16xf32>
        %add3A_598 = arith.constant 7 : i32
        %add3A_599 = arith.addi %mul3A_98, %add3A_598 : i32
        %get3A_600 = arith.index_cast %add3A_599 : i32 to index
        %get3A_601 = arith.constant 64 : index
        %get3A_602 = tpu.vector_load %arg6[%get3A_600, %get3A_601] {strides = array<i32>} : memref<128x128xf32, #tpu.memory_space<vmem>>, vector<1x16xf32>,
        %get3A_603 = vector.shape_cast %get3A_602 : vector<1x16xf32> to vector<16xf32>
        %max3A_604 = arith.maximumf %max3A_597, %get3A_603 : vector<16xf32>
        %add3A_605 = arith.constant 8 : i32
        %add3A_606 = arith.addi %mul3A_98, %add3A_605 : i32
        %get3A_607 = arith.index_cast %add3A_606 : i32 to index
        %get3A_608 = arith.constant 64 : index
        %get3A_609 = tpu.vector_load %arg6[%get3A_607, %get3A_608] {strides = array<i32>} : memref<128x128xf32, #tpu.memory_space<vmem>>, vector<1x16xf32>,
        %get3A_610 = vector.shape_cast %get3A_609 : vector<1x16xf32> to vector<16xf32>
        %max3A_611 = arith.maximumf %max3A_604, %get3A_610 : vector<16xf32>
        %add3A_612 = arith.constant 9 : i32
        %add3A_613 = arith.addi %mul3A_98, %add3A_612 : i32
        %get3A_614 = arith.index_cast %add3A_613 : i32 to index
        %get3A_615 = arith.constant 64 : index
        %get3A_616 = tpu.vector_load %arg6[%get3A_614, %get3A_615] {strides = array<i32>} : memref<128x128xf32, #tpu.memory_space<vmem>>, vector<1x16xf32>,
        %get3A_617 = vector.shape_cast %get3A_616 : vector<1x16xf32> to vector<16xf32>
        %max3A_618 = arith.maximumf %max3A_611, %get3A_617 : vector<16xf32>
        %add3A_619 = arith.constant 10 : i32
        %add3A_620 = arith.addi %mul3A_98, %add3A_619 : i32
        %get3A_621 = arith.index_cast %add3A_620 : i32 to index
        %get3A_622 = arith.constant 64 : index
        %get3A_623 = tpu.vector_load %arg6[%get3A_621, %get3A_622] {strides = array<i32>} : memref<128x128xf32, #tpu.memory_space<vmem>>, vector<1x16xf32>,
        %get3A_624 = vector.shape_cast %get3A_623 : vector<1x16xf32> to vector<16xf32>
        %max3A_625 = arith.maximumf %max3A_618, %get3A_624 : vector<16xf32>
        %add3A_626 = arith.constant 11 : i32
        %add3A_627 = arith.addi %mul3A_98, %add3A_626 : i32
        %get3A_628 = arith.index_cast %add3A_627 : i32 to index
        %get3A_629 = arith.constant 64 : index
        %get3A_630 = tpu.vector_load %arg6[%get3A_628, %get3A_629] {strides = array<i32>} : memref<128x128xf32, #tpu.memory_space<vmem>>, vector<1x16xf32>,
        %get3A_631 = vector.shape_cast %get3A_630 : vector<1x16xf32> to vector<16xf32>
        %max3A_632 = arith.maximumf %max3A_625, %get3A_631 : vector<16xf32>
        %add3A_633 = arith.constant 12 : i32
        %add3A_634 = arith.addi %mul3A_98, %add3A_633 : i32
        %get3A_635 = arith.index_cast %add3A_634 : i32 to index
        %get3A_636 = arith.constant 64 : index
        %get3A_637 = tpu.vector_load %arg6[%get3A_635, %get3A_636] {strides = array<i32>} : memref<128x128xf32, #tpu.memory_space<vmem>>, vector<1x16xf32>,
        %get3A_638 = vector.shape_cast %get3A_637 : vector<1x16xf32> to vector<16xf32>
        %max3A_639 = arith.maximumf %max3A_632, %get3A_638 : vector<16xf32>
        %add3A_640 = arith.constant 13 : i32
        %add3A_641 = arith.addi %mul3A_98, %add3A_640 : i32
        %get3A_642 = arith.index_cast %add3A_641 : i32 to index
        %get3A_643 = arith.constant 64 : index
        %get3A_644 = tpu.vector_load %arg6[%get3A_642, %get3A_643] {strides = array<i32>} : memref<128x128xf32, #tpu.memory_space<vmem>>, vector<1x16xf32>,
        %get3A_645 = vector.shape_cast %get3A_644 : vector<1x16xf32> to vector<16xf32>
        %max3A_646 = arith.maximumf %max3A_639, %get3A_645 : vector<16xf32>
        %add3A_647 = arith.constant 14 : i32
        %add3A_648 = arith.addi %mul3A_98, %add3A_647 : i32
        %get3A_649 = arith.index_cast %add3A_648 : i32 to index
        %get3A_650 = arith.constant 64 : index
        %get3A_651 = tpu.vector_load %arg6[%get3A_649, %get3A_650] {strides = array<i32>} : memref<128x128xf32, #tpu.memory_space<vmem>>, vector<1x16xf32>,
        %get3A_652 = vector.shape_cast %get3A_651 : vector<1x16xf32> to vector<16xf32>
        %max3A_653 = arith.maximumf %max3A_646, %get3A_652 : vector<16xf32>
        %add3A_654 = arith.constant 15 : i32
        %add3A_655 = arith.addi %mul3A_98, %add3A_654 : i32
        %get3A_656 = arith.index_cast %add3A_655 : i32 to index
        %get3A_657 = arith.constant 64 : index
        %get3A_658 = tpu.vector_load %arg6[%get3A_656, %get3A_657] {strides = array<i32>} : memref<128x128xf32, #tpu.memory_space<vmem>>, vector<1x16xf32>,
        %get3A_659 = vector.shape_cast %get3A_658 : vector<1x16xf32> to vector<16xf32>
        %max3A_660 = arith.maximumf %max3A_653, %get3A_659 : vector<16xf32>
        %swap3A_661 = arith.index_cast %scan3A_95 : i32 to index
        %swap3A_662 = arith.constant 64 : index
        %swap3A_663 = tpu.vector_load %arg8[%swap3A_661, %swap3A_662] {strides = array<i32>} : memref<8x128xf32, #tpu.memory_space<vmem>>, vector<1x16xf32>,
        %swap3A_664 = vector.shape_cast %swap3A_663 : vector<1x16xf32> to vector<16xf32>
        %swap3A_665 = vector.shape_cast %max3A_660 : vector<16xf32> to vector<1x16xf32>
        tpu.vector_store %arg8[%swap3A_661, %swap3A_662], %swap3A_665 {strides = array<i32>} : memref<8x128xf32, #tpu.memory_space<vmem>>, vector<1x16xf32>,
        %get3A_666 = arith.index_cast %mul3A_98 : i32 to index
        %get3A_667 = arith.constant 80 : index
        %get3A_668 = tpu.vector_load %arg6[%get3A_666, %get3A_667] {strides = array<i32>} : memref<128x128xf32, #tpu.memory_space<vmem>>, vector<1x16xf32>,
        %get3A_669 = vector.shape_cast %get3A_668 : vector<1x16xf32> to vector<16xf32>
        %add3A_670 = arith.constant 1 : i32
        %add3A_671 = arith.addi %mul3A_98, %add3A_670 : i32
        %get3A_672 = arith.index_cast %add3A_671 : i32 to index
        %get3A_673 = arith.constant 80 : index
        %get3A_674 = tpu.vector_load %arg6[%get3A_672, %get3A_673] {strides = array<i32>} : memref<128x128xf32, #tpu.memory_space<vmem>>, vector<1x16xf32>,
        %get3A_675 = vector.shape_cast %get3A_674 : vector<1x16xf32> to vector<16xf32>
        %max3A_676 = arith.maximumf %get3A_669, %get3A_675 : vector<16xf32>
        %add3A_677 = arith.constant 2 : i32
        %add3A_678 = arith.addi %mul3A_98, %add3A_677 : i32
        %get3A_679 = arith.index_cast %add3A_678 : i32 to index
        %get3A_680 = arith.constant 80 : index
        %get3A_681 = tpu.vector_load %arg6[%get3A_679, %get3A_680] {strides = array<i32>} : memref<128x128xf32, #tpu.memory_space<vmem>>, vector<1x16xf32>,
        %get3A_682 = vector.shape_cast %get3A_681 : vector<1x16xf32> to vector<16xf32>
        %max3A_683 = arith.maximumf %max3A_676, %get3A_682 : vector<16xf32>
        %add3A_684 = arith.constant 3 : i32
        %add3A_685 = arith.addi %mul3A_98, %add3A_684 : i32
        %get3A_686 = arith.index_cast %add3A_685 : i32 to index
        %get3A_687 = arith.constant 80 : index
        %get3A_688 = tpu.vector_load %arg6[%get3A_686, %get3A_687] {strides = array<i32>} : memref<128x128xf32, #tpu.memory_space<vmem>>, vector<1x16xf32>,
        %get3A_689 = vector.shape_cast %get3A_688 : vector<1x16xf32> to vector<16xf32>
        %max3A_690 = arith.maximumf %max3A_683, %get3A_689 : vector<16xf32>
        %add3A_691 = arith.constant 4 : i32
        %add3A_692 = arith.addi %mul3A_98, %add3A_691 : i32
        %get3A_693 = arith.index_cast %add3A_692 : i32 to index
        %get3A_694 = arith.constant 80 : index
        %get3A_695 = tpu.vector_load %arg6[%get3A_693, %get3A_694] {strides = array<i32>} : memref<128x128xf32, #tpu.memory_space<vmem>>, vector<1x16xf32>,
        %get3A_696 = vector.shape_cast %get3A_695 : vector<1x16xf32> to vector<16xf32>
        %max3A_697 = arith.maximumf %max3A_690, %get3A_696 : vector<16xf32>
        %add3A_698 = arith.constant 5 : i32
        %add3A_699 = arith.addi %mul3A_98, %add3A_698 : i32
        %get3A_700 = arith.index_cast %add3A_699 : i32 to index
        %get3A_701 = arith.constant 80 : index
        %get3A_702 = tpu.vector_load %arg6[%get3A_700, %get3A_701] {strides = array<i32>} : memref<128x128xf32, #tpu.memory_space<vmem>>, vector<1x16xf32>,
        %get3A_703 = vector.shape_cast %get3A_702 : vector<1x16xf32> to vector<16xf32>
        %max3A_704 = arith.maximumf %max3A_697, %get3A_703 : vector<16xf32>
        %add3A_705 = arith.constant 6 : i32
        %add3A_706 = arith.addi %mul3A_98, %add3A_705 : i32
        %get3A_707 = arith.index_cast %add3A_706 : i32 to index
        %get3A_708 = arith.constant 80 : index
        %get3A_709 = tpu.vector_load %arg6[%get3A_707, %get3A_708] {strides = array<i32>} : memref<128x128xf32, #tpu.memory_space<vmem>>, vector<1x16xf32>,
        %get3A_710 = vector.shape_cast %get3A_709 : vector<1x16xf32> to vector<16xf32>
        %max3A_711 = arith.maximumf %max3A_704, %get3A_710 : vector<16xf32>
        %add3A_712 = arith.constant 7 : i32
        %add3A_713 = arith.addi %mul3A_98, %add3A_712 : i32
        %get3A_714 = arith.index_cast %add3A_713 : i32 to index
        %get3A_715 = arith.constant 80 : index
        %get3A_716 = tpu.vector_load %arg6[%get3A_714, %get3A_715] {strides = array<i32>} : memref<128x128xf32, #tpu.memory_space<vmem>>, vector<1x16xf32>,
        %get3A_717 = vector.shape_cast %get3A_716 : vector<1x16xf32> to vector<16xf32>
        %max3A_718 = arith.maximumf %max3A_711, %get3A_717 : vector<16xf32>
        %add3A_719 = arith.constant 8 : i32
        %add3A_720 = arith.addi %mul3A_98, %add3A_719 : i32
        %get3A_721 = arith.index_cast %add3A_720 : i32 to index
        %get3A_722 = arith.constant 80 : index
        %get3A_723 = tpu.vector_load %arg6[%get3A_721, %get3A_722] {strides = array<i32>} : memref<128x128xf32, #tpu.memory_space<vmem>>, vector<1x16xf32>,
        %get3A_724 = vector.shape_cast %get3A_723 : vector<1x16xf32> to vector<16xf32>
        %max3A_725 = arith.maximumf %max3A_718, %get3A_724 : vector<16xf32>
        %add3A_726 = arith.constant 9 : i32
        %add3A_727 = arith.addi %mul3A_98, %add3A_726 : i32
        %get3A_728 = arith.index_cast %add3A_727 : i32 to index
        %get3A_729 = arith.constant 80 : index
        %get3A_730 = tpu.vector_load %arg6[%get3A_728, %get3A_729] {strides = array<i32>} : memref<128x128xf32, #tpu.memory_space<vmem>>, vector<1x16xf32>,
        %get3A_731 = vector.shape_cast %get3A_730 : vector<1x16xf32> to vector<16xf32>
        %max3A_732 = arith.maximumf %max3A_725, %get3A_731 : vector<16xf32>
        %add3A_733 = arith.constant 10 : i32
        %add3A_734 = arith.addi %mul3A_98, %add3A_733 : i32
        %get3A_735 = arith.index_cast %add3A_734 : i32 to index
        %get3A_736 = arith.constant 80 : index
        %get3A_737 = tpu.vector_load %arg6[%get3A_735, %get3A_736] {strides = array<i32>} : memref<128x128xf32, #tpu.memory_space<vmem>>, vector<1x16xf32>,
        %get3A_738 = vector.shape_cast %get3A_737 : vector<1x16xf32> to vector<16xf32>
        %max3A_739 = arith.maximumf %max3A_732, %get3A_738 : vector<16xf32>
        %add3A_740 = arith.constant 11 : i32
        %add3A_741 = arith.addi %mul3A_98, %add3A_740 : i32
        %get3A_742 = arith.index_cast %add3A_741 : i32 to index
        %get3A_743 = arith.constant 80 : index
        %get3A_744 = tpu.vector_load %arg6[%get3A_742, %get3A_743] {strides = array<i32>} : memref<128x128xf32, #tpu.memory_space<vmem>>, vector<1x16xf32>,
        %get3A_745 = vector.shape_cast %get3A_744 : vector<1x16xf32> to vector<16xf32>
        %max3A_746 = arith.maximumf %max3A_739, %get3A_745 : vector<16xf32>
        %add3A_747 = arith.constant 12 : i32
        %add3A_748 = arith.addi %mul3A_98, %add3A_747 : i32
        %get3A_749 = arith.index_cast %add3A_748 : i32 to index
        %get3A_750 = arith.constant 80 : index
        %get3A_751 = tpu.vector_load %arg6[%get3A_749, %get3A_750] {strides = array<i32>} : memref<128x128xf32, #tpu.memory_space<vmem>>, vector<1x16xf32>,
        %get3A_752 = vector.shape_cast %get3A_751 : vector<1x16xf32> to vector<16xf32>
        %max3A_753 = arith.maximumf %max3A_746, %get3A_752 : vector<16xf32>
        %add3A_754 = arith.constant 13 : i32
        %add3A_755 = arith.addi %mul3A_98, %add3A_754 : i32
        %get3A_756 = arith.index_cast %add3A_755 : i32 to index
        %get3A_757 = arith.constant 80 : index
        %get3A_758 = tpu.vector_load %arg6[%get3A_756, %get3A_757] {strides = array<i32>} : memref<128x128xf32, #tpu.memory_space<vmem>>, vector<1x16xf32>,
        %get3A_759 = vector.shape_cast %get3A_758 : vector<1x16xf32> to vector<16xf32>
        %max3A_760 = arith.maximumf %max3A_753, %get3A_759 : vector<16xf32>
        %add3A_761 = arith.constant 14 : i32
        %add3A_762 = arith.addi %mul3A_98, %add3A_761 : i32
        %get3A_763 = arith.index_cast %add3A_762 : i32 to index
        %get3A_764 = arith.constant 80 : index
        %get3A_765 = tpu.vector_load %arg6[%get3A_763, %get3A_764] {strides = array<i32>} : memref<128x128xf32, #tpu.memory_space<vmem>>, vector<1x16xf32>,
        %get3A_766 = vector.shape_cast %get3A_765 : vector<1x16xf32> to vector<16xf32>
        %max3A_767 = arith.maximumf %max3A_760, %get3A_766 : vector<16xf32>
        %add3A_768 = arith.constant 15 : i32
        %add3A_769 = arith.addi %mul3A_98, %add3A_768 : i32
        %get3A_770 = arith.index_cast %add3A_769 : i32 to index
        %get3A_771 = arith.constant 80 : index
        %get3A_772 = tpu.vector_load %arg6[%get3A_770, %get3A_771] {strides = array<i32>} : memref<128x128xf32, #tpu.memory_space<vmem>>, vector<1x16xf32>,
        %get3A_773 = vector.shape_cast %get3A_772 : vector<1x16xf32> to vector<16xf32>
        %max3A_774 = arith.maximumf %max3A_767, %get3A_773 : vector<16xf32>
        %swap3A_775 = arith.index_cast %scan3A_95 : i32 to index
        %swap3A_776 = arith.constant 80 : index
        %swap3A_777 = tpu.vector_load %arg8[%swap3A_775, %swap3A_776] {strides = array<i32>} : memref<8x128xf32, #tpu.memory_space<vmem>>, vector<1x16xf32>,
        %swap3A_778 = vector.shape_cast %swap3A_777 : vector<1x16xf32> to vector<16xf32>
        %swap3A_779 = vector.shape_cast %max3A_774 : vector<16xf32> to vector<1x16xf32>
        tpu.vector_store %arg8[%swap3A_775, %swap3A_776], %swap3A_779 {strides = array<i32>} : memref<8x128xf32, #tpu.memory_space<vmem>>, vector<1x16xf32>,
        %get3A_780 = arith.index_cast %mul3A_98 : i32 to index
        %get3A_781 = arith.constant 96 : index
        %get3A_782 = tpu.vector_load %arg6[%get3A_780, %get3A_781] {strides = array<i32>} : memref<128x128xf32, #tpu.memory_space<vmem>>, vector<1x16xf32>,
        %get3A_783 = vector.shape_cast %get3A_782 : vector<1x16xf32> to vector<16xf32>
        %add3A_784 = arith.constant 1 : i32
        %add3A_785 = arith.addi %mul3A_98, %add3A_784 : i32
        %get3A_786 = arith.index_cast %add3A_785 : i32 to index
        %get3A_787 = arith.constant 96 : index
        %get3A_788 = tpu.vector_load %arg6[%get3A_786, %get3A_787] {strides = array<i32>} : memref<128x128xf32, #tpu.memory_space<vmem>>, vector<1x16xf32>,
        %get3A_789 = vector.shape_cast %get3A_788 : vector<1x16xf32> to vector<16xf32>
        %max3A_790 = arith.maximumf %get3A_783, %get3A_789 : vector<16xf32>
        %add3A_791 = arith.constant 2 : i32
        %add3A_792 = arith.addi %mul3A_98, %add3A_791 : i32
        %get3A_793 = arith.index_cast %add3A_792 : i32 to index
        %get3A_794 = arith.constant 96 : index
        %get3A_795 = tpu.vector_load %arg6[%get3A_793, %get3A_794] {strides = array<i32>} : memref<128x128xf32, #tpu.memory_space<vmem>>, vector<1x16xf32>,
        %get3A_796 = vector.shape_cast %get3A_795 : vector<1x16xf32> to vector<16xf32>
        %max3A_797 = arith.maximumf %max3A_790, %get3A_796 : vector<16xf32>
        %add3A_798 = arith.constant 3 : i32
        %add3A_799 = arith.addi %mul3A_98, %add3A_798 : i32
        %get3A_800 = arith.index_cast %add3A_799 : i32 to index
        %get3A_801 = arith.constant 96 : index
        %get3A_802 = tpu.vector_load %arg6[%get3A_800, %get3A_801] {strides = array<i32>} : memref<128x128xf32, #tpu.memory_space<vmem>>, vector<1x16xf32>,
        %get3A_803 = vector.shape_cast %get3A_802 : vector<1x16xf32> to vector<16xf32>
        %max3A_804 = arith.maximumf %max3A_797, %get3A_803 : vector<16xf32>
        %add3A_805 = arith.constant 4 : i32
        %add3A_806 = arith.addi %mul3A_98, %add3A_805 : i32
        %get3A_807 = arith.index_cast %add3A_806 : i32 to index
        %get3A_808 = arith.constant 96 : index
        %get3A_809 = tpu.vector_load %arg6[%get3A_807, %get3A_808] {strides = array<i32>} : memref<128x128xf32, #tpu.memory_space<vmem>>, vector<1x16xf32>,
        %get3A_810 = vector.shape_cast %get3A_809 : vector<1x16xf32> to vector<16xf32>
        %max3A_811 = arith.maximumf %max3A_804, %get3A_810 : vector<16xf32>
        %add3A_812 = arith.constant 5 : i32
        %add3A_813 = arith.addi %mul3A_98, %add3A_812 : i32
        %get3A_814 = arith.index_cast %add3A_813 : i32 to index
        %get3A_815 = arith.constant 96 : index
        %get3A_816 = tpu.vector_load %arg6[%get3A_814, %get3A_815] {strides = array<i32>} : memref<128x128xf32, #tpu.memory_space<vmem>>, vector<1x16xf32>,
        %get3A_817 = vector.shape_cast %get3A_816 : vector<1x16xf32> to vector<16xf32>
        %max3A_818 = arith.maximumf %max3A_811, %get3A_817 : vector<16xf32>
        %add3A_819 = arith.constant 6 : i32
        %add3A_820 = arith.addi %mul3A_98, %add3A_819 : i32
        %get3A_821 = arith.index_cast %add3A_820 : i32 to index
        %get3A_822 = arith.constant 96 : index
        %get3A_823 = tpu.vector_load %arg6[%get3A_821, %get3A_822] {strides = array<i32>} : memref<128x128xf32, #tpu.memory_space<vmem>>, vector<1x16xf32>,
        %get3A_824 = vector.shape_cast %get3A_823 : vector<1x16xf32> to vector<16xf32>
        %max3A_825 = arith.maximumf %max3A_818, %get3A_824 : vector<16xf32>
        %add3A_826 = arith.constant 7 : i32
        %add3A_827 = arith.addi %mul3A_98, %add3A_826 : i32
        %get3A_828 = arith.index_cast %add3A_827 : i32 to index
        %get3A_829 = arith.constant 96 : index
        %get3A_830 = tpu.vector_load %arg6[%get3A_828, %get3A_829] {strides = array<i32>} : memref<128x128xf32, #tpu.memory_space<vmem>>, vector<1x16xf32>,
        %get3A_831 = vector.shape_cast %get3A_830 : vector<1x16xf32> to vector<16xf32>
        %max3A_832 = arith.maximumf %max3A_825, %get3A_831 : vector<16xf32>
        %add3A_833 = arith.constant 8 : i32
        %add3A_834 = arith.addi %mul3A_98, %add3A_833 : i32
        %get3A_835 = arith.index_cast %add3A_834 : i32 to index
        %get3A_836 = arith.constant 96 : index
        %get3A_837 = tpu.vector_load %arg6[%get3A_835, %get3A_836] {strides = array<i32>} : memref<128x128xf32, #tpu.memory_space<vmem>>, vector<1x16xf32>,
        %get3A_838 = vector.shape_cast %get3A_837 : vector<1x16xf32> to vector<16xf32>
        %max3A_839 = arith.maximumf %max3A_832, %get3A_838 : vector<16xf32>
        %add3A_840 = arith.constant 9 : i32
        %add3A_841 = arith.addi %mul3A_98, %add3A_840 : i32
        %get3A_842 = arith.index_cast %add3A_841 : i32 to index
        %get3A_843 = arith.constant 96 : index
        %get3A_844 = tpu.vector_load %arg6[%get3A_842, %get3A_843] {strides = array<i32>} : memref<128x128xf32, #tpu.memory_space<vmem>>, vector<1x16xf32>,
        %get3A_845 = vector.shape_cast %get3A_844 : vector<1x16xf32> to vector<16xf32>
        %max3A_846 = arith.maximumf %max3A_839, %get3A_845 : vector<16xf32>
        %add3A_847 = arith.constant 10 : i32
        %add3A_848 = arith.addi %mul3A_98, %add3A_847 : i32
        %get3A_849 = arith.index_cast %add3A_848 : i32 to index
        %get3A_850 = arith.constant 96 : index
        %get3A_851 = tpu.vector_load %arg6[%get3A_849, %get3A_850] {strides = array<i32>} : memref<128x128xf32, #tpu.memory_space<vmem>>, vector<1x16xf32>,
        %get3A_852 = vector.shape_cast %get3A_851 : vector<1x16xf32> to vector<16xf32>
        %max3A_853 = arith.maximumf %max3A_846, %get3A_852 : vector<16xf32>
        %add3A_854 = arith.constant 11 : i32
        %add3A_855 = arith.addi %mul3A_98, %add3A_854 : i32
        %get3A_856 = arith.index_cast %add3A_855 : i32 to index
        %get3A_857 = arith.constant 96 : index
        %get3A_858 = tpu.vector_load %arg6[%get3A_856, %get3A_857] {strides = array<i32>} : memref<128x128xf32, #tpu.memory_space<vmem>>, vector<1x16xf32>,
        %get3A_859 = vector.shape_cast %get3A_858 : vector<1x16xf32> to vector<16xf32>
        %max3A_860 = arith.maximumf %max3A_853, %get3A_859 : vector<16xf32>
        %add3A_861 = arith.constant 12 : i32
        %add3A_862 = arith.addi %mul3A_98, %add3A_861 : i32
        %get3A_863 = arith.index_cast %add3A_862 : i32 to index
        %get3A_864 = arith.constant 96 : index
        %get3A_865 = tpu.vector_load %arg6[%get3A_863, %get3A_864] {strides = array<i32>} : memref<128x128xf32, #tpu.memory_space<vmem>>, vector<1x16xf32>,
        %get3A_866 = vector.shape_cast %get3A_865 : vector<1x16xf32> to vector<16xf32>
        %max3A_867 = arith.maximumf %max3A_860, %get3A_866 : vector<16xf32>
        %add3A_868 = arith.constant 13 : i32
        %add3A_869 = arith.addi %mul3A_98, %add3A_868 : i32
        %get3A_870 = arith.index_cast %add3A_869 : i32 to index
        %get3A_871 = arith.constant 96 : index
        %get3A_872 = tpu.vector_load %arg6[%get3A_870, %get3A_871] {strides = array<i32>} : memref<128x128xf32, #tpu.memory_space<vmem>>, vector<1x16xf32>,
        %get3A_873 = vector.shape_cast %get3A_872 : vector<1x16xf32> to vector<16xf32>
        %max3A_874 = arith.maximumf %max3A_867, %get3A_873 : vector<16xf32>
        %add3A_875 = arith.constant 14 : i32
        %add3A_876 = arith.addi %mul3A_98, %add3A_875 : i32
        %get3A_877 = arith.index_cast %add3A_876 : i32 to index
        %get3A_878 = arith.constant 96 : index
        %get3A_879 = tpu.vector_load %arg6[%get3A_877, %get3A_878] {strides = array<i32>} : memref<128x128xf32, #tpu.memory_space<vmem>>, vector<1x16xf32>,
        %get3A_880 = vector.shape_cast %get3A_879 : vector<1x16xf32> to vector<16xf32>
        %max3A_881 = arith.maximumf %max3A_874, %get3A_880 : vector<16xf32>
        %add3A_882 = arith.constant 15 : i32
        %add3A_883 = arith.addi %mul3A_98, %add3A_882 : i32
        %get3A_884 = arith.index_cast %add3A_883 : i32 to index
        %get3A_885 = arith.constant 96 : index
        %get3A_886 = tpu.vector_load %arg6[%get3A_884, %get3A_885] {strides = array<i32>} : memref<128x128xf32, #tpu.memory_space<vmem>>, vector<1x16xf32>,
        %get3A_887 = vector.shape_cast %get3A_886 : vector<1x16xf32> to vector<16xf32>
        %max3A_888 = arith.maximumf %max3A_881, %get3A_887 : vector<16xf32>
        %swap3A_889 = arith.index_cast %scan3A_95 : i32 to index
        %swap3A_890 = arith.constant 96 : index
        %swap3A_891 = tpu.vector_load %arg8[%swap3A_889, %swap3A_890] {strides = array<i32>} : memref<8x128xf32, #tpu.memory_space<vmem>>, vector<1x16xf32>,
        %swap3A_892 = vector.shape_cast %swap3A_891 : vector<1x16xf32> to vector<16xf32>
        %swap3A_893 = vector.shape_cast %max3A_888 : vector<16xf32> to vector<1x16xf32>
        tpu.vector_store %arg8[%swap3A_889, %swap3A_890], %swap3A_893 {strides = array<i32>} : memref<8x128xf32, #tpu.memory_space<vmem>>, vector<1x16xf32>,
        %get3A_894 = arith.index_cast %mul3A_98 : i32 to index
        %get3A_895 = arith.constant 112 : index
        %get3A_896 = tpu.vector_load %arg6[%get3A_894, %get3A_895] {strides = array<i32>} : memref<128x128xf32, #tpu.memory_space<vmem>>, vector<1x16xf32>,
        %get3A_897 = vector.shape_cast %get3A_896 : vector<1x16xf32> to vector<16xf32>
        %add3A_898 = arith.constant 1 : i32
        %add3A_899 = arith.addi %mul3A_98, %add3A_898 : i32
        %get3A_900 = arith.index_cast %add3A_899 : i32 to index
        %get3A_901 = arith.constant 112 : index
        %get3A_902 = tpu.vector_load %arg6[%get3A_900, %get3A_901] {strides = array<i32>} : memref<128x128xf32, #tpu.memory_space<vmem>>, vector<1x16xf32>,
        %get3A_903 = vector.shape_cast %get3A_902 : vector<1x16xf32> to vector<16xf32>
        %max3A_904 = arith.maximumf %get3A_897, %get3A_903 : vector<16xf32>
        %add3A_905 = arith.constant 2 : i32
        %add3A_906 = arith.addi %mul3A_98, %add3A_905 : i32
        %get3A_907 = arith.index_cast %add3A_906 : i32 to index
        %get3A_908 = arith.constant 112 : index
        %get3A_909 = tpu.vector_load %arg6[%get3A_907, %get3A_908] {strides = array<i32>} : memref<128x128xf32, #tpu.memory_space<vmem>>, vector<1x16xf32>,
        %get3A_910 = vector.shape_cast %get3A_909 : vector<1x16xf32> to vector<16xf32>
        %max3A_911 = arith.maximumf %max3A_904, %get3A_910 : vector<16xf32>
        %add3A_912 = arith.constant 3 : i32
        %add3A_913 = arith.addi %mul3A_98, %add3A_912 : i32
        %get3A_914 = arith.index_cast %add3A_913 : i32 to index
        %get3A_915 = arith.constant 112 : index
        %get3A_916 = tpu.vector_load %arg6[%get3A_914, %get3A_915] {strides = array<i32>} : memref<128x128xf32, #tpu.memory_space<vmem>>, vector<1x16xf32>,
        %get3A_917 = vector.shape_cast %get3A_916 : vector<1x16xf32> to vector<16xf32>
        %max3A_918 = arith.maximumf %max3A_911, %get3A_917 : vector<16xf32>
        %add3A_919 = arith.constant 4 : i32
        %add3A_920 = arith.addi %mul3A_98, %add3A_919 : i32
        %get3A_921 = arith.index_cast %add3A_920 : i32 to index
        %get3A_922 = arith.constant 112 : index
        %get3A_923 = tpu.vector_load %arg6[%get3A_921, %get3A_922] {strides = array<i32>} : memref<128x128xf32, #tpu.memory_space<vmem>>, vector<1x16xf32>,
        %get3A_924 = vector.shape_cast %get3A_923 : vector<1x16xf32> to vector<16xf32>
        %max3A_925 = arith.maximumf %max3A_918, %get3A_924 : vector<16xf32>
        %add3A_926 = arith.constant 5 : i32
        %add3A_927 = arith.addi %mul3A_98, %add3A_926 : i32
        %get3A_928 = arith.index_cast %add3A_927 : i32 to index
        %get3A_929 = arith.constant 112 : index
        %get3A_930 = tpu.vector_load %arg6[%get3A_928, %get3A_929] {strides = array<i32>} : memref<128x128xf32, #tpu.memory_space<vmem>>, vector<1x16xf32>,
        %get3A_931 = vector.shape_cast %get3A_930 : vector<1x16xf32> to vector<16xf32>
        %max3A_932 = arith.maximumf %max3A_925, %get3A_931 : vector<16xf32>
        %add3A_933 = arith.constant 6 : i32
        %add3A_934 = arith.addi %mul3A_98, %add3A_933 : i32
        %get3A_935 = arith.index_cast %add3A_934 : i32 to index
        %get3A_936 = arith.constant 112 : index
        %get3A_937 = tpu.vector_load %arg6[%get3A_935, %get3A_936] {strides = array<i32>} : memref<128x128xf32, #tpu.memory_space<vmem>>, vector<1x16xf32>,
        %get3A_938 = vector.shape_cast %get3A_937 : vector<1x16xf32> to vector<16xf32>
        %max3A_939 = arith.maximumf %max3A_932, %get3A_938 : vector<16xf32>
        %add3A_940 = arith.constant 7 : i32
        %add3A_941 = arith.addi %mul3A_98, %add3A_940 : i32
        %get3A_942 = arith.index_cast %add3A_941 : i32 to index
        %get3A_943 = arith.constant 112 : index
        %get3A_944 = tpu.vector_load %arg6[%get3A_942, %get3A_943] {strides = array<i32>} : memref<128x128xf32, #tpu.memory_space<vmem>>, vector<1x16xf32>,
        %get3A_945 = vector.shape_cast %get3A_944 : vector<1x16xf32> to vector<16xf32>
        %max3A_946 = arith.maximumf %max3A_939, %get3A_945 : vector<16xf32>
        %add3A_947 = arith.constant 8 : i32
        %add3A_948 = arith.addi %mul3A_98, %add3A_947 : i32
        %get3A_949 = arith.index_cast %add3A_948 : i32 to index
        %get3A_950 = arith.constant 112 : index
        %get3A_951 = tpu.vector_load %arg6[%get3A_949, %get3A_950] {strides = array<i32>} : memref<128x128xf32, #tpu.memory_space<vmem>>, vector<1x16xf32>,
        %get3A_952 = vector.shape_cast %get3A_951 : vector<1x16xf32> to vector<16xf32>
        %max3A_953 = arith.maximumf %max3A_946, %get3A_952 : vector<16xf32>
        %add3A_954 = arith.constant 9 : i32
        %add3A_955 = arith.addi %mul3A_98, %add3A_954 : i32
        %get3A_956 = arith.index_cast %add3A_955 : i32 to index
        %get3A_957 = arith.constant 112 : index
        %get3A_958 = tpu.vector_load %arg6[%get3A_956, %get3A_957] {strides = array<i32>} : memref<128x128xf32, #tpu.memory_space<vmem>>, vector<1x16xf32>,
        %get3A_959 = vector.shape_cast %get3A_958 : vector<1x16xf32> to vector<16xf32>
        %max3A_960 = arith.maximumf %max3A_953, %get3A_959 : vector<16xf32>
        %add3A_961 = arith.constant 10 : i32
        %add3A_962 = arith.addi %mul3A_98, %add3A_961 : i32
        %get3A_963 = arith.index_cast %add3A_962 : i32 to index
        %get3A_964 = arith.constant 112 : index
        %get3A_965 = tpu.vector_load %arg6[%get3A_963, %get3A_964] {strides = array<i32>} : memref<128x128xf32, #tpu.memory_space<vmem>>, vector<1x16xf32>,
        %get3A_966 = vector.shape_cast %get3A_965 : vector<1x16xf32> to vector<16xf32>
        %max3A_967 = arith.maximumf %max3A_960, %get3A_966 : vector<16xf32>
        %add3A_968 = arith.constant 11 : i32
        %add3A_969 = arith.addi %mul3A_98, %add3A_968 : i32
        %get3A_970 = arith.index_cast %add3A_969 : i32 to index
        %get3A_971 = arith.constant 112 : index
        %get3A_972 = tpu.vector_load %arg6[%get3A_970, %get3A_971] {strides = array<i32>} : memref<128x128xf32, #tpu.memory_space<vmem>>, vector<1x16xf32>,
        %get3A_973 = vector.shape_cast %get3A_972 : vector<1x16xf32> to vector<16xf32>
        %max3A_974 = arith.maximumf %max3A_967, %get3A_973 : vector<16xf32>
        %add3A_975 = arith.constant 12 : i32
        %add3A_976 = arith.addi %mul3A_98, %add3A_975 : i32
        %get3A_977 = arith.index_cast %add3A_976 : i32 to index
        %get3A_978 = arith.constant 112 : index
        %get3A_979 = tpu.vector_load %arg6[%get3A_977, %get3A_978] {strides = array<i32>} : memref<128x128xf32, #tpu.memory_space<vmem>>, vector<1x16xf32>,
        %get3A_980 = vector.shape_cast %get3A_979 : vector<1x16xf32> to vector<16xf32>
        %max3A_981 = arith.maximumf %max3A_974, %get3A_980 : vector<16xf32>
        %add3A_982 = arith.constant 13 : i32
        %add3A_983 = arith.addi %mul3A_98, %add3A_982 : i32
        %get3A_984 = arith.index_cast %add3A_983 : i32 to index
        %get3A_985 = arith.constant 112 : index
        %get3A_986 = tpu.vector_load %arg6[%get3A_984, %get3A_985] {strides = array<i32>} : memref<128x128xf32, #tpu.memory_space<vmem>>, vector<1x16xf32>,
        %get3A_987 = vector.shape_cast %get3A_986 : vector<1x16xf32> to vector<16xf32>
        %max3A_988 = arith.maximumf %max3A_981, %get3A_987 : vector<16xf32>
        %add3A_989 = arith.constant 14 : i32
        %add3A_990 = arith.addi %mul3A_98, %add3A_989 : i32
        %get3A_991 = arith.index_cast %add3A_990 : i32 to index
        %get3A_992 = arith.constant 112 : index
        %get3A_993 = tpu.vector_load %arg6[%get3A_991, %get3A_992] {strides = array<i32>} : memref<128x128xf32, #tpu.memory_space<vmem>>, vector<1x16xf32>,
        %get3A_994 = vector.shape_cast %get3A_993 : vector<1x16xf32> to vector<16xf32>
        %max3A_995 = arith.maximumf %max3A_988, %get3A_994 : vector<16xf32>
        %add3A_996 = arith.constant 15 : i32
        %add3A_997 = arith.addi %mul3A_98, %add3A_996 : i32
        %get3A_998 = arith.index_cast %add3A_997 : i32 to index
        %get3A_999 = arith.constant 112 : index
        %get3A_1000 = tpu.vector_load %arg6[%get3A_998, %get3A_999] {strides = array<i32>} : memref<128x128xf32, #tpu.memory_space<vmem>>, vector<1x16xf32>,
        %get3A_1001 = vector.shape_cast %get3A_1000 : vector<1x16xf32> to vector<16xf32>
        %max3A_1002 = arith.maximumf %max3A_995, %get3A_1001 : vector<16xf32>
        %swap3A_1003 = arith.index_cast %scan3A_95 : i32 to index
        %swap3A_1004 = arith.constant 112 : index
        %swap3A_1005 = tpu.vector_load %arg8[%swap3A_1003, %swap3A_1004] {strides = array<i32>} : memref<8x128xf32, #tpu.memory_space<vmem>>, vector<1x16xf32>,
        %swap3A_1006 = vector.shape_cast %swap3A_1005 : vector<1x16xf32> to vector<16xf32>
        %swap3A_1007 = vector.shape_cast %max3A_1002 : vector<16xf32> to vector<1x16xf32>
        tpu.vector_store %arg8[%swap3A_1003, %swap3A_1004], %swap3A_1007 {strides = array<i32>} : memref<8x128xf32, #tpu.memory_space<vmem>>, vector<1x16xf32>,
        %scan3A_1008 = arith.constant 0 : i32
        scf.yield %scan3A_1008 : i32
      }
      %scan3A_53 = arith.constant 8 : i32
      %mul3A_54 = arith.constant 8 : i32
      %mul3A_55 = arith.muli %mul3A_40, %mul3A_54 : i32
      %add3A_56 = arith.addi %mul3A_2, %mul3A_55 : i32
      "tpu.region"() ({
        %run_scoped3A = tpu.sem_alloc : memref<!tpu.dma_semaphore, #tpu.memory_space<semaphore_mem>>
        %dma_start3A_95 = arith.constant 0 : i32
        %dma_start3A_96 = tpu.memref_slice %arg4[%add3A_56, %dma_start3A_95] : memref<10240x128xf32, #tpu.memory_space<hbm>> -> memref<8x128xf32, #tpu.memory_space<hbm>>
        %dma_start3A_97 = arith.constant 0 : i32
        %dma_start3A_98 = tpu.memref_slice %arg4[%add3A_56, %dma_start3A_97] : memref<10240x128xf32, #tpu.memory_space<hbm>> -> memref<8x128xf32, #tpu.memory_space<hbm>>
        tpu.enqueue_dma source(%arg8 : memref<8x128xf32, #tpu.memory_space<vmem>>) target(%dma_start3A_98 : memref<8x128xf32, #tpu.memory_space<hbm>>) target_semaphore(%run_scoped3A : memref<!tpu.dma_semaphore, #tpu.memory_space<semaphore_mem>>)
        %dma_wait3A_99 = arith.constant 0 : i32
        %dma_wait3A_100 = tpu.memref_slice %arg4[%add3A_56, %dma_wait3A_99] : memref<10240x128xf32, #tpu.memory_space<hbm>> -> memref<8x128xf32, #tpu.memory_space<hbm>>
        %dma_wait3A_101 = arith.constant 0 : i32
        %dma_wait3A_102 = tpu.memref_slice %arg4[%add3A_56, %dma_wait3A_101] : memref<10240x128xf32, #tpu.memory_space<hbm>> -> memref<8x128xf32, #tpu.memory_space<hbm>>
        tpu.wait_dma2 semaphore(%run_scoped3A : memref<!tpu.dma_semaphore, #tpu.memory_space<semaphore_mem>>) src(%arg8 : memref<8x128xf32, #tpu.memory_space<vmem>>) dst(%dma_wait3A_102 : memref<8x128xf32, #tpu.memory_space<hbm>>)
        tpu.yield
      }) : () -> ()
      %add3A_57 = arith.constant 2 : i32
      %add3A_58 = arith.addi %mul3A_40, %add3A_57 : i32
      %min3A = arith.constant 39 : i32
      %min3A_59 = arith.minsi %add3A_58, %min3A : i32
      %dma_start3A_60 = arith.constant 0 : i32
      %dma_start3A_61 = tpu.memref_slice %arg5[%min3A_59, %dma_start3A_60] : memref<40x128xi32, #tpu.memory_space<vmem>> -> memref<1x128xi32, #tpu.memory_space<vmem>>
      %dma_start3A_62 = tpu.memref_squeeze %dma_start3A_61 : memref<1x128xi32, #tpu.memory_space<vmem>> -> memref<128xi32, #tpu.memory_space<vmem>>
      %dma_start3A_63 = arith.constant 0 : i32
      %dma_start3A_64 = arith.constant 0 : i32
      %dma_start3A_65 = tpu.memref_slice %arg10[%dma_start3A_63, %dma_start3A_64] : memref<10240x128xf32, #tpu.memory_space<vmem_shared>> -> memref<10240x128xf32, #tpu.memory_space<vmem_shared>>
      tpu.enqueue_indirect_dma source(%dma_start3A_65 : memref<10240x128xf32, #tpu.memory_space<vmem_shared>>) target(%arg6 : memref<128x128xf32, #tpu.memory_space<vmem>>) offsets(%dma_start3A_62 : memref<128xi32, #tpu.memory_space<vmem>>) semaphore(%arg11 : memref<!tpu.dma_semaphore, #tpu.memory_space<semaphore_mem>>)
      %dma_wait3A_66 = arith.constant 0 : i32
      %dma_wait3A_67 = arith.constant 0 : i32
      %dma_wait3A_68 = tpu.memref_slice %arg10[%dma_wait3A_66, %dma_wait3A_67] : memref<10240x128xf32, #tpu.memory_space<vmem_shared>> -> memref<128x128xf32, #tpu.memory_space<vmem_shared>>
      %dma_wait3A_69 = arith.constant 0 : i32
      %dma_wait3A_70 = arith.constant 0 : i32
      %dma_wait3A_71 = tpu.memref_slice %arg10[%dma_wait3A_69, %dma_wait3A_70] : memref<10240x128xf32, #tpu.memory_space<vmem_shared>> -> memref<128x128xf32, #tpu.memory_space<vmem_shared>>
      tpu.wait_dma2 semaphore(%arg12 : memref<!tpu.dma_semaphore, #tpu.memory_space<semaphore_mem>>) src(%dma_wait3A_71 : memref<128x128xf32, #tpu.memory_space<vmem_shared>>) dst(%arg7 : memref<128x128xf32, #tpu.memory_space<vmem>>)
      %add3A_72 = arith.constant 1 : i32
      %add3A_73 = arith.addi %mul3A_40, %add3A_72 : i32
      %scan3A_74 = arith.constant 0 : i32
      %scan3A_75 = arith.constant 0 : i32
      %scan3A_76 = arith.constant 8 : i32
      %scan3A_77 = arith.addi %scan3A_75, %scan3A_76 : i32
      %scan3A_78 = arith.constant 1 : i32
      %scan3A_79 = scf.for %scan3A_95 = %scan3A_75 to %scan3A_77 step %scan3A_78 iter_args(%scan3A_96 = %scan3A_74) -> (i32)  : i32 {
        %mul3A_97 = arith.constant 16 : i32
        %mul3A_98 = arith.muli %scan3A_95, %mul3A_97 : i32
        %get3A = arith.index_cast %mul3A_98 : i32 to index
        %get3A_99 = arith.constant 0 : index
        %get3A_100 = tpu.vector_load %arg7[%get3A, %get3A_99] {strides = array<i32>} : memref<128x128xf32, #tpu.memory_space<vmem>>, vector<1x16xf32>,
        %get3A_101 = vector.shape_cast %get3A_100 : vector<1x16xf32> to vector<16xf32>
        %add3A_102 = arith.constant 1 : i32
        %add3A_103 = arith.addi %mul3A_98, %add3A_102 : i32
        %get3A_104 = arith.index_cast %add3A_103 : i32 to index
        %get3A_105 = arith.constant 0 : index
        %get3A_106 = tpu.vector_load %arg7[%get3A_104, %get3A_105] {strides = array<i32>} : memref<128x128xf32, #tpu.memory_space<vmem>>, vector<1x16xf32>,
        %get3A_107 = vector.shape_cast %get3A_106 : vector<1x16xf32> to vector<16xf32>
        %max3A = arith.maximumf %get3A_101, %get3A_107 : vector<16xf32>
        %add3A_108 = arith.constant 2 : i32
        %add3A_109 = arith.addi %mul3A_98, %add3A_108 : i32
        %get3A_110 = arith.index_cast %add3A_109 : i32 to index
        %get3A_111 = arith.constant 0 : index
        %get3A_112 = tpu.vector_load %arg7[%get3A_110, %get3A_111] {strides = array<i32>} : memref<128x128xf32, #tpu.memory_space<vmem>>, vector<1x16xf32>,
        %get3A_113 = vector.shape_cast %get3A_112 : vector<1x16xf32> to vector<16xf32>
        %max3A_114 = arith.maximumf %max3A, %get3A_113 : vector<16xf32>
        %add3A_115 = arith.constant 3 : i32
        %add3A_116 = arith.addi %mul3A_98, %add3A_115 : i32
        %get3A_117 = arith.index_cast %add3A_116 : i32 to index
        %get3A_118 = arith.constant 0 : index
        %get3A_119 = tpu.vector_load %arg7[%get3A_117, %get3A_118] {strides = array<i32>} : memref<128x128xf32, #tpu.memory_space<vmem>>, vector<1x16xf32>,
        %get3A_120 = vector.shape_cast %get3A_119 : vector<1x16xf32> to vector<16xf32>
        %max3A_121 = arith.maximumf %max3A_114, %get3A_120 : vector<16xf32>
        %add3A_122 = arith.constant 4 : i32
        %add3A_123 = arith.addi %mul3A_98, %add3A_122 : i32
        %get3A_124 = arith.index_cast %add3A_123 : i32 to index
        %get3A_125 = arith.constant 0 : index
        %get3A_126 = tpu.vector_load %arg7[%get3A_124, %get3A_125] {strides = array<i32>} : memref<128x128xf32, #tpu.memory_space<vmem>>, vector<1x16xf32>,
        %get3A_127 = vector.shape_cast %get3A_126 : vector<1x16xf32> to vector<16xf32>
        %max3A_128 = arith.maximumf %max3A_121, %get3A_127 : vector<16xf32>
        %add3A_129 = arith.constant 5 : i32
        %add3A_130 = arith.addi %mul3A_98, %add3A_129 : i32
        %get3A_131 = arith.index_cast %add3A_130 : i32 to index
        %get3A_132 = arith.constant 0 : index
        %get3A_133 = tpu.vector_load %arg7[%get3A_131, %get3A_132] {strides = array<i32>} : memref<128x128xf32, #tpu.memory_space<vmem>>, vector<1x16xf32>,
        %get3A_134 = vector.shape_cast %get3A_133 : vector<1x16xf32> to vector<16xf32>
        %max3A_135 = arith.maximumf %max3A_128, %get3A_134 : vector<16xf32>
        %add3A_136 = arith.constant 6 : i32
        %add3A_137 = arith.addi %mul3A_98, %add3A_136 : i32
        %get3A_138 = arith.index_cast %add3A_137 : i32 to index
        %get3A_139 = arith.constant 0 : index
        %get3A_140 = tpu.vector_load %arg7[%get3A_138, %get3A_139] {strides = array<i32>} : memref<128x128xf32, #tpu.memory_space<vmem>>, vector<1x16xf32>,
        %get3A_141 = vector.shape_cast %get3A_140 : vector<1x16xf32> to vector<16xf32>
        %max3A_142 = arith.maximumf %max3A_135, %get3A_141 : vector<16xf32>
        %add3A_143 = arith.constant 7 : i32
        %add3A_144 = arith.addi %mul3A_98, %add3A_143 : i32
        %get3A_145 = arith.index_cast %add3A_144 : i32 to index
        %get3A_146 = arith.constant 0 : index
        %get3A_147 = tpu.vector_load %arg7[%get3A_145, %get3A_146] {strides = array<i32>} : memref<128x128xf32, #tpu.memory_space<vmem>>, vector<1x16xf32>,
        %get3A_148 = vector.shape_cast %get3A_147 : vector<1x16xf32> to vector<16xf32>
        %max3A_149 = arith.maximumf %max3A_142, %get3A_148 : vector<16xf32>
        %add3A_150 = arith.constant 8 : i32
        %add3A_151 = arith.addi %mul3A_98, %add3A_150 : i32
        %get3A_152 = arith.index_cast %add3A_151 : i32 to index
        %get3A_153 = arith.constant 0 : index
        %get3A_154 = tpu.vector_load %arg7[%get3A_152, %get3A_153] {strides = array<i32>} : memref<128x128xf32, #tpu.memory_space<vmem>>, vector<1x16xf32>,
        %get3A_155 = vector.shape_cast %get3A_154 : vector<1x16xf32> to vector<16xf32>
        %max3A_156 = arith.maximumf %max3A_149, %get3A_155 : vector<16xf32>
        %add3A_157 = arith.constant 9 : i32
        %add3A_158 = arith.addi %mul3A_98, %add3A_157 : i32
        %get3A_159 = arith.index_cast %add3A_158 : i32 to index
        %get3A_160 = arith.constant 0 : index
        %get3A_161 = tpu.vector_load %arg7[%get3A_159, %get3A_160] {strides = array<i32>} : memref<128x128xf32, #tpu.memory_space<vmem>>, vector<1x16xf32>,
        %get3A_162 = vector.shape_cast %get3A_161 : vector<1x16xf32> to vector<16xf32>
        %max3A_163 = arith.maximumf %max3A_156, %get3A_162 : vector<16xf32>
        %add3A_164 = arith.constant 10 : i32
        %add3A_165 = arith.addi %mul3A_98, %add3A_164 : i32
        %get3A_166 = arith.index_cast %add3A_165 : i32 to index
        %get3A_167 = arith.constant 0 : index
        %get3A_168 = tpu.vector_load %arg7[%get3A_166, %get3A_167] {strides = array<i32>} : memref<128x128xf32, #tpu.memory_space<vmem>>, vector<1x16xf32>,
        %get3A_169 = vector.shape_cast %get3A_168 : vector<1x16xf32> to vector<16xf32>
        %max3A_170 = arith.maximumf %max3A_163, %get3A_169 : vector<16xf32>
        %add3A_171 = arith.constant 11 : i32
        %add3A_172 = arith.addi %mul3A_98, %add3A_171 : i32
        %get3A_173 = arith.index_cast %add3A_172 : i32 to index
        %get3A_174 = arith.constant 0 : index
        %get3A_175 = tpu.vector_load %arg7[%get3A_173, %get3A_174] {strides = array<i32>} : memref<128x128xf32, #tpu.memory_space<vmem>>, vector<1x16xf32>,
        %get3A_176 = vector.shape_cast %get3A_175 : vector<1x16xf32> to vector<16xf32>
        %max3A_177 = arith.maximumf %max3A_170, %get3A_176 : vector<16xf32>
        %add3A_178 = arith.constant 12 : i32
        %add3A_179 = arith.addi %mul3A_98, %add3A_178 : i32
        %get3A_180 = arith.index_cast %add3A_179 : i32 to index
        %get3A_181 = arith.constant 0 : index
        %get3A_182 = tpu.vector_load %arg7[%get3A_180, %get3A_181] {strides = array<i32>} : memref<128x128xf32, #tpu.memory_space<vmem>>, vector<1x16xf32>,
        %get3A_183 = vector.shape_cast %get3A_182 : vector<1x16xf32> to vector<16xf32>
        %max3A_184 = arith.maximumf %max3A_177, %get3A_183 : vector<16xf32>
        %add3A_185 = arith.constant 13 : i32
        %add3A_186 = arith.addi %mul3A_98, %add3A_185 : i32
        %get3A_187 = arith.index_cast %add3A_186 : i32 to index
        %get3A_188 = arith.constant 0 : index
        %get3A_189 = tpu.vector_load %arg7[%get3A_187, %get3A_188] {strides = array<i32>} : memref<128x128xf32, #tpu.memory_space<vmem>>, vector<1x16xf32>,
        %get3A_190 = vector.shape_cast %get3A_189 : vector<1x16xf32> to vector<16xf32>
        %max3A_191 = arith.maximumf %max3A_184, %get3A_190 : vector<16xf32>
        %add3A_192 = arith.constant 14 : i32
        %add3A_193 = arith.addi %mul3A_98, %add3A_192 : i32
        %get3A_194 = arith.index_cast %add3A_193 : i32 to index
        %get3A_195 = arith.constant 0 : index
        %get3A_196 = tpu.vector_load %arg7[%get3A_194, %get3A_195] {strides = array<i32>} : memref<128x128xf32, #tpu.memory_space<vmem>>, vector<1x16xf32>,
        %get3A_197 = vector.shape_cast %get3A_196 : vector<1x16xf32> to vector<16xf32>
        %max3A_198 = arith.maximumf %max3A_191, %get3A_197 : vector<16xf32>
        %add3A_199 = arith.constant 15 : i32
        %add3A_200 = arith.addi %mul3A_98, %add3A_199 : i32
        %get3A_201 = arith.index_cast %add3A_200 : i32 to index
        %get3A_202 = arith.constant 0 : index
        %get3A_203 = tpu.vector_load %arg7[%get3A_201, %get3A_202] {strides = array<i32>} : memref<128x128xf32, #tpu.memory_space<vmem>>, vector<1x16xf32>,
        %get3A_204 = vector.shape_cast %get3A_203 : vector<1x16xf32> to vector<16xf32>
        %max3A_205 = arith.maximumf %max3A_198, %get3A_204 : vector<16xf32>
        %swap3A = arith.index_cast %scan3A_95 : i32 to index
        %swap3A_206 = arith.constant 0 : index
        %swap3A_207 = tpu.vector_load %arg9[%swap3A, %swap3A_206] {strides = array<i32>} : memref<8x128xf32, #tpu.memory_space<vmem>>, vector<1x16xf32>,
        %swap3A_208 = vector.shape_cast %swap3A_207 : vector<1x16xf32> to vector<16xf32>
        %swap3A_209 = vector.shape_cast %max3A_205 : vector<16xf32> to vector<1x16xf32>
        tpu.vector_store %arg9[%swap3A, %swap3A_206], %swap3A_209 {strides = array<i32>} : memref<8x128xf32, #tpu.memory_space<vmem>>, vector<1x16xf32>,
        %get3A_210 = arith.index_cast %mul3A_98 : i32 to index
        %get3A_211 = arith.constant 16 : index
        %get3A_212 = tpu.vector_load %arg7[%get3A_210, %get3A_211] {strides = array<i32>} : memref<128x128xf32, #tpu.memory_space<vmem>>, vector<1x16xf32>,
        %get3A_213 = vector.shape_cast %get3A_212 : vector<1x16xf32> to vector<16xf32>
        %add3A_214 = arith.constant 1 : i32
        %add3A_215 = arith.addi %mul3A_98, %add3A_214 : i32
        %get3A_216 = arith.index_cast %add3A_215 : i32 to index
        %get3A_217 = arith.constant 16 : index
        %get3A_218 = tpu.vector_load %arg7[%get3A_216, %get3A_217] {strides = array<i32>} : memref<128x128xf32, #tpu.memory_space<vmem>>, vector<1x16xf32>,
        %get3A_219 = vector.shape_cast %get3A_218 : vector<1x16xf32> to vector<16xf32>
        %max3A_220 = arith.maximumf %get3A_213, %get3A_219 : vector<16xf32>
        %add3A_221 = arith.constant 2 : i32
        %add3A_222 = arith.addi %mul3A_98, %add3A_221 : i32
        %get3A_223 = arith.index_cast %add3A_222 : i32 to index
        %get3A_224 = arith.constant 16 : index
        %get3A_225 = tpu.vector_load %arg7[%get3A_223, %get3A_224] {strides = array<i32>} : memref<128x128xf32, #tpu.memory_space<vmem>>, vector<1x16xf32>,
        %get3A_226 = vector.shape_cast %get3A_225 : vector<1x16xf32> to vector<16xf32>
        %max3A_227 = arith.maximumf %max3A_220, %get3A_226 : vector<16xf32>
        %add3A_228 = arith.constant 3 : i32
        %add3A_229 = arith.addi %mul3A_98, %add3A_228 : i32
        %get3A_230 = arith.index_cast %add3A_229 : i32 to index
        %get3A_231 = arith.constant 16 : index
        %get3A_232 = tpu.vector_load %arg7[%get3A_230, %get3A_231] {strides = array<i32>} : memref<128x128xf32, #tpu.memory_space<vmem>>, vector<1x16xf32>,
        %get3A_233 = vector.shape_cast %get3A_232 : vector<1x16xf32> to vector<16xf32>
        %max3A_234 = arith.maximumf %max3A_227, %get3A_233 : vector<16xf32>
        %add3A_235 = arith.constant 4 : i32
        %add3A_236 = arith.addi %mul3A_98, %add3A_235 : i32
        %get3A_237 = arith.index_cast %add3A_236 : i32 to index
        %get3A_238 = arith.constant 16 : index
        %get3A_239 = tpu.vector_load %arg7[%get3A_237, %get3A_238] {strides = array<i32>} : memref<128x128xf32, #tpu.memory_space<vmem>>, vector<1x16xf32>,
        %get3A_240 = vector.shape_cast %get3A_239 : vector<1x16xf32> to vector<16xf32>
        %max3A_241 = arith.maximumf %max3A_234, %get3A_240 : vector<16xf32>
        %add3A_242 = arith.constant 5 : i32
        %add3A_243 = arith.addi %mul3A_98, %add3A_242 : i32
        %get3A_244 = arith.index_cast %add3A_243 : i32 to index
        %get3A_245 = arith.constant 16 : index
        %get3A_246 = tpu.vector_load %arg7[%get3A_244, %get3A_245] {strides = array<i32>} : memref<128x128xf32, #tpu.memory_space<vmem>>, vector<1x16xf32>,
        %get3A_247 = vector.shape_cast %get3A_246 : vector<1x16xf32> to vector<16xf32>
        %max3A_248 = arith.maximumf %max3A_241, %get3A_247 : vector<16xf32>
        %add3A_249 = arith.constant 6 : i32
        %add3A_250 = arith.addi %mul3A_98, %add3A_249 : i32
        %get3A_251 = arith.index_cast %add3A_250 : i32 to index
        %get3A_252 = arith.constant 16 : index
        %get3A_253 = tpu.vector_load %arg7[%get3A_251, %get3A_252] {strides = array<i32>} : memref<128x128xf32, #tpu.memory_space<vmem>>, vector<1x16xf32>,
        %get3A_254 = vector.shape_cast %get3A_253 : vector<1x16xf32> to vector<16xf32>
        %max3A_255 = arith.maximumf %max3A_248, %get3A_254 : vector<16xf32>
        %add3A_256 = arith.constant 7 : i32
        %add3A_257 = arith.addi %mul3A_98, %add3A_256 : i32
        %get3A_258 = arith.index_cast %add3A_257 : i32 to index
        %get3A_259 = arith.constant 16 : index
        %get3A_260 = tpu.vector_load %arg7[%get3A_258, %get3A_259] {strides = array<i32>} : memref<128x128xf32, #tpu.memory_space<vmem>>, vector<1x16xf32>,
        %get3A_261 = vector.shape_cast %get3A_260 : vector<1x16xf32> to vector<16xf32>
        %max3A_262 = arith.maximumf %max3A_255, %get3A_261 : vector<16xf32>
        %add3A_263 = arith.constant 8 : i32
        %add3A_264 = arith.addi %mul3A_98, %add3A_263 : i32
        %get3A_265 = arith.index_cast %add3A_264 : i32 to index
        %get3A_266 = arith.constant 16 : index
        %get3A_267 = tpu.vector_load %arg7[%get3A_265, %get3A_266] {strides = array<i32>} : memref<128x128xf32, #tpu.memory_space<vmem>>, vector<1x16xf32>,
        %get3A_268 = vector.shape_cast %get3A_267 : vector<1x16xf32> to vector<16xf32>
        %max3A_269 = arith.maximumf %max3A_262, %get3A_268 : vector<16xf32>
        %add3A_270 = arith.constant 9 : i32
        %add3A_271 = arith.addi %mul3A_98, %add3A_270 : i32
        %get3A_272 = arith.index_cast %add3A_271 : i32 to index
        %get3A_273 = arith.constant 16 : index
        %get3A_274 = tpu.vector_load %arg7[%get3A_272, %get3A_273] {strides = array<i32>} : memref<128x128xf32, #tpu.memory_space<vmem>>, vector<1x16xf32>,
        %get3A_275 = vector.shape_cast %get3A_274 : vector<1x16xf32> to vector<16xf32>
        %max3A_276 = arith.maximumf %max3A_269, %get3A_275 : vector<16xf32>
        %add3A_277 = arith.constant 10 : i32
        %add3A_278 = arith.addi %mul3A_98, %add3A_277 : i32
        %get3A_279 = arith.index_cast %add3A_278 : i32 to index
        %get3A_280 = arith.constant 16 : index
        %get3A_281 = tpu.vector_load %arg7[%get3A_279, %get3A_280] {strides = array<i32>} : memref<128x128xf32, #tpu.memory_space<vmem>>, vector<1x16xf32>,
        %get3A_282 = vector.shape_cast %get3A_281 : vector<1x16xf32> to vector<16xf32>
        %max3A_283 = arith.maximumf %max3A_276, %get3A_282 : vector<16xf32>
        %add3A_284 = arith.constant 11 : i32
        %add3A_285 = arith.addi %mul3A_98, %add3A_284 : i32
        %get3A_286 = arith.index_cast %add3A_285 : i32 to index
        %get3A_287 = arith.constant 16 : index
        %get3A_288 = tpu.vector_load %arg7[%get3A_286, %get3A_287] {strides = array<i32>} : memref<128x128xf32, #tpu.memory_space<vmem>>, vector<1x16xf32>,
        %get3A_289 = vector.shape_cast %get3A_288 : vector<1x16xf32> to vector<16xf32>
        %max3A_290 = arith.maximumf %max3A_283, %get3A_289 : vector<16xf32>
        %add3A_291 = arith.constant 12 : i32
        %add3A_292 = arith.addi %mul3A_98, %add3A_291 : i32
        %get3A_293 = arith.index_cast %add3A_292 : i32 to index
        %get3A_294 = arith.constant 16 : index
        %get3A_295 = tpu.vector_load %arg7[%get3A_293, %get3A_294] {strides = array<i32>} : memref<128x128xf32, #tpu.memory_space<vmem>>, vector<1x16xf32>,
        %get3A_296 = vector.shape_cast %get3A_295 : vector<1x16xf32> to vector<16xf32>
        %max3A_297 = arith.maximumf %max3A_290, %get3A_296 : vector<16xf32>
        %add3A_298 = arith.constant 13 : i32
        %add3A_299 = arith.addi %mul3A_98, %add3A_298 : i32
        %get3A_300 = arith.index_cast %add3A_299 : i32 to index
        %get3A_301 = arith.constant 16 : index
        %get3A_302 = tpu.vector_load %arg7[%get3A_300, %get3A_301] {strides = array<i32>} : memref<128x128xf32, #tpu.memory_space<vmem>>, vector<1x16xf32>,
        %get3A_303 = vector.shape_cast %get3A_302 : vector<1x16xf32> to vector<16xf32>
        %max3A_304 = arith.maximumf %max3A_297, %get3A_303 : vector<16xf32>
        %add3A_305 = arith.constant 14 : i32
        %add3A_306 = arith.addi %mul3A_98, %add3A_305 : i32
        %get3A_307 = arith.index_cast %add3A_306 : i32 to index
        %get3A_308 = arith.constant 16 : index
        %get3A_309 = tpu.vector_load %arg7[%get3A_307, %get3A_308] {strides = array<i32>} : memref<128x128xf32, #tpu.memory_space<vmem>>, vector<1x16xf32>,
        %get3A_310 = vector.shape_cast %get3A_309 : vector<1x16xf32> to vector<16xf32>
        %max3A_311 = arith.maximumf %max3A_304, %get3A_310 : vector<16xf32>
        %add3A_312 = arith.constant 15 : i32
        %add3A_313 = arith.addi %mul3A_98, %add3A_312 : i32
        %get3A_314 = arith.index_cast %add3A_313 : i32 to index
        %get3A_315 = arith.constant 16 : index
        %get3A_316 = tpu.vector_load %arg7[%get3A_314, %get3A_315] {strides = array<i32>} : memref<128x128xf32, #tpu.memory_space<vmem>>, vector<1x16xf32>,
        %get3A_317 = vector.shape_cast %get3A_316 : vector<1x16xf32> to vector<16xf32>
        %max3A_318 = arith.maximumf %max3A_311, %get3A_317 : vector<16xf32>
        %swap3A_319 = arith.index_cast %scan3A_95 : i32 to index
        %swap3A_320 = arith.constant 16 : index
        %swap3A_321 = tpu.vector_load %arg9[%swap3A_319, %swap3A_320] {strides = array<i32>} : memref<8x128xf32, #tpu.memory_space<vmem>>, vector<1x16xf32>,
        %swap3A_322 = vector.shape_cast %swap3A_321 : vector<1x16xf32> to vector<16xf32>
        %swap3A_323 = vector.shape_cast %max3A_318 : vector<16xf32> to vector<1x16xf32>
        tpu.vector_store %arg9[%swap3A_319, %swap3A_320], %swap3A_323 {strides = array<i32>} : memref<8x128xf32, #tpu.memory_space<vmem>>, vector<1x16xf32>,
        %get3A_324 = arith.index_cast %mul3A_98 : i32 to index
        %get3A_325 = arith.constant 32 : index
        %get3A_326 = tpu.vector_load %arg7[%get3A_324, %get3A_325] {strides = array<i32>} : memref<128x128xf32, #tpu.memory_space<vmem>>, vector<1x16xf32>,
        %get3A_327 = vector.shape_cast %get3A_326 : vector<1x16xf32> to vector<16xf32>
        %add3A_328 = arith.constant 1 : i32
        %add3A_329 = arith.addi %mul3A_98, %add3A_328 : i32
        %get3A_330 = arith.index_cast %add3A_329 : i32 to index
        %get3A_331 = arith.constant 32 : index
        %get3A_332 = tpu.vector_load %arg7[%get3A_330, %get3A_331] {strides = array<i32>} : memref<128x128xf32, #tpu.memory_space<vmem>>, vector<1x16xf32>,
        %get3A_333 = vector.shape_cast %get3A_332 : vector<1x16xf32> to vector<16xf32>
        %max3A_334 = arith.maximumf %get3A_327, %get3A_333 : vector<16xf32>
        %add3A_335 = arith.constant 2 : i32
        %add3A_336 = arith.addi %mul3A_98, %add3A_335 : i32
        %get3A_337 = arith.index_cast %add3A_336 : i32 to index
        %get3A_338 = arith.constant 32 : index
        %get3A_339 = tpu.vector_load %arg7[%get3A_337, %get3A_338] {strides = array<i32>} : memref<128x128xf32, #tpu.memory_space<vmem>>, vector<1x16xf32>,
        %get3A_340 = vector.shape_cast %get3A_339 : vector<1x16xf32> to vector<16xf32>
        %max3A_341 = arith.maximumf %max3A_334, %get3A_340 : vector<16xf32>
        %add3A_342 = arith.constant 3 : i32
        %add3A_343 = arith.addi %mul3A_98, %add3A_342 : i32
        %get3A_344 = arith.index_cast %add3A_343 : i32 to index
        %get3A_345 = arith.constant 32 : index
        %get3A_346 = tpu.vector_load %arg7[%get3A_344, %get3A_345] {strides = array<i32>} : memref<128x128xf32, #tpu.memory_space<vmem>>, vector<1x16xf32>,
        %get3A_347 = vector.shape_cast %get3A_346 : vector<1x16xf32> to vector<16xf32>
        %max3A_348 = arith.maximumf %max3A_341, %get3A_347 : vector<16xf32>
        %add3A_349 = arith.constant 4 : i32
        %add3A_350 = arith.addi %mul3A_98, %add3A_349 : i32
        %get3A_351 = arith.index_cast %add3A_350 : i32 to index
        %get3A_352 = arith.constant 32 : index
        %get3A_353 = tpu.vector_load %arg7[%get3A_351, %get3A_352] {strides = array<i32>} : memref<128x128xf32, #tpu.memory_space<vmem>>, vector<1x16xf32>,
        %get3A_354 = vector.shape_cast %get3A_353 : vector<1x16xf32> to vector<16xf32>
        %max3A_355 = arith.maximumf %max3A_348, %get3A_354 : vector<16xf32>
        %add3A_356 = arith.constant 5 : i32
        %add3A_357 = arith.addi %mul3A_98, %add3A_356 : i32
        %get3A_358 = arith.index_cast %add3A_357 : i32 to index
        %get3A_359 = arith.constant 32 : index
        %get3A_360 = tpu.vector_load %arg7[%get3A_358, %get3A_359] {strides = array<i32>} : memref<128x128xf32, #tpu.memory_space<vmem>>, vector<1x16xf32>,
        %get3A_361 = vector.shape_cast %get3A_360 : vector<1x16xf32> to vector<16xf32>
        %max3A_362 = arith.maximumf %max3A_355, %get3A_361 : vector<16xf32>
        %add3A_363 = arith.constant 6 : i32
        %add3A_364 = arith.addi %mul3A_98, %add3A_363 : i32
        %get3A_365 = arith.index_cast %add3A_364 : i32 to index
        %get3A_366 = arith.constant 32 : index
        %get3A_367 = tpu.vector_load %arg7[%get3A_365, %get3A_366] {strides = array<i32>} : memref<128x128xf32, #tpu.memory_space<vmem>>, vector<1x16xf32>,
        %get3A_368 = vector.shape_cast %get3A_367 : vector<1x16xf32> to vector<16xf32>
        %max3A_369 = arith.maximumf %max3A_362, %get3A_368 : vector<16xf32>
        %add3A_370 = arith.constant 7 : i32
        %add3A_371 = arith.addi %mul3A_98, %add3A_370 : i32
        %get3A_372 = arith.index_cast %add3A_371 : i32 to index
        %get3A_373 = arith.constant 32 : index
        %get3A_374 = tpu.vector_load %arg7[%get3A_372, %get3A_373] {strides = array<i32>} : memref<128x128xf32, #tpu.memory_space<vmem>>, vector<1x16xf32>,
        %get3A_375 = vector.shape_cast %get3A_374 : vector<1x16xf32> to vector<16xf32>
        %max3A_376 = arith.maximumf %max3A_369, %get3A_375 : vector<16xf32>
        %add3A_377 = arith.constant 8 : i32
        %add3A_378 = arith.addi %mul3A_98, %add3A_377 : i32
        %get3A_379 = arith.index_cast %add3A_378 : i32 to index
        %get3A_380 = arith.constant 32 : index
        %get3A_381 = tpu.vector_load %arg7[%get3A_379, %get3A_380] {strides = array<i32>} : memref<128x128xf32, #tpu.memory_space<vmem>>, vector<1x16xf32>,
        %get3A_382 = vector.shape_cast %get3A_381 : vector<1x16xf32> to vector<16xf32>
        %max3A_383 = arith.maximumf %max3A_376, %get3A_382 : vector<16xf32>
        %add3A_384 = arith.constant 9 : i32
        %add3A_385 = arith.addi %mul3A_98, %add3A_384 : i32
        %get3A_386 = arith.index_cast %add3A_385 : i32 to index
        %get3A_387 = arith.constant 32 : index
        %get3A_388 = tpu.vector_load %arg7[%get3A_386, %get3A_387] {strides = array<i32>} : memref<128x128xf32, #tpu.memory_space<vmem>>, vector<1x16xf32>,
        %get3A_389 = vector.shape_cast %get3A_388 : vector<1x16xf32> to vector<16xf32>
        %max3A_390 = arith.maximumf %max3A_383, %get3A_389 : vector<16xf32>
        %add3A_391 = arith.constant 10 : i32
        %add3A_392 = arith.addi %mul3A_98, %add3A_391 : i32
        %get3A_393 = arith.index_cast %add3A_392 : i32 to index
        %get3A_394 = arith.constant 32 : index
        %get3A_395 = tpu.vector_load %arg7[%get3A_393, %get3A_394] {strides = array<i32>} : memref<128x128xf32, #tpu.memory_space<vmem>>, vector<1x16xf32>,
        %get3A_396 = vector.shape_cast %get3A_395 : vector<1x16xf32> to vector<16xf32>
        %max3A_397 = arith.maximumf %max3A_390, %get3A_396 : vector<16xf32>
        %add3A_398 = arith.constant 11 : i32
        %add3A_399 = arith.addi %mul3A_98, %add3A_398 : i32
        %get3A_400 = arith.index_cast %add3A_399 : i32 to index
        %get3A_401 = arith.constant 32 : index
        %get3A_402 = tpu.vector_load %arg7[%get3A_400, %get3A_401] {strides = array<i32>} : memref<128x128xf32, #tpu.memory_space<vmem>>, vector<1x16xf32>,
        %get3A_403 = vector.shape_cast %get3A_402 : vector<1x16xf32> to vector<16xf32>
        %max3A_404 = arith.maximumf %max3A_397, %get3A_403 : vector<16xf32>
        %add3A_405 = arith.constant 12 : i32
        %add3A_406 = arith.addi %mul3A_98, %add3A_405 : i32
        %get3A_407 = arith.index_cast %add3A_406 : i32 to index
        %get3A_408 = arith.constant 32 : index
        %get3A_409 = tpu.vector_load %arg7[%get3A_407, %get3A_408] {strides = array<i32>} : memref<128x128xf32, #tpu.memory_space<vmem>>, vector<1x16xf32>,
        %get3A_410 = vector.shape_cast %get3A_409 : vector<1x16xf32> to vector<16xf32>
        %max3A_411 = arith.maximumf %max3A_404, %get3A_410 : vector<16xf32>
        %add3A_412 = arith.constant 13 : i32
        %add3A_413 = arith.addi %mul3A_98, %add3A_412 : i32
        %get3A_414 = arith.index_cast %add3A_413 : i32 to index
        %get3A_415 = arith.constant 32 : index
        %get3A_416 = tpu.vector_load %arg7[%get3A_414, %get3A_415] {strides = array<i32>} : memref<128x128xf32, #tpu.memory_space<vmem>>, vector<1x16xf32>,
        %get3A_417 = vector.shape_cast %get3A_416 : vector<1x16xf32> to vector<16xf32>
        %max3A_418 = arith.maximumf %max3A_411, %get3A_417 : vector<16xf32>
        %add3A_419 = arith.constant 14 : i32
        %add3A_420 = arith.addi %mul3A_98, %add3A_419 : i32
        %get3A_421 = arith.index_cast %add3A_420 : i32 to index
        %get3A_422 = arith.constant 32 : index
        %get3A_423 = tpu.vector_load %arg7[%get3A_421, %get3A_422] {strides = array<i32>} : memref<128x128xf32, #tpu.memory_space<vmem>>, vector<1x16xf32>,
        %get3A_424 = vector.shape_cast %get3A_423 : vector<1x16xf32> to vector<16xf32>
        %max3A_425 = arith.maximumf %max3A_418, %get3A_424 : vector<16xf32>
        %add3A_426 = arith.constant 15 : i32
        %add3A_427 = arith.addi %mul3A_98, %add3A_426 : i32
        %get3A_428 = arith.index_cast %add3A_427 : i32 to index
        %get3A_429 = arith.constant 32 : index
        %get3A_430 = tpu.vector_load %arg7[%get3A_428, %get3A_429] {strides = array<i32>} : memref<128x128xf32, #tpu.memory_space<vmem>>, vector<1x16xf32>,
        %get3A_431 = vector.shape_cast %get3A_430 : vector<1x16xf32> to vector<16xf32>
        %max3A_432 = arith.maximumf %max3A_425, %get3A_431 : vector<16xf32>
        %swap3A_433 = arith.index_cast %scan3A_95 : i32 to index
        %swap3A_434 = arith.constant 32 : index
        %swap3A_435 = tpu.vector_load %arg9[%swap3A_433, %swap3A_434] {strides = array<i32>} : memref<8x128xf32, #tpu.memory_space<vmem>>, vector<1x16xf32>,
        %swap3A_436 = vector.shape_cast %swap3A_435 : vector<1x16xf32> to vector<16xf32>
        %swap3A_437 = vector.shape_cast %max3A_432 : vector<16xf32> to vector<1x16xf32>
        tpu.vector_store %arg9[%swap3A_433, %swap3A_434], %swap3A_437 {strides = array<i32>} : memref<8x128xf32, #tpu.memory_space<vmem>>, vector<1x16xf32>,
        %get3A_438 = arith.index_cast %mul3A_98 : i32 to index
        %get3A_439 = arith.constant 48 : index
        %get3A_440 = tpu.vector_load %arg7[%get3A_438, %get3A_439] {strides = array<i32>} : memref<128x128xf32, #tpu.memory_space<vmem>>, vector<1x16xf32>,
        %get3A_441 = vector.shape_cast %get3A_440 : vector<1x16xf32> to vector<16xf32>
        %add3A_442 = arith.constant 1 : i32
        %add3A_443 = arith.addi %mul3A_98, %add3A_442 : i32
        %get3A_444 = arith.index_cast %add3A_443 : i32 to index
        %get3A_445 = arith.constant 48 : index
        %get3A_446 = tpu.vector_load %arg7[%get3A_444, %get3A_445] {strides = array<i32>} : memref<128x128xf32, #tpu.memory_space<vmem>>, vector<1x16xf32>,
        %get3A_447 = vector.shape_cast %get3A_446 : vector<1x16xf32> to vector<16xf32>
        %max3A_448 = arith.maximumf %get3A_441, %get3A_447 : vector<16xf32>
        %add3A_449 = arith.constant 2 : i32
        %add3A_450 = arith.addi %mul3A_98, %add3A_449 : i32
        %get3A_451 = arith.index_cast %add3A_450 : i32 to index
        %get3A_452 = arith.constant 48 : index
        %get3A_453 = tpu.vector_load %arg7[%get3A_451, %get3A_452] {strides = array<i32>} : memref<128x128xf32, #tpu.memory_space<vmem>>, vector<1x16xf32>,
        %get3A_454 = vector.shape_cast %get3A_453 : vector<1x16xf32> to vector<16xf32>
        %max3A_455 = arith.maximumf %max3A_448, %get3A_454 : vector<16xf32>
        %add3A_456 = arith.constant 3 : i32
        %add3A_457 = arith.addi %mul3A_98, %add3A_456 : i32
        %get3A_458 = arith.index_cast %add3A_457 : i32 to index
        %get3A_459 = arith.constant 48 : index
        %get3A_460 = tpu.vector_load %arg7[%get3A_458, %get3A_459] {strides = array<i32>} : memref<128x128xf32, #tpu.memory_space<vmem>>, vector<1x16xf32>,
        %get3A_461 = vector.shape_cast %get3A_460 : vector<1x16xf32> to vector<16xf32>
        %max3A_462 = arith.maximumf %max3A_455, %get3A_461 : vector<16xf32>
        %add3A_463 = arith.constant 4 : i32
        %add3A_464 = arith.addi %mul3A_98, %add3A_463 : i32
        %get3A_465 = arith.index_cast %add3A_464 : i32 to index
        %get3A_466 = arith.constant 48 : index
        %get3A_467 = tpu.vector_load %arg7[%get3A_465, %get3A_466] {strides = array<i32>} : memref<128x128xf32, #tpu.memory_space<vmem>>, vector<1x16xf32>,
        %get3A_468 = vector.shape_cast %get3A_467 : vector<1x16xf32> to vector<16xf32>
        %max3A_469 = arith.maximumf %max3A_462, %get3A_468 : vector<16xf32>
        %add3A_470 = arith.constant 5 : i32
        %add3A_471 = arith.addi %mul3A_98, %add3A_470 : i32
        %get3A_472 = arith.index_cast %add3A_471 : i32 to index
        %get3A_473 = arith.constant 48 : index
        %get3A_474 = tpu.vector_load %arg7[%get3A_472, %get3A_473] {strides = array<i32>} : memref<128x128xf32, #tpu.memory_space<vmem>>, vector<1x16xf32>,
        %get3A_475 = vector.shape_cast %get3A_474 : vector<1x16xf32> to vector<16xf32>
        %max3A_476 = arith.maximumf %max3A_469, %get3A_475 : vector<16xf32>
        %add3A_477 = arith.constant 6 : i32
        %add3A_478 = arith.addi %mul3A_98, %add3A_477 : i32
        %get3A_479 = arith.index_cast %add3A_478 : i32 to index
        %get3A_480 = arith.constant 48 : index
        %get3A_481 = tpu.vector_load %arg7[%get3A_479, %get3A_480] {strides = array<i32>} : memref<128x128xf32, #tpu.memory_space<vmem>>, vector<1x16xf32>,
        %get3A_482 = vector.shape_cast %get3A_481 : vector<1x16xf32> to vector<16xf32>
        %max3A_483 = arith.maximumf %max3A_476, %get3A_482 : vector<16xf32>
        %add3A_484 = arith.constant 7 : i32
        %add3A_485 = arith.addi %mul3A_98, %add3A_484 : i32
        %get3A_486 = arith.index_cast %add3A_485 : i32 to index
        %get3A_487 = arith.constant 48 : index
        %get3A_488 = tpu.vector_load %arg7[%get3A_486, %get3A_487] {strides = array<i32>} : memref<128x128xf32, #tpu.memory_space<vmem>>, vector<1x16xf32>,
        %get3A_489 = vector.shape_cast %get3A_488 : vector<1x16xf32> to vector<16xf32>
        %max3A_490 = arith.maximumf %max3A_483, %get3A_489 : vector<16xf32>
        %add3A_491 = arith.constant 8 : i32
        %add3A_492 = arith.addi %mul3A_98, %add3A_491 : i32
        %get3A_493 = arith.index_cast %add3A_492 : i32 to index
        %get3A_494 = arith.constant 48 : index
        %get3A_495 = tpu.vector_load %arg7[%get3A_493, %get3A_494] {strides = array<i32>} : memref<128x128xf32, #tpu.memory_space<vmem>>, vector<1x16xf32>,
        %get3A_496 = vector.shape_cast %get3A_495 : vector<1x16xf32> to vector<16xf32>
        %max3A_497 = arith.maximumf %max3A_490, %get3A_496 : vector<16xf32>
        %add3A_498 = arith.constant 9 : i32
        %add3A_499 = arith.addi %mul3A_98, %add3A_498 : i32
        %get3A_500 = arith.index_cast %add3A_499 : i32 to index
        %get3A_501 = arith.constant 48 : index
        %get3A_502 = tpu.vector_load %arg7[%get3A_500, %get3A_501] {strides = array<i32>} : memref<128x128xf32, #tpu.memory_space<vmem>>, vector<1x16xf32>,
        %get3A_503 = vector.shape_cast %get3A_502 : vector<1x16xf32> to vector<16xf32>
        %max3A_504 = arith.maximumf %max3A_497, %get3A_503 : vector<16xf32>
        %add3A_505 = arith.constant 10 : i32
        %add3A_506 = arith.addi %mul3A_98, %add3A_505 : i32
        %get3A_507 = arith.index_cast %add3A_506 : i32 to index
        %get3A_508 = arith.constant 48 : index
        %get3A_509 = tpu.vector_load %arg7[%get3A_507, %get3A_508] {strides = array<i32>} : memref<128x128xf32, #tpu.memory_space<vmem>>, vector<1x16xf32>,
        %get3A_510 = vector.shape_cast %get3A_509 : vector<1x16xf32> to vector<16xf32>
        %max3A_511 = arith.maximumf %max3A_504, %get3A_510 : vector<16xf32>
        %add3A_512 = arith.constant 11 : i32
        %add3A_513 = arith.addi %mul3A_98, %add3A_512 : i32
        %get3A_514 = arith.index_cast %add3A_513 : i32 to index
        %get3A_515 = arith.constant 48 : index
        %get3A_516 = tpu.vector_load %arg7[%get3A_514, %get3A_515] {strides = array<i32>} : memref<128x128xf32, #tpu.memory_space<vmem>>, vector<1x16xf32>,
        %get3A_517 = vector.shape_cast %get3A_516 : vector<1x16xf32> to vector<16xf32>
        %max3A_518 = arith.maximumf %max3A_511, %get3A_517 : vector<16xf32>
        %add3A_519 = arith.constant 12 : i32
        %add3A_520 = arith.addi %mul3A_98, %add3A_519 : i32
        %get3A_521 = arith.index_cast %add3A_520 : i32 to index
        %get3A_522 = arith.constant 48 : index
        %get3A_523 = tpu.vector_load %arg7[%get3A_521, %get3A_522] {strides = array<i32>} : memref<128x128xf32, #tpu.memory_space<vmem>>, vector<1x16xf32>,
        %get3A_524 = vector.shape_cast %get3A_523 : vector<1x16xf32> to vector<16xf32>
        %max3A_525 = arith.maximumf %max3A_518, %get3A_524 : vector<16xf32>
        %add3A_526 = arith.constant 13 : i32
        %add3A_527 = arith.addi %mul3A_98, %add3A_526 : i32
        %get3A_528 = arith.index_cast %add3A_527 : i32 to index
        %get3A_529 = arith.constant 48 : index
        %get3A_530 = tpu.vector_load %arg7[%get3A_528, %get3A_529] {strides = array<i32>} : memref<128x128xf32, #tpu.memory_space<vmem>>, vector<1x16xf32>,
        %get3A_531 = vector.shape_cast %get3A_530 : vector<1x16xf32> to vector<16xf32>
        %max3A_532 = arith.maximumf %max3A_525, %get3A_531 : vector<16xf32>
        %add3A_533 = arith.constant 14 : i32
        %add3A_534 = arith.addi %mul3A_98, %add3A_533 : i32
        %get3A_535 = arith.index_cast %add3A_534 : i32 to index
        %get3A_536 = arith.constant 48 : index
        %get3A_537 = tpu.vector_load %arg7[%get3A_535, %get3A_536] {strides = array<i32>} : memref<128x128xf32, #tpu.memory_space<vmem>>, vector<1x16xf32>,
        %get3A_538 = vector.shape_cast %get3A_537 : vector<1x16xf32> to vector<16xf32>
        %max3A_539 = arith.maximumf %max3A_532, %get3A_538 : vector<16xf32>
        %add3A_540 = arith.constant 15 : i32
        %add3A_541 = arith.addi %mul3A_98, %add3A_540 : i32
        %get3A_542 = arith.index_cast %add3A_541 : i32 to index
        %get3A_543 = arith.constant 48 : index
        %get3A_544 = tpu.vector_load %arg7[%get3A_542, %get3A_543] {strides = array<i32>} : memref<128x128xf32, #tpu.memory_space<vmem>>, vector<1x16xf32>,
        %get3A_545 = vector.shape_cast %get3A_544 : vector<1x16xf32> to vector<16xf32>
        %max3A_546 = arith.maximumf %max3A_539, %get3A_545 : vector<16xf32>
        %swap3A_547 = arith.index_cast %scan3A_95 : i32 to index
        %swap3A_548 = arith.constant 48 : index
        %swap3A_549 = tpu.vector_load %arg9[%swap3A_547, %swap3A_548] {strides = array<i32>} : memref<8x128xf32, #tpu.memory_space<vmem>>, vector<1x16xf32>,
        %swap3A_550 = vector.shape_cast %swap3A_549 : vector<1x16xf32> to vector<16xf32>
        %swap3A_551 = vector.shape_cast %max3A_546 : vector<16xf32> to vector<1x16xf32>
        tpu.vector_store %arg9[%swap3A_547, %swap3A_548], %swap3A_551 {strides = array<i32>} : memref<8x128xf32, #tpu.memory_space<vmem>>, vector<1x16xf32>,
        %get3A_552 = arith.index_cast %mul3A_98 : i32 to index
        %get3A_553 = arith.constant 64 : index
        %get3A_554 = tpu.vector_load %arg7[%get3A_552, %get3A_553] {strides = array<i32>} : memref<128x128xf32, #tpu.memory_space<vmem>>, vector<1x16xf32>,
        %get3A_555 = vector.shape_cast %get3A_554 : vector<1x16xf32> to vector<16xf32>
        %add3A_556 = arith.constant 1 : i32
        %add3A_557 = arith.addi %mul3A_98, %add3A_556 : i32
        %get3A_558 = arith.index_cast %add3A_557 : i32 to index
        %get3A_559 = arith.constant 64 : index
        %get3A_560 = tpu.vector_load %arg7[%get3A_558, %get3A_559] {strides = array<i32>} : memref<128x128xf32, #tpu.memory_space<vmem>>, vector<1x16xf32>,
        %get3A_561 = vector.shape_cast %get3A_560 : vector<1x16xf32> to vector<16xf32>
        %max3A_562 = arith.maximumf %get3A_555, %get3A_561 : vector<16xf32>
        %add3A_563 = arith.constant 2 : i32
        %add3A_564 = arith.addi %mul3A_98, %add3A_563 : i32
        %get3A_565 = arith.index_cast %add3A_564 : i32 to index
        %get3A_566 = arith.constant 64 : index
        %get3A_567 = tpu.vector_load %arg7[%get3A_565, %get3A_566] {strides = array<i32>} : memref<128x128xf32, #tpu.memory_space<vmem>>, vector<1x16xf32>,
        %get3A_568 = vector.shape_cast %get3A_567 : vector<1x16xf32> to vector<16xf32>
        %max3A_569 = arith.maximumf %max3A_562, %get3A_568 : vector<16xf32>
        %add3A_570 = arith.constant 3 : i32
        %add3A_571 = arith.addi %mul3A_98, %add3A_570 : i32
        %get3A_572 = arith.index_cast %add3A_571 : i32 to index
        %get3A_573 = arith.constant 64 : index
        %get3A_574 = tpu.vector_load %arg7[%get3A_572, %get3A_573] {strides = array<i32>} : memref<128x128xf32, #tpu.memory_space<vmem>>, vector<1x16xf32>,
        %get3A_575 = vector.shape_cast %get3A_574 : vector<1x16xf32> to vector<16xf32>
        %max3A_576 = arith.maximumf %max3A_569, %get3A_575 : vector<16xf32>
        %add3A_577 = arith.constant 4 : i32
        %add3A_578 = arith.addi %mul3A_98, %add3A_577 : i32
        %get3A_579 = arith.index_cast %add3A_578 : i32 to index
        %get3A_580 = arith.constant 64 : index
        %get3A_581 = tpu.vector_load %arg7[%get3A_579, %get3A_580] {strides = array<i32>} : memref<128x128xf32, #tpu.memory_space<vmem>>, vector<1x16xf32>,
        %get3A_582 = vector.shape_cast %get3A_581 : vector<1x16xf32> to vector<16xf32>
        %max3A_583 = arith.maximumf %max3A_576, %get3A_582 : vector<16xf32>
        %add3A_584 = arith.constant 5 : i32
        %add3A_585 = arith.addi %mul3A_98, %add3A_584 : i32
        %get3A_586 = arith.index_cast %add3A_585 : i32 to index
        %get3A_587 = arith.constant 64 : index
        %get3A_588 = tpu.vector_load %arg7[%get3A_586, %get3A_587] {strides = array<i32>} : memref<128x128xf32, #tpu.memory_space<vmem>>, vector<1x16xf32>,
        %get3A_589 = vector.shape_cast %get3A_588 : vector<1x16xf32> to vector<16xf32>
        %max3A_590 = arith.maximumf %max3A_583, %get3A_589 : vector<16xf32>
        %add3A_591 = arith.constant 6 : i32
        %add3A_592 = arith.addi %mul3A_98, %add3A_591 : i32
        %get3A_593 = arith.index_cast %add3A_592 : i32 to index
        %get3A_594 = arith.constant 64 : index
        %get3A_595 = tpu.vector_load %arg7[%get3A_593, %get3A_594] {strides = array<i32>} : memref<128x128xf32, #tpu.memory_space<vmem>>, vector<1x16xf32>,
        %get3A_596 = vector.shape_cast %get3A_595 : vector<1x16xf32> to vector<16xf32>
        %max3A_597 = arith.maximumf %max3A_590, %get3A_596 : vector<16xf32>
        %add3A_598 = arith.constant 7 : i32
        %add3A_599 = arith.addi %mul3A_98, %add3A_598 : i32
        %get3A_600 = arith.index_cast %add3A_599 : i32 to index
        %get3A_601 = arith.constant 64 : index
        %get3A_602 = tpu.vector_load %arg7[%get3A_600, %get3A_601] {strides = array<i32>} : memref<128x128xf32, #tpu.memory_space<vmem>>, vector<1x16xf32>,
        %get3A_603 = vector.shape_cast %get3A_602 : vector<1x16xf32> to vector<16xf32>
        %max3A_604 = arith.maximumf %max3A_597, %get3A_603 : vector<16xf32>
        %add3A_605 = arith.constant 8 : i32
        %add3A_606 = arith.addi %mul3A_98, %add3A_605 : i32
        %get3A_607 = arith.index_cast %add3A_606 : i32 to index
        %get3A_608 = arith.constant 64 : index
        %get3A_609 = tpu.vector_load %arg7[%get3A_607, %get3A_608] {strides = array<i32>} : memref<128x128xf32, #tpu.memory_space<vmem>>, vector<1x16xf32>,
        %get3A_610 = vector.shape_cast %get3A_609 : vector<1x16xf32> to vector<16xf32>
        %max3A_611 = arith.maximumf %max3A_604, %get3A_610 : vector<16xf32>
        %add3A_612 = arith.constant 9 : i32
        %add3A_613 = arith.addi %mul3A_98, %add3A_612 : i32
        %get3A_614 = arith.index_cast %add3A_613 : i32 to index
        %get3A_615 = arith.constant 64 : index
        %get3A_616 = tpu.vector_load %arg7[%get3A_614, %get3A_615] {strides = array<i32>} : memref<128x128xf32, #tpu.memory_space<vmem>>, vector<1x16xf32>,
        %get3A_617 = vector.shape_cast %get3A_616 : vector<1x16xf32> to vector<16xf32>
        %max3A_618 = arith.maximumf %max3A_611, %get3A_617 : vector<16xf32>
        %add3A_619 = arith.constant 10 : i32
        %add3A_620 = arith.addi %mul3A_98, %add3A_619 : i32
        %get3A_621 = arith.index_cast %add3A_620 : i32 to index
        %get3A_622 = arith.constant 64 : index
        %get3A_623 = tpu.vector_load %arg7[%get3A_621, %get3A_622] {strides = array<i32>} : memref<128x128xf32, #tpu.memory_space<vmem>>, vector<1x16xf32>,
        %get3A_624 = vector.shape_cast %get3A_623 : vector<1x16xf32> to vector<16xf32>
        %max3A_625 = arith.maximumf %max3A_618, %get3A_624 : vector<16xf32>
        %add3A_626 = arith.constant 11 : i32
        %add3A_627 = arith.addi %mul3A_98, %add3A_626 : i32
        %get3A_628 = arith.index_cast %add3A_627 : i32 to index
        %get3A_629 = arith.constant 64 : index
        %get3A_630 = tpu.vector_load %arg7[%get3A_628, %get3A_629] {strides = array<i32>} : memref<128x128xf32, #tpu.memory_space<vmem>>, vector<1x16xf32>,
        %get3A_631 = vector.shape_cast %get3A_630 : vector<1x16xf32> to vector<16xf32>
        %max3A_632 = arith.maximumf %max3A_625, %get3A_631 : vector<16xf32>
        %add3A_633 = arith.constant 12 : i32
        %add3A_634 = arith.addi %mul3A_98, %add3A_633 : i32
        %get3A_635 = arith.index_cast %add3A_634 : i32 to index
        %get3A_636 = arith.constant 64 : index
        %get3A_637 = tpu.vector_load %arg7[%get3A_635, %get3A_636] {strides = array<i32>} : memref<128x128xf32, #tpu.memory_space<vmem>>, vector<1x16xf32>,
        %get3A_638 = vector.shape_cast %get3A_637 : vector<1x16xf32> to vector<16xf32>
        %max3A_639 = arith.maximumf %max3A_632, %get3A_638 : vector<16xf32>
        %add3A_640 = arith.constant 13 : i32
        %add3A_641 = arith.addi %mul3A_98, %add3A_640 : i32
        %get3A_642 = arith.index_cast %add3A_641 : i32 to index
        %get3A_643 = arith.constant 64 : index
        %get3A_644 = tpu.vector_load %arg7[%get3A_642, %get3A_643] {strides = array<i32>} : memref<128x128xf32, #tpu.memory_space<vmem>>, vector<1x16xf32>,
        %get3A_645 = vector.shape_cast %get3A_644 : vector<1x16xf32> to vector<16xf32>
        %max3A_646 = arith.maximumf %max3A_639, %get3A_645 : vector<16xf32>
        %add3A_647 = arith.constant 14 : i32
        %add3A_648 = arith.addi %mul3A_98, %add3A_647 : i32
        %get3A_649 = arith.index_cast %add3A_648 : i32 to index
        %get3A_650 = arith.constant 64 : index
        %get3A_651 = tpu.vector_load %arg7[%get3A_649, %get3A_650] {strides = array<i32>} : memref<128x128xf32, #tpu.memory_space<vmem>>, vector<1x16xf32>,
        %get3A_652 = vector.shape_cast %get3A_651 : vector<1x16xf32> to vector<16xf32>
        %max3A_653 = arith.maximumf %max3A_646, %get3A_652 : vector<16xf32>
        %add3A_654 = arith.constant 15 : i32
        %add3A_655 = arith.addi %mul3A_98, %add3A_654 : i32
        %get3A_656 = arith.index_cast %add3A_655 : i32 to index
        %get3A_657 = arith.constant 64 : index
        %get3A_658 = tpu.vector_load %arg7[%get3A_656, %get3A_657] {strides = array<i32>} : memref<128x128xf32, #tpu.memory_space<vmem>>, vector<1x16xf32>,
        %get3A_659 = vector.shape_cast %get3A_658 : vector<1x16xf32> to vector<16xf32>
        %max3A_660 = arith.maximumf %max3A_653, %get3A_659 : vector<16xf32>
        %swap3A_661 = arith.index_cast %scan3A_95 : i32 to index
        %swap3A_662 = arith.constant 64 : index
        %swap3A_663 = tpu.vector_load %arg9[%swap3A_661, %swap3A_662] {strides = array<i32>} : memref<8x128xf32, #tpu.memory_space<vmem>>, vector<1x16xf32>,
        %swap3A_664 = vector.shape_cast %swap3A_663 : vector<1x16xf32> to vector<16xf32>
        %swap3A_665 = vector.shape_cast %max3A_660 : vector<16xf32> to vector<1x16xf32>
        tpu.vector_store %arg9[%swap3A_661, %swap3A_662], %swap3A_665 {strides = array<i32>} : memref<8x128xf32, #tpu.memory_space<vmem>>, vector<1x16xf32>,
        %get3A_666 = arith.index_cast %mul3A_98 : i32 to index
        %get3A_667 = arith.constant 80 : index
        %get3A_668 = tpu.vector_load %arg7[%get3A_666, %get3A_667] {strides = array<i32>} : memref<128x128xf32, #tpu.memory_space<vmem>>, vector<1x16xf32>,
        %get3A_669 = vector.shape_cast %get3A_668 : vector<1x16xf32> to vector<16xf32>
        %add3A_670 = arith.constant 1 : i32
        %add3A_671 = arith.addi %mul3A_98, %add3A_670 : i32
        %get3A_672 = arith.index_cast %add3A_671 : i32 to index
        %get3A_673 = arith.constant 80 : index
        %get3A_674 = tpu.vector_load %arg7[%get3A_672, %get3A_673] {strides = array<i32>} : memref<128x128xf32, #tpu.memory_space<vmem>>, vector<1x16xf32>,
        %get3A_675 = vector.shape_cast %get3A_674 : vector<1x16xf32> to vector<16xf32>
        %max3A_676 = arith.maximumf %get3A_669, %get3A_675 : vector<16xf32>
        %add3A_677 = arith.constant 2 : i32
        %add3A_678 = arith.addi %mul3A_98, %add3A_677 : i32
        %get3A_679 = arith.index_cast %add3A_678 : i32 to index
        %get3A_680 = arith.constant 80 : index
        %get3A_681 = tpu.vector_load %arg7[%get3A_679, %get3A_680] {strides = array<i32>} : memref<128x128xf32, #tpu.memory_space<vmem>>, vector<1x16xf32>,
        %get3A_682 = vector.shape_cast %get3A_681 : vector<1x16xf32> to vector<16xf32>
        %max3A_683 = arith.maximumf %max3A_676, %get3A_682 : vector<16xf32>
        %add3A_684 = arith.constant 3 : i32
        %add3A_685 = arith.addi %mul3A_98, %add3A_684 : i32
        %get3A_686 = arith.index_cast %add3A_685 : i32 to index
        %get3A_687 = arith.constant 80 : index
        %get3A_688 = tpu.vector_load %arg7[%get3A_686, %get3A_687] {strides = array<i32>} : memref<128x128xf32, #tpu.memory_space<vmem>>, vector<1x16xf32>,
        %get3A_689 = vector.shape_cast %get3A_688 : vector<1x16xf32> to vector<16xf32>
        %max3A_690 = arith.maximumf %max3A_683, %get3A_689 : vector<16xf32>
        %add3A_691 = arith.constant 4 : i32
        %add3A_692 = arith.addi %mul3A_98, %add3A_691 : i32
        %get3A_693 = arith.index_cast %add3A_692 : i32 to index
        %get3A_694 = arith.constant 80 : index
        %get3A_695 = tpu.vector_load %arg7[%get3A_693, %get3A_694] {strides = array<i32>} : memref<128x128xf32, #tpu.memory_space<vmem>>, vector<1x16xf32>,
        %get3A_696 = vector.shape_cast %get3A_695 : vector<1x16xf32> to vector<16xf32>
        %max3A_697 = arith.maximumf %max3A_690, %get3A_696 : vector<16xf32>
        %add3A_698 = arith.constant 5 : i32
        %add3A_699 = arith.addi %mul3A_98, %add3A_698 : i32
        %get3A_700 = arith.index_cast %add3A_699 : i32 to index
        %get3A_701 = arith.constant 80 : index
        %get3A_702 = tpu.vector_load %arg7[%get3A_700, %get3A_701] {strides = array<i32>} : memref<128x128xf32, #tpu.memory_space<vmem>>, vector<1x16xf32>,
        %get3A_703 = vector.shape_cast %get3A_702 : vector<1x16xf32> to vector<16xf32>
        %max3A_704 = arith.maximumf %max3A_697, %get3A_703 : vector<16xf32>
        %add3A_705 = arith.constant 6 : i32
        %add3A_706 = arith.addi %mul3A_98, %add3A_705 : i32
        %get3A_707 = arith.index_cast %add3A_706 : i32 to index
        %get3A_708 = arith.constant 80 : index
        %get3A_709 = tpu.vector_load %arg7[%get3A_707, %get3A_708] {strides = array<i32>} : memref<128x128xf32, #tpu.memory_space<vmem>>, vector<1x16xf32>,
        %get3A_710 = vector.shape_cast %get3A_709 : vector<1x16xf32> to vector<16xf32>
        %max3A_711 = arith.maximumf %max3A_704, %get3A_710 : vector<16xf32>
        %add3A_712 = arith.constant 7 : i32
        %add3A_713 = arith.addi %mul3A_98, %add3A_712 : i32
        %get3A_714 = arith.index_cast %add3A_713 : i32 to index
        %get3A_715 = arith.constant 80 : index
        %get3A_716 = tpu.vector_load %arg7[%get3A_714, %get3A_715] {strides = array<i32>} : memref<128x128xf32, #tpu.memory_space<vmem>>, vector<1x16xf32>,
        %get3A_717 = vector.shape_cast %get3A_716 : vector<1x16xf32> to vector<16xf32>
        %max3A_718 = arith.maximumf %max3A_711, %get3A_717 : vector<16xf32>
        %add3A_719 = arith.constant 8 : i32
        %add3A_720 = arith.addi %mul3A_98, %add3A_719 : i32
        %get3A_721 = arith.index_cast %add3A_720 : i32 to index
        %get3A_722 = arith.constant 80 : index
        %get3A_723 = tpu.vector_load %arg7[%get3A_721, %get3A_722] {strides = array<i32>} : memref<128x128xf32, #tpu.memory_space<vmem>>, vector<1x16xf32>,
        %get3A_724 = vector.shape_cast %get3A_723 : vector<1x16xf32> to vector<16xf32>
        %max3A_725 = arith.maximumf %max3A_718, %get3A_724 : vector<16xf32>
        %add3A_726 = arith.constant 9 : i32
        %add3A_727 = arith.addi %mul3A_98, %add3A_726 : i32
        %get3A_728 = arith.index_cast %add3A_727 : i32 to index
        %get3A_729 = arith.constant 80 : index
        %get3A_730 = tpu.vector_load %arg7[%get3A_728, %get3A_729] {strides = array<i32>} : memref<128x128xf32, #tpu.memory_space<vmem>>, vector<1x16xf32>,
        %get3A_731 = vector.shape_cast %get3A_730 : vector<1x16xf32> to vector<16xf32>
        %max3A_732 = arith.maximumf %max3A_725, %get3A_731 : vector<16xf32>
        %add3A_733 = arith.constant 10 : i32
        %add3A_734 = arith.addi %mul3A_98, %add3A_733 : i32
        %get3A_735 = arith.index_cast %add3A_734 : i32 to index
        %get3A_736 = arith.constant 80 : index
        %get3A_737 = tpu.vector_load %arg7[%get3A_735, %get3A_736] {strides = array<i32>} : memref<128x128xf32, #tpu.memory_space<vmem>>, vector<1x16xf32>,
        %get3A_738 = vector.shape_cast %get3A_737 : vector<1x16xf32> to vector<16xf32>
        %max3A_739 = arith.maximumf %max3A_732, %get3A_738 : vector<16xf32>
        %add3A_740 = arith.constant 11 : i32
        %add3A_741 = arith.addi %mul3A_98, %add3A_740 : i32
        %get3A_742 = arith.index_cast %add3A_741 : i32 to index
        %get3A_743 = arith.constant 80 : index
        %get3A_744 = tpu.vector_load %arg7[%get3A_742, %get3A_743] {strides = array<i32>} : memref<128x128xf32, #tpu.memory_space<vmem>>, vector<1x16xf32>,
        %get3A_745 = vector.shape_cast %get3A_744 : vector<1x16xf32> to vector<16xf32>
        %max3A_746 = arith.maximumf %max3A_739, %get3A_745 : vector<16xf32>
        %add3A_747 = arith.constant 12 : i32
        %add3A_748 = arith.addi %mul3A_98, %add3A_747 : i32
        %get3A_749 = arith.index_cast %add3A_748 : i32 to index
        %get3A_750 = arith.constant 80 : index
        %get3A_751 = tpu.vector_load %arg7[%get3A_749, %get3A_750] {strides = array<i32>} : memref<128x128xf32, #tpu.memory_space<vmem>>, vector<1x16xf32>,
        %get3A_752 = vector.shape_cast %get3A_751 : vector<1x16xf32> to vector<16xf32>
        %max3A_753 = arith.maximumf %max3A_746, %get3A_752 : vector<16xf32>
        %add3A_754 = arith.constant 13 : i32
        %add3A_755 = arith.addi %mul3A_98, %add3A_754 : i32
        %get3A_756 = arith.index_cast %add3A_755 : i32 to index
        %get3A_757 = arith.constant 80 : index
        %get3A_758 = tpu.vector_load %arg7[%get3A_756, %get3A_757] {strides = array<i32>} : memref<128x128xf32, #tpu.memory_space<vmem>>, vector<1x16xf32>,
        %get3A_759 = vector.shape_cast %get3A_758 : vector<1x16xf32> to vector<16xf32>
        %max3A_760 = arith.maximumf %max3A_753, %get3A_759 : vector<16xf32>
        %add3A_761 = arith.constant 14 : i32
        %add3A_762 = arith.addi %mul3A_98, %add3A_761 : i32
        %get3A_763 = arith.index_cast %add3A_762 : i32 to index
        %get3A_764 = arith.constant 80 : index
        %get3A_765 = tpu.vector_load %arg7[%get3A_763, %get3A_764] {strides = array<i32>} : memref<128x128xf32, #tpu.memory_space<vmem>>, vector<1x16xf32>,
        %get3A_766 = vector.shape_cast %get3A_765 : vector<1x16xf32> to vector<16xf32>
        %max3A_767 = arith.maximumf %max3A_760, %get3A_766 : vector<16xf32>
        %add3A_768 = arith.constant 15 : i32
        %add3A_769 = arith.addi %mul3A_98, %add3A_768 : i32
        %get3A_770 = arith.index_cast %add3A_769 : i32 to index
        %get3A_771 = arith.constant 80 : index
        %get3A_772 = tpu.vector_load %arg7[%get3A_770, %get3A_771] {strides = array<i32>} : memref<128x128xf32, #tpu.memory_space<vmem>>, vector<1x16xf32>,
        %get3A_773 = vector.shape_cast %get3A_772 : vector<1x16xf32> to vector<16xf32>
        %max3A_774 = arith.maximumf %max3A_767, %get3A_773 : vector<16xf32>
        %swap3A_775 = arith.index_cast %scan3A_95 : i32 to index
        %swap3A_776 = arith.constant 80 : index
        %swap3A_777 = tpu.vector_load %arg9[%swap3A_775, %swap3A_776] {strides = array<i32>} : memref<8x128xf32, #tpu.memory_space<vmem>>, vector<1x16xf32>,
        %swap3A_778 = vector.shape_cast %swap3A_777 : vector<1x16xf32> to vector<16xf32>
        %swap3A_779 = vector.shape_cast %max3A_774 : vector<16xf32> to vector<1x16xf32>
        tpu.vector_store %arg9[%swap3A_775, %swap3A_776], %swap3A_779 {strides = array<i32>} : memref<8x128xf32, #tpu.memory_space<vmem>>, vector<1x16xf32>,
        %get3A_780 = arith.index_cast %mul3A_98 : i32 to index
        %get3A_781 = arith.constant 96 : index
        %get3A_782 = tpu.vector_load %arg7[%get3A_780, %get3A_781] {strides = array<i32>} : memref<128x128xf32, #tpu.memory_space<vmem>>, vector<1x16xf32>,
        %get3A_783 = vector.shape_cast %get3A_782 : vector<1x16xf32> to vector<16xf32>
        %add3A_784 = arith.constant 1 : i32
        %add3A_785 = arith.addi %mul3A_98, %add3A_784 : i32
        %get3A_786 = arith.index_cast %add3A_785 : i32 to index
        %get3A_787 = arith.constant 96 : index
        %get3A_788 = tpu.vector_load %arg7[%get3A_786, %get3A_787] {strides = array<i32>} : memref<128x128xf32, #tpu.memory_space<vmem>>, vector<1x16xf32>,
        %get3A_789 = vector.shape_cast %get3A_788 : vector<1x16xf32> to vector<16xf32>
        %max3A_790 = arith.maximumf %get3A_783, %get3A_789 : vector<16xf32>
        %add3A_791 = arith.constant 2 : i32
        %add3A_792 = arith.addi %mul3A_98, %add3A_791 : i32
        %get3A_793 = arith.index_cast %add3A_792 : i32 to index
        %get3A_794 = arith.constant 96 : index
        %get3A_795 = tpu.vector_load %arg7[%get3A_793, %get3A_794] {strides = array<i32>} : memref<128x128xf32, #tpu.memory_space<vmem>>, vector<1x16xf32>,
        %get3A_796 = vector.shape_cast %get3A_795 : vector<1x16xf32> to vector<16xf32>
        %max3A_797 = arith.maximumf %max3A_790, %get3A_796 : vector<16xf32>
        %add3A_798 = arith.constant 3 : i32
        %add3A_799 = arith.addi %mul3A_98, %add3A_798 : i32
        %get3A_800 = arith.index_cast %add3A_799 : i32 to index
        %get3A_801 = arith.constant 96 : index
        %get3A_802 = tpu.vector_load %arg7[%get3A_800, %get3A_801] {strides = array<i32>} : memref<128x128xf32, #tpu.memory_space<vmem>>, vector<1x16xf32>,
        %get3A_803 = vector.shape_cast %get3A_802 : vector<1x16xf32> to vector<16xf32>
        %max3A_804 = arith.maximumf %max3A_797, %get3A_803 : vector<16xf32>
        %add3A_805 = arith.constant 4 : i32
        %add3A_806 = arith.addi %mul3A_98, %add3A_805 : i32
        %get3A_807 = arith.index_cast %add3A_806 : i32 to index
        %get3A_808 = arith.constant 96 : index
        %get3A_809 = tpu.vector_load %arg7[%get3A_807, %get3A_808] {strides = array<i32>} : memref<128x128xf32, #tpu.memory_space<vmem>>, vector<1x16xf32>,
        %get3A_810 = vector.shape_cast %get3A_809 : vector<1x16xf32> to vector<16xf32>
        %max3A_811 = arith.maximumf %max3A_804, %get3A_810 : vector<16xf32>
        %add3A_812 = arith.constant 5 : i32
        %add3A_813 = arith.addi %mul3A_98, %add3A_812 : i32
        %get3A_814 = arith.index_cast %add3A_813 : i32 to index
        %get3A_815 = arith.constant 96 : index
        %get3A_816 = tpu.vector_load %arg7[%get3A_814, %get3A_815] {strides = array<i32>} : memref<128x128xf32, #tpu.memory_space<vmem>>, vector<1x16xf32>,
        %get3A_817 = vector.shape_cast %get3A_816 : vector<1x16xf32> to vector<16xf32>
        %max3A_818 = arith.maximumf %max3A_811, %get3A_817 : vector<16xf32>
        %add3A_819 = arith.constant 6 : i32
        %add3A_820 = arith.addi %mul3A_98, %add3A_819 : i32
        %get3A_821 = arith.index_cast %add3A_820 : i32 to index
        %get3A_822 = arith.constant 96 : index
        %get3A_823 = tpu.vector_load %arg7[%get3A_821, %get3A_822] {strides = array<i32>} : memref<128x128xf32, #tpu.memory_space<vmem>>, vector<1x16xf32>,
        %get3A_824 = vector.shape_cast %get3A_823 : vector<1x16xf32> to vector<16xf32>
        %max3A_825 = arith.maximumf %max3A_818, %get3A_824 : vector<16xf32>
        %add3A_826 = arith.constant 7 : i32
        %add3A_827 = arith.addi %mul3A_98, %add3A_826 : i32
        %get3A_828 = arith.index_cast %add3A_827 : i32 to index
        %get3A_829 = arith.constant 96 : index
        %get3A_830 = tpu.vector_load %arg7[%get3A_828, %get3A_829] {strides = array<i32>} : memref<128x128xf32, #tpu.memory_space<vmem>>, vector<1x16xf32>,
        %get3A_831 = vector.shape_cast %get3A_830 : vector<1x16xf32> to vector<16xf32>
        %max3A_832 = arith.maximumf %max3A_825, %get3A_831 : vector<16xf32>
        %add3A_833 = arith.constant 8 : i32
        %add3A_834 = arith.addi %mul3A_98, %add3A_833 : i32
        %get3A_835 = arith.index_cast %add3A_834 : i32 to index
        %get3A_836 = arith.constant 96 : index
        %get3A_837 = tpu.vector_load %arg7[%get3A_835, %get3A_836] {strides = array<i32>} : memref<128x128xf32, #tpu.memory_space<vmem>>, vector<1x16xf32>,
        %get3A_838 = vector.shape_cast %get3A_837 : vector<1x16xf32> to vector<16xf32>
        %max3A_839 = arith.maximumf %max3A_832, %get3A_838 : vector<16xf32>
        %add3A_840 = arith.constant 9 : i32
        %add3A_841 = arith.addi %mul3A_98, %add3A_840 : i32
        %get3A_842 = arith.index_cast %add3A_841 : i32 to index
        %get3A_843 = arith.constant 96 : index
        %get3A_844 = tpu.vector_load %arg7[%get3A_842, %get3A_843] {strides = array<i32>} : memref<128x128xf32, #tpu.memory_space<vmem>>, vector<1x16xf32>,
        %get3A_845 = vector.shape_cast %get3A_844 : vector<1x16xf32> to vector<16xf32>
        %max3A_846 = arith.maximumf %max3A_839, %get3A_845 : vector<16xf32>
        %add3A_847 = arith.constant 10 : i32
        %add3A_848 = arith.addi %mul3A_98, %add3A_847 : i32
        %get3A_849 = arith.index_cast %add3A_848 : i32 to index
        %get3A_850 = arith.constant 96 : index
        %get3A_851 = tpu.vector_load %arg7[%get3A_849, %get3A_850] {strides = array<i32>} : memref<128x128xf32, #tpu.memory_space<vmem>>, vector<1x16xf32>,
        %get3A_852 = vector.shape_cast %get3A_851 : vector<1x16xf32> to vector<16xf32>
        %max3A_853 = arith.maximumf %max3A_846, %get3A_852 : vector<16xf32>
        %add3A_854 = arith.constant 11 : i32
        %add3A_855 = arith.addi %mul3A_98, %add3A_854 : i32
        %get3A_856 = arith.index_cast %add3A_855 : i32 to index
        %get3A_857 = arith.constant 96 : index
        %get3A_858 = tpu.vector_load %arg7[%get3A_856, %get3A_857] {strides = array<i32>} : memref<128x128xf32, #tpu.memory_space<vmem>>, vector<1x16xf32>,
        %get3A_859 = vector.shape_cast %get3A_858 : vector<1x16xf32> to vector<16xf32>
        %max3A_860 = arith.maximumf %max3A_853, %get3A_859 : vector<16xf32>
        %add3A_861 = arith.constant 12 : i32
        %add3A_862 = arith.addi %mul3A_98, %add3A_861 : i32
        %get3A_863 = arith.index_cast %add3A_862 : i32 to index
        %get3A_864 = arith.constant 96 : index
        %get3A_865 = tpu.vector_load %arg7[%get3A_863, %get3A_864] {strides = array<i32>} : memref<128x128xf32, #tpu.memory_space<vmem>>, vector<1x16xf32>,
        %get3A_866 = vector.shape_cast %get3A_865 : vector<1x16xf32> to vector<16xf32>
        %max3A_867 = arith.maximumf %max3A_860, %get3A_866 : vector<16xf32>
        %add3A_868 = arith.constant 13 : i32
        %add3A_869 = arith.addi %mul3A_98, %add3A_868 : i32
        %get3A_870 = arith.index_cast %add3A_869 : i32 to index
        %get3A_871 = arith.constant 96 : index
        %get3A_872 = tpu.vector_load %arg7[%get3A_870, %get3A_871] {strides = array<i32>} : memref<128x128xf32, #tpu.memory_space<vmem>>, vector<1x16xf32>,
        %get3A_873 = vector.shape_cast %get3A_872 : vector<1x16xf32> to vector<16xf32>
        %max3A_874 = arith.maximumf %max3A_867, %get3A_873 : vector<16xf32>
        %add3A_875 = arith.constant 14 : i32
        %add3A_876 = arith.addi %mul3A_98, %add3A_875 : i32
        %get3A_877 = arith.index_cast %add3A_876 : i32 to index
        %get3A_878 = arith.constant 96 : index
        %get3A_879 = tpu.vector_load %arg7[%get3A_877, %get3A_878] {strides = array<i32>} : memref<128x128xf32, #tpu.memory_space<vmem>>, vector<1x16xf32>,
        %get3A_880 = vector.shape_cast %get3A_879 : vector<1x16xf32> to vector<16xf32>
        %max3A_881 = arith.maximumf %max3A_874, %get3A_880 : vector<16xf32>
        %add3A_882 = arith.constant 15 : i32
        %add3A_883 = arith.addi %mul3A_98, %add3A_882 : i32
        %get3A_884 = arith.index_cast %add3A_883 : i32 to index
        %get3A_885 = arith.constant 96 : index
        %get3A_886 = tpu.vector_load %arg7[%get3A_884, %get3A_885] {strides = array<i32>} : memref<128x128xf32, #tpu.memory_space<vmem>>, vector<1x16xf32>,
        %get3A_887 = vector.shape_cast %get3A_886 : vector<1x16xf32> to vector<16xf32>
        %max3A_888 = arith.maximumf %max3A_881, %get3A_887 : vector<16xf32>
        %swap3A_889 = arith.index_cast %scan3A_95 : i32 to index
        %swap3A_890 = arith.constant 96 : index
        %swap3A_891 = tpu.vector_load %arg9[%swap3A_889, %swap3A_890] {strides = array<i32>} : memref<8x128xf32, #tpu.memory_space<vmem>>, vector<1x16xf32>,
        %swap3A_892 = vector.shape_cast %swap3A_891 : vector<1x16xf32> to vector<16xf32>
        %swap3A_893 = vector.shape_cast %max3A_888 : vector<16xf32> to vector<1x16xf32>
        tpu.vector_store %arg9[%swap3A_889, %swap3A_890], %swap3A_893 {strides = array<i32>} : memref<8x128xf32, #tpu.memory_space<vmem>>, vector<1x16xf32>,
        %get3A_894 = arith.index_cast %mul3A_98 : i32 to index
        %get3A_895 = arith.constant 112 : index
        %get3A_896 = tpu.vector_load %arg7[%get3A_894, %get3A_895] {strides = array<i32>} : memref<128x128xf32, #tpu.memory_space<vmem>>, vector<1x16xf32>,
        %get3A_897 = vector.shape_cast %get3A_896 : vector<1x16xf32> to vector<16xf32>
        %add3A_898 = arith.constant 1 : i32
        %add3A_899 = arith.addi %mul3A_98, %add3A_898 : i32
        %get3A_900 = arith.index_cast %add3A_899 : i32 to index
        %get3A_901 = arith.constant 112 : index
        %get3A_902 = tpu.vector_load %arg7[%get3A_900, %get3A_901] {strides = array<i32>} : memref<128x128xf32, #tpu.memory_space<vmem>>, vector<1x16xf32>,
        %get3A_903 = vector.shape_cast %get3A_902 : vector<1x16xf32> to vector<16xf32>
        %max3A_904 = arith.maximumf %get3A_897, %get3A_903 : vector<16xf32>
        %add3A_905 = arith.constant 2 : i32
        %add3A_906 = arith.addi %mul3A_98, %add3A_905 : i32
        %get3A_907 = arith.index_cast %add3A_906 : i32 to index
        %get3A_908 = arith.constant 112 : index
        %get3A_909 = tpu.vector_load %arg7[%get3A_907, %get3A_908] {strides = array<i32>} : memref<128x128xf32, #tpu.memory_space<vmem>>, vector<1x16xf32>,
        %get3A_910 = vector.shape_cast %get3A_909 : vector<1x16xf32> to vector<16xf32>
        %max3A_911 = arith.maximumf %max3A_904, %get3A_910 : vector<16xf32>
        %add3A_912 = arith.constant 3 : i32
        %add3A_913 = arith.addi %mul3A_98, %add3A_912 : i32
        %get3A_914 = arith.index_cast %add3A_913 : i32 to index
        %get3A_915 = arith.constant 112 : index
        %get3A_916 = tpu.vector_load %arg7[%get3A_914, %get3A_915] {strides = array<i32>} : memref<128x128xf32, #tpu.memory_space<vmem>>, vector<1x16xf32>,
        %get3A_917 = vector.shape_cast %get3A_916 : vector<1x16xf32> to vector<16xf32>
        %max3A_918 = arith.maximumf %max3A_911, %get3A_917 : vector<16xf32>
        %add3A_919 = arith.constant 4 : i32
        %add3A_920 = arith.addi %mul3A_98, %add3A_919 : i32
        %get3A_921 = arith.index_cast %add3A_920 : i32 to index
        %get3A_922 = arith.constant 112 : index
        %get3A_923 = tpu.vector_load %arg7[%get3A_921, %get3A_922] {strides = array<i32>} : memref<128x128xf32, #tpu.memory_space<vmem>>, vector<1x16xf32>,
        %get3A_924 = vector.shape_cast %get3A_923 : vector<1x16xf32> to vector<16xf32>
        %max3A_925 = arith.maximumf %max3A_918, %get3A_924 : vector<16xf32>
        %add3A_926 = arith.constant 5 : i32
        %add3A_927 = arith.addi %mul3A_98, %add3A_926 : i32
        %get3A_928 = arith.index_cast %add3A_927 : i32 to index
        %get3A_929 = arith.constant 112 : index
        %get3A_930 = tpu.vector_load %arg7[%get3A_928, %get3A_929] {strides = array<i32>} : memref<128x128xf32, #tpu.memory_space<vmem>>, vector<1x16xf32>,
        %get3A_931 = vector.shape_cast %get3A_930 : vector<1x16xf32> to vector<16xf32>
        %max3A_932 = arith.maximumf %max3A_925, %get3A_931 : vector<16xf32>
        %add3A_933 = arith.constant 6 : i32
        %add3A_934 = arith.addi %mul3A_98, %add3A_933 : i32
        %get3A_935 = arith.index_cast %add3A_934 : i32 to index
        %get3A_936 = arith.constant 112 : index
        %get3A_937 = tpu.vector_load %arg7[%get3A_935, %get3A_936] {strides = array<i32>} : memref<128x128xf32, #tpu.memory_space<vmem>>, vector<1x16xf32>,
        %get3A_938 = vector.shape_cast %get3A_937 : vector<1x16xf32> to vector<16xf32>
        %max3A_939 = arith.maximumf %max3A_932, %get3A_938 : vector<16xf32>
        %add3A_940 = arith.constant 7 : i32
        %add3A_941 = arith.addi %mul3A_98, %add3A_940 : i32
        %get3A_942 = arith.index_cast %add3A_941 : i32 to index
        %get3A_943 = arith.constant 112 : index
        %get3A_944 = tpu.vector_load %arg7[%get3A_942, %get3A_943] {strides = array<i32>} : memref<128x128xf32, #tpu.memory_space<vmem>>, vector<1x16xf32>,
        %get3A_945 = vector.shape_cast %get3A_944 : vector<1x16xf32> to vector<16xf32>
        %max3A_946 = arith.maximumf %max3A_939, %get3A_945 : vector<16xf32>
        %add3A_947 = arith.constant 8 : i32
        %add3A_948 = arith.addi %mul3A_98, %add3A_947 : i32
        %get3A_949 = arith.index_cast %add3A_948 : i32 to index
        %get3A_950 = arith.constant 112 : index
        %get3A_951 = tpu.vector_load %arg7[%get3A_949, %get3A_950] {strides = array<i32>} : memref<128x128xf32, #tpu.memory_space<vmem>>, vector<1x16xf32>,
        %get3A_952 = vector.shape_cast %get3A_951 : vector<1x16xf32> to vector<16xf32>
        %max3A_953 = arith.maximumf %max3A_946, %get3A_952 : vector<16xf32>
        %add3A_954 = arith.constant 9 : i32
        %add3A_955 = arith.addi %mul3A_98, %add3A_954 : i32
        %get3A_956 = arith.index_cast %add3A_955 : i32 to index
        %get3A_957 = arith.constant 112 : index
        %get3A_958 = tpu.vector_load %arg7[%get3A_956, %get3A_957] {strides = array<i32>} : memref<128x128xf32, #tpu.memory_space<vmem>>, vector<1x16xf32>,
        %get3A_959 = vector.shape_cast %get3A_958 : vector<1x16xf32> to vector<16xf32>
        %max3A_960 = arith.maximumf %max3A_953, %get3A_959 : vector<16xf32>
        %add3A_961 = arith.constant 10 : i32
        %add3A_962 = arith.addi %mul3A_98, %add3A_961 : i32
        %get3A_963 = arith.index_cast %add3A_962 : i32 to index
        %get3A_964 = arith.constant 112 : index
        %get3A_965 = tpu.vector_load %arg7[%get3A_963, %get3A_964] {strides = array<i32>} : memref<128x128xf32, #tpu.memory_space<vmem>>, vector<1x16xf32>,
        %get3A_966 = vector.shape_cast %get3A_965 : vector<1x16xf32> to vector<16xf32>
        %max3A_967 = arith.maximumf %max3A_960, %get3A_966 : vector<16xf32>
        %add3A_968 = arith.constant 11 : i32
        %add3A_969 = arith.addi %mul3A_98, %add3A_968 : i32
        %get3A_970 = arith.index_cast %add3A_969 : i32 to index
        %get3A_971 = arith.constant 112 : index
        %get3A_972 = tpu.vector_load %arg7[%get3A_970, %get3A_971] {strides = array<i32>} : memref<128x128xf32, #tpu.memory_space<vmem>>, vector<1x16xf32>,
        %get3A_973 = vector.shape_cast %get3A_972 : vector<1x16xf32> to vector<16xf32>
        %max3A_974 = arith.maximumf %max3A_967, %get3A_973 : vector<16xf32>
        %add3A_975 = arith.constant 12 : i32
        %add3A_976 = arith.addi %mul3A_98, %add3A_975 : i32
        %get3A_977 = arith.index_cast %add3A_976 : i32 to index
        %get3A_978 = arith.constant 112 : index
        %get3A_979 = tpu.vector_load %arg7[%get3A_977, %get3A_978] {strides = array<i32>} : memref<128x128xf32, #tpu.memory_space<vmem>>, vector<1x16xf32>,
        %get3A_980 = vector.shape_cast %get3A_979 : vector<1x16xf32> to vector<16xf32>
        %max3A_981 = arith.maximumf %max3A_974, %get3A_980 : vector<16xf32>
        %add3A_982 = arith.constant 13 : i32
        %add3A_983 = arith.addi %mul3A_98, %add3A_982 : i32
        %get3A_984 = arith.index_cast %add3A_983 : i32 to index
        %get3A_985 = arith.constant 112 : index
        %get3A_986 = tpu.vector_load %arg7[%get3A_984, %get3A_985] {strides = array<i32>} : memref<128x128xf32, #tpu.memory_space<vmem>>, vector<1x16xf32>,
        %get3A_987 = vector.shape_cast %get3A_986 : vector<1x16xf32> to vector<16xf32>
        %max3A_988 = arith.maximumf %max3A_981, %get3A_987 : vector<16xf32>
        %add3A_989 = arith.constant 14 : i32
        %add3A_990 = arith.addi %mul3A_98, %add3A_989 : i32
        %get3A_991 = arith.index_cast %add3A_990 : i32 to index
        %get3A_992 = arith.constant 112 : index
        %get3A_993 = tpu.vector_load %arg7[%get3A_991, %get3A_992] {strides = array<i32>} : memref<128x128xf32, #tpu.memory_space<vmem>>, vector<1x16xf32>,
        %get3A_994 = vector.shape_cast %get3A_993 : vector<1x16xf32> to vector<16xf32>
        %max3A_995 = arith.maximumf %max3A_988, %get3A_994 : vector<16xf32>
        %add3A_996 = arith.constant 15 : i32
        %add3A_997 = arith.addi %mul3A_98, %add3A_996 : i32
        %get3A_998 = arith.index_cast %add3A_997 : i32 to index
        %get3A_999 = arith.constant 112 : index
        %get3A_1000 = tpu.vector_load %arg7[%get3A_998, %get3A_999] {strides = array<i32>} : memref<128x128xf32, #tpu.memory_space<vmem>>, vector<1x16xf32>,
        %get3A_1001 = vector.shape_cast %get3A_1000 : vector<1x16xf32> to vector<16xf32>
        %max3A_1002 = arith.maximumf %max3A_995, %get3A_1001 : vector<16xf32>
        %swap3A_1003 = arith.index_cast %scan3A_95 : i32 to index
        %swap3A_1004 = arith.constant 112 : index
        %swap3A_1005 = tpu.vector_load %arg9[%swap3A_1003, %swap3A_1004] {strides = array<i32>} : memref<8x128xf32, #tpu.memory_space<vmem>>, vector<1x16xf32>,
        %swap3A_1006 = vector.shape_cast %swap3A_1005 : vector<1x16xf32> to vector<16xf32>
        %swap3A_1007 = vector.shape_cast %max3A_1002 : vector<16xf32> to vector<1x16xf32>
        tpu.vector_store %arg9[%swap3A_1003, %swap3A_1004], %swap3A_1007 {strides = array<i32>} : memref<8x128xf32, #tpu.memory_space<vmem>>, vector<1x16xf32>,
        %scan3A_1008 = arith.constant 0 : i32
        scf.yield %scan3A_1008 : i32
      }
      %scan3A_80 = arith.constant 8 : i32
      %mul3A_81 = arith.constant 8 : i32
      %mul3A_82 = arith.muli %add3A_73, %mul3A_81 : i32
      %add3A_83 = arith.addi %mul3A_2, %mul3A_82 : i32
      "tpu.region"() ({
        %run_scoped3A = tpu.sem_alloc : memref<!tpu.dma_semaphore, #tpu.memory_space<semaphore_mem>>
        %dma_start3A_95 = arith.constant 0 : i32
        %dma_start3A_96 = tpu.memref_slice %arg4[%add3A_83, %dma_start3A_95] : memref<10240x128xf32, #tpu.memory_space<hbm>> -> memref<8x128xf32, #tpu.memory_space<hbm>>
        %dma_start3A_97 = arith.constant 0 : i32
        %dma_start3A_98 = tpu.memref_slice %arg4[%add3A_83, %dma_start3A_97] : memref<10240x128xf32, #tpu.memory_space<hbm>> -> memref<8x128xf32, #tpu.memory_space<hbm>>
        tpu.enqueue_dma source(%arg9 : memref<8x128xf32, #tpu.memory_space<vmem>>) target(%dma_start3A_98 : memref<8x128xf32, #tpu.memory_space<hbm>>) target_semaphore(%run_scoped3A : memref<!tpu.dma_semaphore, #tpu.memory_space<semaphore_mem>>)
        %dma_wait3A_99 = arith.constant 0 : i32
        %dma_wait3A_100 = tpu.memref_slice %arg4[%add3A_83, %dma_wait3A_99] : memref<10240x128xf32, #tpu.memory_space<hbm>> -> memref<8x128xf32, #tpu.memory_space<hbm>>
        %dma_wait3A_101 = arith.constant 0 : i32
        %dma_wait3A_102 = tpu.memref_slice %arg4[%add3A_83, %dma_wait3A_101] : memref<10240x128xf32, #tpu.memory_space<hbm>> -> memref<8x128xf32, #tpu.memory_space<hbm>>
        tpu.wait_dma2 semaphore(%run_scoped3A : memref<!tpu.dma_semaphore, #tpu.memory_space<semaphore_mem>>) src(%arg9 : memref<8x128xf32, #tpu.memory_space<vmem>>) dst(%dma_wait3A_102 : memref<8x128xf32, #tpu.memory_space<hbm>>)
        tpu.yield
      }) : () -> ()
      %add3A_84 = arith.constant 3 : i32
      %add3A_85 = arith.addi %mul3A_40, %add3A_84 : i32
      %min3A_86 = arith.constant 39 : i32
      %min3A_87 = arith.minsi %add3A_85, %min3A_86 : i32
      %dma_start3A_88 = arith.constant 0 : i32
      %dma_start3A_89 = tpu.memref_slice %arg5[%min3A_87, %dma_start3A_88] : memref<40x128xi32, #tpu.memory_space<vmem>> -> memref<1x128xi32, #tpu.memory_space<vmem>>
      %dma_start3A_90 = tpu.memref_squeeze %dma_start3A_89 : memref<1x128xi32, #tpu.memory_space<vmem>> -> memref<128xi32, #tpu.memory_space<vmem>>
      %dma_start3A_91 = arith.constant 0 : i32
      %dma_start3A_92 = arith.constant 0 : i32
      %dma_start3A_93 = tpu.memref_slice %arg10[%dma_start3A_91, %dma_start3A_92] : memref<10240x128xf32, #tpu.memory_space<vmem_shared>> -> memref<10240x128xf32, #tpu.memory_space<vmem_shared>>
      tpu.enqueue_indirect_dma source(%dma_start3A_93 : memref<10240x128xf32, #tpu.memory_space<vmem_shared>>) target(%arg7 : memref<128x128xf32, #tpu.memory_space<vmem>>) offsets(%dma_start3A_90 : memref<128xi32, #tpu.memory_space<vmem>>) semaphore(%arg12 : memref<!tpu.dma_semaphore, #tpu.memory_space<semaphore_mem>>)
      %scan3A_94 = arith.constant 0 : i32
      scf.yield %scan3A_94 : i32
    }
    %scan3A_25 = arith.constant 20 : i32
    %dma_wait3A = arith.constant 0 : i32
    %dma_wait3A_26 = arith.constant 0 : i32
    %dma_wait3A_27 = tpu.memref_slice %arg10[%dma_wait3A, %dma_wait3A_26] : memref<10240x128xf32, #tpu.memory_space<vmem_shared>> -> memref<128x128xf32, #tpu.memory_space<vmem_shared>>
    %dma_wait3A_28 = arith.constant 0 : i32
    %dma_wait3A_29 = arith.constant 0 : i32
    %dma_wait3A_30 = tpu.memref_slice %arg10[%dma_wait3A_28, %dma_wait3A_29] : memref<10240x128xf32, #tpu.memory_space<vmem_shared>> -> memref<128x128xf32, #tpu.memory_space<vmem_shared>>
    tpu.wait_dma2 semaphore(%arg11 : memref<!tpu.dma_semaphore, #tpu.memory_space<semaphore_mem>>) src(%dma_wait3A_30 : memref<128x128xf32, #tpu.memory_space<vmem_shared>>) dst(%arg6 : memref<128x128xf32, #tpu.memory_space<vmem>>)
    %dma_wait3A_31 = arith.constant 0 : i32
    %dma_wait3A_32 = arith.constant 0 : i32
    %dma_wait3A_33 = tpu.memref_slice %arg10[%dma_wait3A_31, %dma_wait3A_32] : memref<10240x128xf32, #tpu.memory_space<vmem_shared>> -> memref<128x128xf32, #tpu.memory_space<vmem_shared>>
    %dma_wait3A_34 = arith.constant 0 : i32
    %dma_wait3A_35 = arith.constant 0 : i32
    %dma_wait3A_36 = tpu.memref_slice %arg10[%dma_wait3A_34, %dma_wait3A_35] : memref<10240x128xf32, #tpu.memory_space<vmem_shared>> -> memref<128x128xf32, #tpu.memory_space<vmem_shared>>
    tpu.wait_dma2 semaphore(%arg12 : memref<!tpu.dma_semaphore, #tpu.memory_space<semaphore_mem>>) src(%dma_wait3A_36 : memref<128x128xf32, #tpu.memory_space<vmem_shared>>) dst(%arg7 : memref<128x128xf32, #tpu.memory_space<vmem>>)
    return
  }
}

module attributes {stable_mosaic.version = 14 : i64} {
  func.func @_mm_body(%arg0: i32, %arg1: memref<128x5120xf32, #tpu.memory_space<vmem>>, %arg2: memref<128x256xf32, #tpu.memory_space<vmem>>, %arg3: memref<5120x128xf32, #tpu.memory_space<vmem>>) attributes {dimension_semantics = [#tpu.dimension_semantics<arbitrary>], iteration_bounds = array<i64: 2>, scalar_prefetch = 0 : i64, scratch_operands = 0 : i64, tpu.core_type = #tpu.core_type<tc>, window_params = [{transform_indices = @transform_0, window_bounds = array<i64: 128, 5120>}, {pipeline_mode = #tpu.pipeline_mode<synchronous>, transform_indices = @transform_1, window_bounds = array<i64: 128, 256>}, {transform_indices = @transform_2, window_bounds = array<i64: 5120, 128>}]} {
    %get3A = arith.constant 0 : index
    %get3A_0 = arith.constant 0 : index
    %get3A_1 = vector.load %arg1[%get3A, %get3A_0] : memref<128x5120xf32, #tpu.memory_space<vmem>>, vector<128x5120xf32>
    %get3A_2 = arith.constant 0 : index
    %get3A_3 = arith.constant 0 : index
    %get3A_4 = vector.load %arg2[%get3A_2, %get3A_3] : memref<128x256xf32, #tpu.memory_space<vmem>>, vector<128x128xf32>
    %dot_general3A = arith.constant dense<0.000000e+00> : vector<5120x128xf32>
    %dot_general3A_5 = tpu.matmul %get3A_1, %get3A_4, %dot_general3A {dimension_numbers = #tpu.dot_dimension_numbers<[0], [1], [1], [0], [0, 1, 1, 0], [], []>, transpose_lhs_hint = false} : vector<128x5120xf32>, vector<128x128xf32>, vector<5120x128xf32> -> vector<5120x128xf32>
    %swap3A = arith.constant 0 : index
    %swap3A_6 = arith.constant 0 : index
    %swap3A_7 = vector.load %arg3[%swap3A, %swap3A_6] : memref<5120x128xf32, #tpu.memory_space<vmem>>, vector<5120x128xf32>
    tpu.vector_store %arg3[%swap3A, %swap3A_6], %dot_general3A_5 {strides = array<i32>} : memref<5120x128xf32, #tpu.memory_space<vmem>>, vector<5120x128xf32>,
    return
  }
  func.func @transform_0(%arg0: i32) -> (i32, i32) {
    %c0_i32 = arith.constant 0 : i32
    %c0_i32_0 = arith.constant 0 : i32
    return %c0_i32, %arg0 : i32, i32
  }
  func.func @transform_1(%arg0: i32) -> (i32, i32) {
    %c0_i32 = arith.constant 0 : i32
    %c0_i32_0 = arith.constant 0 : i32
    %c0_i32_1 = arith.constant 0 : i32
    return %c0_i32, %c0_i32_0 : i32, i32
  }
  func.func @transform_2(%arg0: i32) -> (i32, i32) {
    %c0_i32 = arith.constant 0 : i32
    %c0_i32_0 = arith.constant 0 : i32
    return %arg0, %c0_i32 : i32, i32
  }
}

module attributes {stable_mosaic.version = 14 : i64} {
  func.func @_add_body(%arg0: i32, %arg1: memref<128x5120xf32, #tpu.memory_space<vmem>>, %arg2: memref<5120x128xf32, #tpu.memory_space<vmem>>, %arg3: memref<128x256xf32, #tpu.memory_space<vmem>>, %arg4: memref<1x128xf32, #tpu.memory_space<vmem>>, %arg5: memref<128x5120xf32, #tpu.memory_space<vmem>>) attributes {dimension_semantics = [#tpu.dimension_semantics<arbitrary>], iteration_bounds = array<i64: 2>, scalar_prefetch = 0 : i64, scratch_operands = 0 : i64, tpu.core_type = #tpu.core_type<tc>, window_params = [{transform_indices = @transform_0, window_bounds = array<i64: 128, 5120>}, {transform_indices = @transform_1, window_bounds = array<i64: 5120, 128>}, {pipeline_mode = #tpu.pipeline_mode<synchronous>, transform_indices = @transform_2, window_bounds = array<i64: 128, 256>}, {pipeline_mode = #tpu.pipeline_mode<synchronous>, transform_indices = @transform_3, window_bounds = array<i64: 1, 128>}, {transform_indices = @transform_4, window_bounds = array<i64: 128, 5120>}]} {
    %get3A = arith.constant 0 : index
    %get3A_0 = arith.constant 0 : index
    %get3A_1 = vector.load %arg1[%get3A, %get3A_0] : memref<128x5120xf32, #tpu.memory_space<vmem>>, vector<128x5120xf32>
    %get3A_2 = arith.constant 0 : index
    %get3A_3 = arith.constant 128 : index
    %get3A_4 = vector.load %arg3[%get3A_2, %get3A_3] : memref<128x256xf32, #tpu.memory_space<vmem>>, vector<128x128xf32>
    %get3A_5 = arith.constant 0 : index
    %get3A_6 = arith.constant 0 : index
    %get3A_7 = vector.load %arg3[%get3A_5, %get3A_6] : memref<128x256xf32, #tpu.memory_space<vmem>>, vector<128x128xf32>
    %sub3A = arith.subf %get3A_4, %get3A_7 : vector<128x128xf32>
    %dot_general3A = arith.constant dense<0.000000e+00> : vector<128x5120xf32>
    %dot_general3A_8 = tpu.matmul %sub3A, %get3A_1, %dot_general3A {dimension_numbers = #tpu.dot_dimension_numbers<[1], [0], [0], [1], [0, 0, 1, 1], [], []>, transpose_lhs_hint = false} : vector<128x128xf32>, vector<128x5120xf32>, vector<128x5120xf32> -> vector<128x5120xf32>
    %get3A_9 = arith.constant 0 : index
    %get3A_10 = arith.constant 0 : index
    %get3A_11 = vector.load %arg4[%get3A_9, %get3A_10] : memref<1x128xf32, #tpu.memory_space<vmem>>, vector<1x128xf32>
    %transpose3A = tpu.transpose %get3A_11, [1, 0] : vector<1x128xf32> -> vector<128x1xf32>
    %add3A = vector.broadcast %transpose3A : vector<128x1xf32> to vector<128x5120xf32>
    %add3A_12 = arith.addf %dot_general3A_8, %add3A : vector<128x5120xf32>
    %get3A_13 = arith.constant 0 : index
    %get3A_14 = arith.constant 0 : index
    %get3A_15 = vector.load %arg2[%get3A_13, %get3A_14] : memref<5120x128xf32, #tpu.memory_space<vmem>>, vector<5120x128xf32>
    %transpose3A_16 = tpu.transpose %get3A_15, [1, 0] : vector<5120x128xf32> -> vector<128x5120xf32>
    %add3A_17 = arith.addf %add3A_12, %transpose3A_16 : vector<128x5120xf32>
    %max3A = arith.constant 0.000000e+00 : f32
    %max3A_18 = vector.broadcast %max3A : f32 to vector<128x5120xf32>
    %max3A_19 = arith.maximumf %add3A_17, %max3A_18 : vector<128x5120xf32>
    %add3A_20 = arith.addf %get3A_1, %max3A_19 : vector<128x5120xf32>
    %swap3A = arith.constant 0 : index
    %swap3A_21 = arith.constant 0 : index
    %swap3A_22 = vector.load %arg5[%swap3A, %swap3A_21] : memref<128x5120xf32, #tpu.memory_space<vmem>>, vector<128x5120xf32>
    tpu.vector_store %arg5[%swap3A, %swap3A_21], %add3A_20 {strides = array<i32>} : memref<128x5120xf32, #tpu.memory_space<vmem>>, vector<128x5120xf32>,
    return
  }
  func.func @transform_0(%arg0: i32) -> (i32, i32) {
    %c0_i32 = arith.constant 0 : i32
    %c0_i32_0 = arith.constant 0 : i32
    return %c0_i32, %arg0 : i32, i32
  }
  func.func @transform_1(%arg0: i32) -> (i32, i32) {
    %c0_i32 = arith.constant 0 : i32
    %c0_i32_0 = arith.constant 0 : i32
    return %arg0, %c0_i32 : i32, i32
  }
  func.func @transform_2(%arg0: i32) -> (i32, i32) {
    %c0_i32 = arith.constant 0 : i32
    %c0_i32_0 = arith.constant 0 : i32
    %c0_i32_1 = arith.constant 0 : i32
    return %c0_i32, %c0_i32_0 : i32, i32
  }
  func.func @transform_3(%arg0: i32) -> (i32, i32) {
    %c0_i32 = arith.constant 0 : i32
    %c0_i32_0 = arith.constant 0 : i32
    %c0_i32_1 = arith.constant 0 : i32
    return %c0_i32, %c0_i32_0 : i32, i32
  }
  func.func @transform_4(%arg0: i32) -> (i32, i32) {
    %c0_i32 = arith.constant 0 : i32
    %c0_i32_0 = arith.constant 0 : i32
    return %c0_i32, %arg0 : i32, i32
  }
}

</mosaic_0001>

<sc_bundles>
// kernel: kernel.5.cloned.1.call-start
scs
__scs_entry_jumppad:
0x0: {  	(pc) =	sbr.rel $0x88, $3  }
0x1: {  	(tag) =	ssettag $0x0;
	lr =	simm.s32 $0x1  }
0x2: {  	[smem:$0x3F9D] =	sst lr;
	_ =	strace $0xD0000000  }
0x3: {  	_ = 	snop  }
0x4: {  	_ = 	snop  }
0x5: {  	_ = 	snop  }
0x6: {  	_ = 	snop  }
0x7: {  	_ = 	snop  }
__scs_overlays_trampoline_lowered:
0x8: {  	[smem:$0x3FAC] =	sst s0  }
0x9: {  	[smem:$0x3FAD] =	sst s1  }
0xa: {  	[smem:$0x3FAE] =	sst s2  }
0xb: {  	[smem:$0x3FAF] =	sst s3  }
0xc: {  	[smem:$0x3FB0] =	sst s4  }
0xd: {  	[smem:$0x3FB1] =	sst s5  }
0xe: {  	[smem:$0x3FB2] =	sst s6  }
0xf: {  	[smem:$0x3FB3] =	sst s7  }
0x10: {  	[smem:$0x3FB4] =	sst s8  }
0x11: {  	[smem:$0x3FB5] =	sst s9;
	s0 =	simm.s32 @!p0 $0x0  }
0x12: {  	s1 =	sld [smem:$0x3F9B];
	s0 =	simm.s32 @p0 $0x1  }
0x13: {  	[smem:$0x3FB6] =	sst s0;
	s0 =	simm.s32 @!p1 $0x0  }
0x14: {  	s2 =	sld [smem:$0x3F9A];
	s0 =	simm.s32 @p1 $0x1  }
0x15: {  	[smem:$0x3FB7] =	sst s0;
	s0 =	simm.s32 @!p2 $0x0  }
0x16: {  	s3 =	sld [smem:$0x3FDB];
	s0 =	simm.s32 @p2 $0x1  }
0x17: {  	s4 =	simm.s32 $0x1BF5;
	[smem:$0x3FB9] =	sst s0  }
0x18: {  	s0 =	sld [smem:$0x3F9C];
	_ =	swait.ge [sflag:s4], $0x0  }
0x19: {  	s7 =	sld [smem:$0x3F9D]  }
0x1a: {  	s8 =	sadd.s32 $0xFFFFE003, lr  }
0x1b: {  	s9 =	sadd.s32 $0xFFFFFEF7, lr;
	s5 =	simm.s32 $0xFFFFFFFF;
	p2 =	slt.u32 s8, $0xFFFFF086  }
0x1c: {  	p1 =	slt.u32 s9, $0xF7A;
	s5 =	simm.s32 @!p2 $0x0  }
0x1d: {  	s5 =	simm.s32 @p1 $0x1;
	p0 =	seq.s32 s7, s2  }
0x1e: {  	s7 =	smul.u32 @!p0 $0xF7A, s2;
	p2 =	seq.s32 @!p0 s5, $0x0  }
0x1f: {  	s9 =	smul.u32 $0xF7A, s1;
	s8 =	simm.s32 @!p0 $0x1BF5;
	p2 =	por !p2, p0  }
0x20: {  	[sflag:s8] =	ssyncset.s32 @!p0 $0xFFFFF086;
	s6 =	sadd.s32 @!p0 s3, s7;
	s7 =	simm.s32 @!p0 $0x108  }
0x21: {  	s3 =	sadd.s32 s3, s9;
	s6 =	sadd.s32 @!p0 $0x88, s6;
	s7 =	simm.s32 @p2 $0x1082  }
0x22: {  	[simem:s7], [sflag:s8] =	dma.local @!p0 [hbm:s6], $0xF7A  }
0x23: {  	s9 =	sor.u32 $0xD0000000, s2;
	s6 =	simm.s32 $0x108;
	_ =	swait.ge @!p0 [sflag:s8], $0x0  }
0x24: {  	s3 =	sadd.s32 $0x88, s3;
	s6 =	simm.s32 @!p1 $0x1082;
	[sflag:s4] =	ssyncset.s32 $0xFFFFF086  }
0x25: {  	[simem:s6], [sflag:s4] =	dma.local [hbm:s3], $0xF7A  }
0x26: {  	[smem:$0x3F9D] =	sst s1;
	(tag) =	ssettag s2;
	_ =	strace s9  }
0x27: {  	s1 =	sld [smem:$0x3FAD]  }
0x28: {  	s2 =	sld [smem:$0x3FAE]  }
0x29: {  	s4 =	sld [smem:$0x3FB0]  }
0x2a: {  	p0 =	seq.s32 s5, $0x0;
	s5 =	sld [smem:$0x3FB1]  }
0x2b: {  	s6 =	sld [smem:$0x3FB2]  }
0x2c: {  	s7 =	sld [smem:$0x3FB3]  }
0x2d: {  	s3 =	simm.s32 $0x108;
	s8 =	sld [smem:$0x3FB4]  }
0x2e: {  	s3 =	simm.s32 @!p0 $0x1082;
	s9 =	sld [smem:$0x3FB5]  }
0x2f: {  	lr =	sadd.s32 s0, s3;
	s0 =	sld [smem:$0x3FAC]  }
0x30: {  	s3 =	sld [smem:$0x3FAF]  }
0x31: {  	[smem:$0x3FB8] =	sst s10  }
0x32: {  	s10 =	sld [smem:$0x3FB6];
	_ =	sdelay $0x3  }
0x33: {  	p0 =	seq.s32 s10, $0x1;
	s10 =	sld [smem:$0x3FB8];
	_ =	sdelay $0x3  }
0x34: {  	[smem:$0x3FB8] =	sst s10  }
0x35: {  	s10 =	sld [smem:$0x3FB7];
	_ =	sdelay $0x3  }
0x36: {  	p1 =	seq.s32 s10, $0x1;
	s10 =	sld [smem:$0x3FB8];
	_ =	sdelay $0x3  }
0x37: {  	[smem:$0x3FB8] =	sst s10  }
0x38: {  	s10 =	sld [smem:$0x3FB9]  }
0x39: {  	_ = 	snop;
	(pc) =	sbr.ind lr, $3  }
0x3a: {  	_ = 	snop  }
0x3b: {  	_ = 	snop  }
0x3c: {  	p2 =	seq.s32 s10, $0x1;
	s10 =	sld [smem:$0x3FB8]  }
0x3d: {  	_ =	shalt  }
0x3e: {  	_ =	shalt  }
0x3f: {  	_ =	shalt  }
0x40: {  	_ =	shalt  }
0x41: {  	_ =	shalt  }
0x42: {  	_ =	shalt  }
0x43: {  	_ =	shalt  }
0x44: {  	_ =	shalt  }
0x45: {  	_ =	shalt  }
0x46: {  	_ =	shalt  }
0x47: {  	_ =	shalt  }
0x48: {  	_ =	shalt  }
0x49: {  	_ =	shalt  }
0x4a: {  	_ =	shalt  }
0x4b: {  	_ =	shalt  }
0x4c: {  	_ =	shalt  }
0x4d: {  	_ =	shalt  }
0x4e: {  	_ =	shalt  }
0x4f: {  	_ =	shalt  }
0x50: {  	_ =	shalt  }
0x51: {  	_ =	shalt  }
0x52: {  	_ =	shalt  }
0x53: {  	_ =	shalt  }
0x54: {  	_ =	shalt  }
0x55: {  	_ =	shalt  }
0x56: {  	_ =	shalt  }
0x57: {  	_ =	shalt  }
0x58: {  	_ =	shalt  }
0x59: {  	_ =	shalt  }
0x5a: {  	_ =	shalt  }
0x5b: {  	_ =	shalt  }
0x5c: {  	_ =	shalt  }
0x5d: {  	_ =	shalt  }
0x5e: {  	_ =	shalt  }
0x5f: {  	_ =	shalt  }
0x60: {  	_ =	shalt  }
0x61: {  	_ =	shalt  }
0x62: {  	_ =	shalt  }
0x63: {  	_ =	shalt  }
0x64: {  	_ =	shalt  }
0x65: {  	_ =	shalt  }
0x66: {  	_ =	shalt  }
0x67: {  	_ =	shalt  }
0x68: {  	_ =	shalt  }
0x69: {  	_ =	shalt  }
0x6a: {  	_ =	shalt  }
0x6b: {  	_ =	shalt  }
0x6c: {  	_ =	shalt  }
0x6d: {  	_ =	shalt  }
0x6e: {  	_ =	shalt  }
0x6f: {  	_ =	shalt  }
0x70: {  	_ =	shalt  }
0x71: {  	_ =	shalt  }
0x72: {  	_ =	shalt  }
0x73: {  	_ =	shalt  }
0x74: {  	_ =	shalt  }
0x75: {  	_ =	shalt  }
0x76: {  	_ =	shalt  }
0x77: {  	_ =	shalt  }
0x78: {  	_ =	shalt  }
0x79: {  	_ =	shalt  }
0x7a: {  	_ =	shalt  }
0x7b: {  	_ =	shalt  }
0x7c: {  	_ =	shalt  }
0x7d: {  	_ =	shalt  }
0x7e: {  	_ =	shalt  }
0x7f: {  	_ =	shalt  }
0x80: {  	_ =	shalt  }
0x81: {  	_ =	shalt  }
0x82: {  	_ =	shalt  }
0x83: {  	_ =	shalt  }
0x84: {  	_ =	shalt  }
0x85: {  	_ =	shalt  }
0x86: {  	_ =	shalt  }
0x87: {  	_ =	shalt  }
.Lfunc_end0:
.L_simem_size_0:
called_computation_lowered:
.L_overlay_start_0:
0x88: {  	s2 =	sld [smem:$0x3FD9]  }
0x89: {  	s3 =	sld [smem:$0x3FFE];
	_ =	sdelay $0x1  }
0x8a: {  	s1 =	srdreg.scid  }
0x8b: {  	s0 =	sand.u32 $0x1, s1  }
0x8c: {  	s17 =	sshll.u32 s0, $0xA;
	s2 =	sadd.s32 s3, s2  }
0x8d: {  	s2 =	sadd.s32 s2, s17  }
0x8e: {  	[smem:$0x3FC4] =	sst s2  }
0x8f: {  	_ = 	snop  }
0x90: {  	s2 =	sld [smem:$0x3FD0];
	(tm) =	ssettm $0x1  }
0x91: {  	s18 =	sld [smem:$0x3FFB];
	_ =	sdelay $0x3  }
0x92: {  	_ =	strace s18  }
0x93: {  	s3 =	sld [smem:$0x3FFC];
	_ =	sdelay $0x3  }
0x94: {  	_ =	strace s3  }
0x95: {  	s3 =	sld [smem:$0x3FFD];
	_ =	sdelay $0x3  }
0x96: {  	_ =	strace s3  }
0x97: {  	_ =	strace $0x8FFFFFFF  }
0x98: {  	s19 =	sld [smem:$0x3FDB];
	_ =	sdelay $0x1  }
0x99: {  	s4 =	simm.s32 $_scs_section_size  }
0x9a: {  	s5 =	simm.s32 $_size__tile_overlayer_lowered;
	s6 =	simm.s32 $_tile_overlayer_lowered  }
0x9b: {  	s22 =	simm.s32 $0x1BFF;
	s21 =	sshll.u32 s6, $0x1;
	s3 =	sadd.s32 s4, s19  }
0x9c: {  	s7 =	simm.s32 $0x0;
	s20 =	sshll.u32 s5, $0x1;
	s5 =	sadd.s32 s21, s3  }
0x9d: {  	[timem:s7], [sflag:s22] =	dma.local [hbm:s5], s20  }
0x9e: {  	_ =	swait.ge [sflag:s22], s20  }
0x9f: {  	s4 =	ssub.s32 $0x0, s20;
	[sflag:s22] =	ssyncset.done $0x0  }
0xa0: {  	[sflag:s22] =	ssyncadd.s32 s4;
	_ =	sdelay $0x1  }
0xa1: {  	s23 =	simm.s32 $0x1B8B  }
0xa2: {  	_ =	swait.ge [sflag:s23], $0x1  }
0xa3: {  	[sflag:s23] =	ssyncset.done $0x0  }
0xa4: {  	s25 =	simm.s32 $0x1B8E;
	s24 =	sld [smem:$0x3FFE];
	[sflag:s23] =	ssyncadd.s32 $0xFFFFFFFF  }
0xa5: {  	s26 =	simm.s32 $execute0_lowered;
	[smem:$0x3FD2] =	sst s25  }
0xa6: {  	s5 =	sshll.u32 s26, $0x1;
	_ =	strace $0x80000046;
	[dreg:$0x1] =	wrdreg $0xFFFFFFFF  }
0xa7: {  	s28 =	simm.s32 $_size_execute0_lowered;
	s3 =	sadd.s32 s3, s5;
	[dreg:$0x0] =	wrdreg $0x0  }
0xa8: {  	s5 =	sshll.u32 s28, $0x1;
	[dreg:$0x2] =	wrdreg s3  }
0xa9: {  	[dreg:$0x3] =	wrdreg s5  }
0xaa: {  	[dreg:$0x4] =	wrdreg $0xC0  }
0xab: {  	_ =	task [dreg:s7], $0x5FFFF  }
0xac: {  	[dreg:$0x1] =	wrdreg $0xFFFFFFFF  }
0xad: {  	[dreg:$0x0] =	wrdreg $0x60  }
0xae: {  	[dreg:$0x2] =	wrdreg s24  }
0xaf: {  	[dreg:$0x3] =	wrdreg s2  }
0xb0: {  	[dreg:$0x4] =	wrdreg $0x9C000  }
0xb1: {  	[dreg:$0x5] =	wrdreg $0x9  }
0xb2: {  	_ =	task.clear_ibuf [dreg:s7], $0x6FFFF;
	_ =	strace $0x90000046  }
0xb3: {  	s29 =	simm.s32 $0x9;
	_ =	strace $0x80000048  }
0xb4: {  	_ =	swait.ge [sflag:s29], $0x1  }
0xb5: {  	[sflag:s29] =	ssyncadd.s32 $0xFFFFFFFF  }
0xb6: {  	_ =	strace $0x90000048  }
0xb7: {  	_ =	sfence  }
0xb8: {  	s30 =	sld [smem:$0x0];
	_ =	sdelay $0x2  }
0xb9: {  	s31 =	sshll.u32 s1, $0xD;
	s1 =	sshrl.u32 s1, $0x2  }
0xba: {  	s3 =	sand.u32 $0x4000, s31;
	s1 =	sadd.s32 s1, s30  }
0xbb: {  	s0 =	sor.u32 s3, s0;
	s1 =	sshll.u32 s1, $0x11  }
0xbc: {  	s0 =	sor.u32 s1, s0  }
0xbd: {  	s0 =	sadd.s32 $0x8F2B, s0  }
0xbe: {  	[sflag:s0] =	ssyncadd.remote.s32 $0x1  }
0xbf: {  	_ =	sfence.sel $0xFFFF  }
0xc0: {  	[dreg:$0x0] =	wrdreg $0xFFFFFFFF;
	(pc) =	sbr.abs _section_cstart, $3  }
0xc1: {  	[dreg:$0x1] =	wrdreg $0xFFFFFFFF  }
0xc2: {  	_ =	task.clear_ibuf [dreg:s7], $0x2FFFF;
	_ =	strace $0x9FFFFFFF  }
0xc3: {  	(tm) =	ssettm $0x7FFFFFFF  }
tec
execute0_lowered:
.L_overlay_start_1:
0x0: {  	(tag) =	ssettag $0x1  }
0x1: {  	s4 =	rddreg [dreg:$0x0]  }
0x2: {  	s7 =	rddreg [dreg:$0x1]  }
0x3: {  	s2 =	rddreg [dreg:$0x2]  }
0x4: {  	s0 =	rddreg [dreg:$0x3];
	s3 =	simm.s32 $0x0  }
0x5: {  	s1 =	stileid.u32;
	s6 =	srdreg.scid;
	s14 =	simm.s32 $0x1400  }
0x6: {  	s15 =	simm.s32 $0x5400;
	s16 =	simm.s32 $0x1;
	s17 =	simm.s32 $0x9400  }
0x7: {  	s18 =	simm.s32 $0x2;
	s19 =	simm.s32 $0x9800;
	s20 =	simm.s32 $0x0  }
0x8: {  	[smem:$0x7FF] =	sst s3;
	s5 =	smul.u32 $0x2800, s1;
	s6 =	sand.u32 $0x1, s6  }
0x9: {  	s9 =	sshll.u32 s1, $0x1;
	s29 =	smul.u32 $0x50000, s1;
	s11 =	sshll.u32 s1, $0x6  }
0xa: {  	_ =	strace $0x80000047;
	s8 =	ssub.s32 $0x2, s6;
	s9 =	sor.u32 s6, s9  }
0xb: {  	s5 =	sadd.s32 s5, s4;
	s10 =	sshrl.u32 s8, $0x1;
	s30 =	smul.u32 $0x280, s9  }
0xc: {  	s4 =	sadd.s32 $0x29400, s4;
	s6 =	sshrl.u32 s29, $0x2;
	s12 =	smul.u32 $0x1400, s9  }
0xd: {  	s10 =	ssub.s32 s8, s10;
	s13 =	sadd.s32 s6, s2;
	s5 =	sadd.s32 $0x1400, s5  }
0xe: {  	s6 =	sor.u32 $0x1C03, s11;
	s8 =	smul.u32 $0xA000, s9;
	s7 =	sadd.s32 s7, s30  }
0xf: {  	s31 =	sadd.s32 s12, s4;
	s9 =	smax.u32 s10, $0x1;
	s11 =	sshrl.u32 s13, $0x3  }
0x10: {  	s12 =	simm.s32 $0x3;
	s13 =	simm.s32 $0x80;
	s10 =	sadd.s32 $0x80, s31  }
.LBB2_1:
0x11: {  	[spmem:s11], [sflag:s6] =	dma.local [hbm:s5], $0x2800  }
0x12: {  	_ =	swait.ge [sflag:s12], $0x2800  }
0x13: {  	[sflag:s12] =	ssyncset.done $0x0  }
0x14: {  	[sflag:s12] =	ssyncadd.s32 $0xFFFFD800  }
0x15: {  	[tilespmem:s3], [sflag:$0x3] =	stream.linear.gather [hbm4b:s7+s3], $0x1400, $0x38;
	[tilespmem:$0x1DC00] =	vst v63  }
0x16: {  	_ =	swait.ge [sflag:s12], $0x1400  }
0x17: {  	[sflag:s12] =	ssyncset.done $0x0  }
0x18: {  	[sflag:s12] =	ssyncadd.s32 $0xFFFFEC00  }
0x19: {  	[bflag:$0x0] =	sbarrier.arrive $0xFFFF  }
0x1a: {  	[tilespmem:s14], [sflag:$0x1] =	stream.indirect.gather [spmem:s2], $0x80, s3, s13, $0xb8;
	[tilespmem:$0x1DC00] =	vst v63  }
0x1b: {  	s21 =	simm.s32 $0x0  }
0x1c: {  	[tilespmem:s15], [sflag:$0x2] =	stream.indirect.gather [spmem:s2], $0x80, s13, s13, $0xb8;
	[tilespmem:$0x1DC00] =	vst v63  }
.LBB2_2:
0x1d: {  	_ =	swait.ge [sflag:s16], $0x4000  }
0x1e: {  	[sflag:s16] =	ssyncset.done $0x0  }
0x1f: {  	s22 =	simm.s32 $0x1800;
	[sflag:s16] =	ssyncadd.s32 $0xFFFFC000  }
0x20: {  	v0 =	vld [tilespmem:s22+$0xFFFFFC80]  }
0x21: {  	v1 =	vld [tilespmem:s22+$0xFFFFFC00]  }
0x22: {  	v2 =	vld [tilespmem:s22+$0xFFFFFD00]  }
0x23: {  	v3 =	vld [tilespmem:s22+$0xFFFFFD80]  }
0x24: {  	v4 =	vld [tilespmem:s22+$0xFFFFFE00]  }
0x25: {  	v5 =	vld [tilespmem:s22+$0xFFFFFE80]  }
0x26: {  	v0 =	vmax.f32 v1, v0;
	v1 =	vld [tilespmem:s22+$0xFFFFFF00]  }
0x27: {  	v0 =	vmax.f32 v0, v2;
	v2 =	vld [tilespmem:s22+$0xFFFFFF80]  }
0x28: {  	v0 =	vmax.f32 v0, v3;
	v3 =	vld [tilespmem:s22+$0x0]  }
0x29: {  	v0 =	vmax.f32 v0, v4;
	v4 =	vld [tilespmem:s22+$0x80]  }
0x2a: {  	v0 =	vmax.f32 v0, v5;
	v5 =	vld [tilespmem:s22+$0x100]  }
0x2b: {  	v0 =	vmax.f32 v0, v1;
	v1 =	vld [tilespmem:s22+$0x180]  }
0x2c: {  	v0 =	vmax.f32 v0, v2;
	v2 =	vld [tilespmem:s22+$0x200]  }
0x2d: {  	v0 =	vmax.f32 v0, v3;
	v3 =	vld [tilespmem:s22+$0x280]  }
0x2e: {  	v0 =	vmax.f32 v0, v4;
	v4 =	vld [tilespmem:s22+$0x300]  }
0x2f: {  	v0 =	vmax.f32 v0, v5;
	v5 =	vld [tilespmem:s22+$0x380]  }
0x30: {  	v0 =	vmax.f32 v0, v1  }
0x31: {  	v0 =	vmax.f32 v0, v2  }
0x32: {  	v0 =	vmax.f32 v0, v3  }
0x33: {  	v0 =	vmax.f32 v0, v4  }
0x34: {  	s23 =	simm.s32 $0x0;
	v0 =	vmax.f32 v0, v5  }
0x35: {  	[tilespmem:s23+$0x9400] =	vst v0  }
0x36: {  	v0 =	vld [tilespmem:s22+$0xFFFFFC10]  }
0x37: {  	v1 =	vld [tilespmem:s22+$0xFFFFFC90]  }
0x38: {  	v2 =	vld [tilespmem:s22+$0xFFFFFD10]  }
0x39: {  	v3 =	vld [tilespmem:s22+$0xFFFFFD90]  }
0x3a: {  	v4 =	vld [tilespmem:s22+$0xFFFFFE10]  }
0x3b: {  	v5 =	vld [tilespmem:s22+$0xFFFFFE90]  }
0x3c: {  	v0 =	vmax.f32 v0, v1;
	v1 =	vld [tilespmem:s22+$0xFFFFFF10]  }
0x3d: {  	v0 =	vmax.f32 v0, v2;
	v2 =	vld [tilespmem:s22+$0xFFFFFF90]  }
0x3e: {  	v0 =	vmax.f32 v0, v3;
	v3 =	vld [tilespmem:s22+$0x10]  }
0x3f: {  	v0 =	vmax.f32 v0, v4;
	v4 =	vld [tilespmem:s22+$0x90]  }
0x40: {  	v0 =	vmax.f32 v0, v5;
	v5 =	vld [tilespmem:s22+$0x110]  }
0x41: {  	v0 =	vmax.f32 v0, v1;
	v1 =	vld [tilespmem:s22+$0x190]  }
0x42: {  	v0 =	vmax.f32 v0, v2;
	v2 =	vld [tilespmem:s22+$0x210]  }
0x43: {  	v0 =	vmax.f32 v0, v3;
	v3 =	vld [tilespmem:s22+$0x290]  }
0x44: {  	v0 =	vmax.f32 v0, v4;
	v4 =	vld [tilespmem:s22+$0x310]  }
0x45: {  	v0 =	vmax.f32 v0, v5;
	v5 =	vld [tilespmem:s22+$0x390]  }
0x46: {  	v0 =	vmax.f32 v0, v1  }
0x47: {  	v0 =	vmax.f32 v0, v2  }
0x48: {  	v0 =	vmax.f32 v0, v3  }
0x49: {  	v0 =	vmax.f32 v0, v4  }
0x4a: {  	v0 =	vmax.f32 v0, v5  }
0x4b: {  	[tilespmem:s23+$0x9410] =	vst v0  }
0x4c: {  	v0 =	vld [tilespmem:s22+$0xFFFFFC20]  }
0x4d: {  	v1 =	vld [tilespmem:s22+$0xFFFFFCA0]  }
0x4e: {  	v2 =	vld [tilespmem:s22+$0xFFFFFD20]  }
0x4f: {  	v3 =	vld [tilespmem:s22+$0xFFFFFDA0]  }
0x50: {  	v4 =	vld [tilespmem:s22+$0xFFFFFE20]  }
0x51: {  	v5 =	vld [tilespmem:s22+$0xFFFFFEA0]  }
0x52: {  	v0 =	vmax.f32 v0, v1;
	v1 =	vld [tilespmem:s22+$0xFFFFFF20]  }
0x53: {  	v0 =	vmax.f32 v0, v2;
	v2 =	vld [tilespmem:s22+$0xFFFFFFA0]  }
0x54: {  	v0 =	vmax.f32 v0, v3;
	v3 =	vld [tilespmem:s22+$0x20]  }
0x55: {  	v0 =	vmax.f32 v0, v4;
	v4 =	vld [tilespmem:s22+$0xA0]  }
0x56: {  	v0 =	vmax.f32 v0, v5;
	v5 =	vld [tilespmem:s22+$0x120]  }
0x57: {  	v0 =	vmax.f32 v0, v1;
	v1 =	vld [tilespmem:s22+$0x1A0]  }
0x58: {  	v0 =	vmax.f32 v0, v2;
	v2 =	vld [tilespmem:s22+$0x220]  }
0x59: {  	v0 =	vmax.f32 v0, v3;
	v3 =	vld [tilespmem:s22+$0x2A0]  }
0x5a: {  	v0 =	vmax.f32 v0, v4;
	v4 =	vld [tilespmem:s22+$0x320]  }
0x5b: {  	v0 =	vmax.f32 v0, v5;
	v5 =	vld [tilespmem:s22+$0x3A0]  }
0x5c: {  	v0 =	vmax.f32 v0, v1  }
0x5d: {  	v0 =	vmax.f32 v0, v2  }
0x5e: {  	v0 =	vmax.f32 v0, v3  }
0x5f: {  	v0 =	vmax.f32 v0, v4  }
0x60: {  	v0 =	vmax.f32 v0, v5  }
0x61: {  	[tilespmem:s23+$0x9420] =	vst v0  }
0x62: {  	v0 =	vld [tilespmem:s22+$0xFFFFFC30]  }
0x63: {  	v1 =	vld [tilespmem:s22+$0xFFFFFCB0]  }
0x64: {  	v2 =	vld [tilespmem:s22+$0xFFFFFD30]  }
0x65: {  	v3 =	vld [tilespmem:s22+$0xFFFFFDB0]  }
0x66: {  	v4 =	vld [tilespmem:s22+$0xFFFFFE30]  }
0x67: {  	v5 =	vld [tilespmem:s22+$0xFFFFFEB0]  }
0x68: {  	v0 =	vmax.f32 v0, v1;
	v1 =	vld [tilespmem:s22+$0xFFFFFF30]  }
0x69: {  	v0 =	vmax.f32 v0, v2;
	v2 =	vld [tilespmem:s22+$0xFFFFFFB0]  }
0x6a: {  	v0 =	vmax.f32 v0, v3;
	v3 =	vld [tilespmem:s22+$0x30]  }
0x6b: {  	v0 =	vmax.f32 v0, v4;
	v4 =	vld [tilespmem:s22+$0xB0]  }
0x6c: {  	v0 =	vmax.f32 v0, v5;
	v5 =	vld [tilespmem:s22+$0x130]  }
0x6d: {  	v0 =	vmax.f32 v0, v1;
	v1 =	vld [tilespmem:s22+$0x1B0]  }
0x6e: {  	v0 =	vmax.f32 v0, v2;
	v2 =	vld [tilespmem:s22+$0x230]  }
0x6f: {  	v0 =	vmax.f32 v0, v3;
	v3 =	vld [tilespmem:s22+$0x2B0]  }
0x70: {  	v0 =	vmax.f32 v0, v4;
	v4 =	vld [tilespmem:s22+$0x330]  }
0x71: {  	v0 =	vmax.f32 v0, v5;
	v5 =	vld [tilespmem:s22+$0x3B0]  }
0x72: {  	v0 =	vmax.f32 v0, v1  }
0x73: {  	v0 =	vmax.f32 v0, v2  }
0x74: {  	v0 =	vmax.f32 v0, v3  }
0x75: {  	v0 =	vmax.f32 v0, v4  }
0x76: {  	v0 =	vmax.f32 v0, v5  }
0x77: {  	[tilespmem:s23+$0x9430] =	vst v0  }
0x78: {  	v0 =	vld [tilespmem:s22+$0xFFFFFC40]  }
0x79: {  	v1 =	vld [tilespmem:s22+$0xFFFFFCC0]  }
0x7a: {  	v2 =	vld [tilespmem:s22+$0xFFFFFD40]  }
0x7b: {  	v3 =	vld [tilespmem:s22+$0xFFFFFDC0]  }
0x7c: {  	v4 =	vld [tilespmem:s22+$0xFFFFFE40]  }
0x7d: {  	v5 =	vld [tilespmem:s22+$0xFFFFFEC0]  }
0x7e: {  	v0 =	vmax.f32 v0, v1;
	v1 =	vld [tilespmem:s22+$0xFFFFFF40]  }
0x7f: {  	v0 =	vmax.f32 v0, v2;
	v2 =	vld [tilespmem:s22+$0xFFFFFFC0]  }
0x80: {  	v0 =	vmax.f32 v0, v3;
	v3 =	vld [tilespmem:s22+$0x40]  }
0x81: {  	v0 =	vmax.f32 v0, v4;
	v4 =	vld [tilespmem:s22+$0xC0]  }
0x82: {  	v0 =	vmax.f32 v0, v5;
	v5 =	vld [tilespmem:s22+$0x140]  }
0x83: {  	v0 =	vmax.f32 v0, v1;
	v1 =	vld [tilespmem:s22+$0x1C0]  }
0x84: {  	v0 =	vmax.f32 v0, v2;
	v2 =	vld [tilespmem:s22+$0x240]  }
0x85: {  	v0 =	vmax.f32 v0, v3;
	v3 =	vld [tilespmem:s22+$0x2C0]  }
0x86: {  	v0 =	vmax.f32 v0, v4;
	v4 =	vld [tilespmem:s22+$0x340]  }
0x87: {  	v0 =	vmax.f32 v0, v5;
	v5 =	vld [tilespmem:s22+$0x3C0]  }
0x88: {  	v0 =	vmax.f32 v0, v1  }
0x89: {  	v0 =	vmax.f32 v0, v2  }
0x8a: {  	v0 =	vmax.f32 v0, v3  }
0x8b: {  	v0 =	vmax.f32 v0, v4  }
0x8c: {  	v0 =	vmax.f32 v0, v5  }
0x8d: {  	[tilespmem:s23+$0x9440] =	vst v0  }
0x8e: {  	v0 =	vld [tilespmem:s22+$0xFFFFFC50]  }
0x8f: {  	v1 =	vld [tilespmem:s22+$0xFFFFFCD0]  }
0x90: {  	v2 =	vld [tilespmem:s22+$0xFFFFFD50]  }
0x91: {  	v3 =	vld [tilespmem:s22+$0xFFFFFDD0]  }
0x92: {  	v4 =	vld [tilespmem:s22+$0xFFFFFE50]  }
0x93: {  	v5 =	vld [tilespmem:s22+$0xFFFFFED0]  }
0x94: {  	v0 =	vmax.f32 v0, v1;
	v1 =	vld [tilespmem:s22+$0xFFFFFF50]  }
0x95: {  	v0 =	vmax.f32 v0, v2;
	v2 =	vld [tilespmem:s22+$0xFFFFFFD0]  }
0x96: {  	v0 =	vmax.f32 v0, v3;
	v3 =	vld [tilespmem:s22+$0x50]  }
0x97: {  	v0 =	vmax.f32 v0, v4;
	v4 =	vld [tilespmem:s22+$0xD0]  }
0x98: {  	v0 =	vmax.f32 v0, v5;
	v5 =	vld [tilespmem:s22+$0x150]  }
0x99: {  	v0 =	vmax.f32 v0, v1;
	v1 =	vld [tilespmem:s22+$0x1D0]  }
0x9a: {  	v0 =	vmax.f32 v0, v2;
	v2 =	vld [tilespmem:s22+$0x250]  }
0x9b: {  	v0 =	vmax.f32 v0, v3;
	v3 =	vld [tilespmem:s22+$0x2D0]  }
0x9c: {  	v0 =	vmax.f32 v0, v4;
	v4 =	vld [tilespmem:s22+$0x350]  }
0x9d: {  	v0 =	vmax.f32 v0, v5;
	v5 =	vld [tilespmem:s22+$0x3D0]  }
0x9e: {  	v0 =	vmax.f32 v0, v1  }
0x9f: {  	v0 =	vmax.f32 v0, v2  }
0xa0: {  	v0 =	vmax.f32 v0, v3  }
0xa1: {  	v0 =	vmax.f32 v0, v4  }
0xa2: {  	v0 =	vmax.f32 v0, v5  }
0xa3: {  	[tilespmem:s23+$0x9450] =	vst v0  }
0xa4: {  	v0 =	vld [tilespmem:s22+$0xFFFFFC60]  }
0xa5: {  	v1 =	vld [tilespmem:s22+$0xFFFFFCE0]  }
0xa6: {  	v2 =	vld [tilespmem:s22+$0xFFFFFD60]  }
0xa7: {  	v3 =	vld [tilespmem:s22+$0xFFFFFDE0]  }
0xa8: {  	v4 =	vld [tilespmem:s22+$0xFFFFFE60]  }
0xa9: {  	v5 =	vld [tilespmem:s22+$0xFFFFFEE0]  }
0xaa: {  	v0 =	vmax.f32 v0, v1;
	v1 =	vld [tilespmem:s22+$0xFFFFFF60]  }
0xab: {  	v0 =	vmax.f32 v0, v2;
	v2 =	vld [tilespmem:s22+$0xFFFFFFE0]  }
0xac: {  	v0 =	vmax.f32 v0, v3;
	v3 =	vld [tilespmem:s22+$0x60]  }
0xad: {  	v0 =	vmax.f32 v0, v4;
	v4 =	vld [tilespmem:s22+$0xE0]  }
0xae: {  	v0 =	vmax.f32 v0, v5;
	v5 =	vld [tilespmem:s22+$0x160]  }
0xaf: {  	v0 =	vmax.f32 v0, v1;
	v1 =	vld [tilespmem:s22+$0x1E0]  }
0xb0: {  	v0 =	vmax.f32 v0, v2;
	v2 =	vld [tilespmem:s22+$0x260]  }
0xb1: {  	v0 =	vmax.f32 v0, v3;
	v3 =	vld [tilespmem:s22+$0x2E0]  }
0xb2: {  	v0 =	vmax.f32 v0, v4;
	v4 =	vld [tilespmem:s22+$0x360]  }
0xb3: {  	v0 =	vmax.f32 v0, v5;
	v5 =	vld [tilespmem:s22+$0x3E0]  }
0xb4: {  	v0 =	vmax.f32 v0, v1  }
0xb5: {  	v0 =	vmax.f32 v0, v2  }
0xb6: {  	v0 =	vmax.f32 v0, v3  }
0xb7: {  	v0 =	vmax.f32 v0, v4  }
0xb8: {  	v0 =	vmax.f32 v0, v5  }
0xb9: {  	[tilespmem:s23+$0x9460] =	vst v0  }
0xba: {  	v0 =	vld [tilespmem:s22+$0xFFFFFC70]  }
0xbb: {  	v1 =	vld [tilespmem:s22+$0xFFFFFCF0]  }
0xbc: {  	v2 =	vld [tilespmem:s22+$0xFFFFFD70]  }
0xbd: {  	v3 =	vld [tilespmem:s22+$0xFFFFFDF0]  }
0xbe: {  	v5 =	vld [tilespmem:s22+$0xFFFFFE70]  }
0xbf: {  	v6 =	vld [tilespmem:s22+$0xFFFFFEF0]  }
0xc0: {  	v7 =	vld [tilespmem:s22+$0xFFFFFF70];
	v0 =	vmax.f32 v0, v1  }
0xc1: {  	v8 =	vld [tilespmem:s22+$0xFFFFFFF0];
	v0 =	vmax.f32 v0, v2  }
0xc2: {  	v4 =	vld [tilespmem:s22+$0x70];
	v0 =	vmax.f32 v0, v3  }
0xc3: {  	v1 =	vld [tilespmem:s22+$0xF0];
	v0 =	vmax.f32 v0, v5  }
0xc4: {  	v2 =	vld [tilespmem:s22+$0x170];
	v0 =	vmax.f32 v0, v6  }
0xc5: {  	v3 =	vmax.f32 v0, v7;
	v0 =	vld [tilespmem:s22+$0x1F0]  }
0xc6: {  	s24 =	simm.s32 $0x200;
	s25 =	simm.s32 $0x1800;
	v5 =	vmax.f32 v3, v8;
	v3 =	vld [tilespmem:s22+$0x270]  }
.LBB2_3:
0xc7: {  	p0 =	sne.s32 s24, $0xE00  }
0xc8: {  	v4 =	vmax.f32 v5, v4;
	v5 =	vld [tilespmem:s22+$0x2F0];
	s25 =	sadd.s32 $0x800, s25;
	s26 =	smov.u32 s24;
	s24 =	sadd.s32 $0x200, s24  }
0xc9: {  	v1 =	vmax.f32 v4, v1;
	v4 =	vld [tilespmem:s22+$0x370]  }
0xca: {  	v1 =	vmax.f32 v1, v2;
	v2 =	vld [tilespmem:s22+$0x3F0];
	s22 =	smov.u32 s25  }
0xcb: {  	v0 =	vmax.f32 v1, v0  }
0xcc: {  	v0 =	vmax.f32 v0, v3  }
0xcd: {  	v0 =	vmax.f32 v0, v5  }
0xce: {  	v0 =	vmax.f32 v0, v4  }
0xcf: {  	v0 =	vmax.f32 v0, v2  }
0xd0: {  	[tilespmem:s23+$0x9470] =	vst v0  }
0xd1: {  	v0 =	vld [tilespmem:s25+$0xFFFFFD00]  }
0xd2: {  	v1 =	vld [tilespmem:s25+$0xFFFFFC80]  }
0xd3: {  	v2 =	vld [tilespmem:s25+$0xFFFFFC00]  }
0xd4: {  	v3 =	vld [tilespmem:s25+$0xFFFFFD80]  }
0xd5: {  	v4 =	vld [tilespmem:s25+$0xFFFFFE00];
	_ =	sdelay $0x1  }
0xd6: {  	v5 =	vld [tilespmem:s25+$0xFFFFFE80]  }
0xd7: {  	v1 =	vmax.f32 v2, v1;
	v2 =	vld [tilespmem:s25+$0xFFFFFF00]  }
0xd8: {  	v0 =	vmax.f32 v1, v0;
	v1 =	vld [tilespmem:s25+$0xFFFFFF80]  }
0xd9: {  	v0 =	vmax.f32 v0, v3;
	v3 =	vld [tilespmem:s25+$0x0]  }
0xda: {  	v0 =	vmax.f32 v0, v4;
	v4 =	vld [tilespmem:s25+$0x80]  }
0xdb: {  	v0 =	vmax.f32 v0, v5;
	v5 =	vld [tilespmem:s25+$0x100]  }
0xdc: {  	v0 =	vmax.f32 v0, v2;
	v2 =	vld [tilespmem:s25+$0x180]  }
0xdd: {  	v0 =	vmax.f32 v0, v1;
	v1 =	vld [tilespmem:s25+$0x200]  }
0xde: {  	v0 =	vmax.f32 v0, v3;
	v3 =	vld [tilespmem:s25+$0x280]  }
0xdf: {  	v0 =	vmax.f32 v0, v4;
	v4 =	vld [tilespmem:s25+$0x300]  }
0xe0: {  	v0 =	vmax.f32 v0, v5;
	v5 =	vld [tilespmem:s25+$0x380]  }
0xe1: {  	v0 =	vmax.f32 v0, v2  }
0xe2: {  	v0 =	vmax.f32 v0, v1  }
0xe3: {  	v0 =	vmax.f32 v0, v3  }
0xe4: {  	v0 =	vmax.f32 v0, v4  }
0xe5: {  	s23 =	sshra.s32 s26, $0x2;
	v0 =	vmax.f32 v0, v5  }
0xe6: {  	[tilespmem:s23+$0x9400] =	vst v0  }
0xe7: {  	v0 =	vld [tilespmem:s25+$0xFFFFFC10]  }
0xe8: {  	v1 =	vld [tilespmem:s25+$0xFFFFFC90]  }
0xe9: {  	v2 =	vld [tilespmem:s25+$0xFFFFFD10]  }
0xea: {  	v3 =	vld [tilespmem:s25+$0xFFFFFD90]  }
0xeb: {  	v4 =	vld [tilespmem:s25+$0xFFFFFE10]  }
0xec: {  	v5 =	vld [tilespmem:s25+$0xFFFFFE90]  }
0xed: {  	v0 =	vmax.f32 v0, v1;
	v1 =	vld [tilespmem:s25+$0xFFFFFF10]  }
0xee: {  	v0 =	vmax.f32 v0, v2;
	v2 =	vld [tilespmem:s25+$0xFFFFFF90]  }
0xef: {  	v0 =	vmax.f32 v0, v3;
	v3 =	vld [tilespmem:s25+$0x10]  }
0xf0: {  	v0 =	vmax.f32 v0, v4;
	v4 =	vld [tilespmem:s25+$0x90]  }
0xf1: {  	v0 =	vmax.f32 v0, v5;
	v5 =	vld [tilespmem:s25+$0x110]  }
0xf2: {  	v0 =	vmax.f32 v0, v1;
	v1 =	vld [tilespmem:s25+$0x190]  }
0xf3: {  	v0 =	vmax.f32 v0, v2;
	v2 =	vld [tilespmem:s25+$0x210]  }
0xf4: {  	v0 =	vmax.f32 v0, v3;
	v3 =	vld [tilespmem:s25+$0x290]  }
0xf5: {  	v0 =	vmax.f32 v0, v4;
	v4 =	vld [tilespmem:s25+$0x310]  }
0xf6: {  	v0 =	vmax.f32 v0, v5;
	v5 =	vld [tilespmem:s25+$0x390]  }
0xf7: {  	v0 =	vmax.f32 v0, v1  }
0xf8: {  	v0 =	vmax.f32 v0, v2  }
0xf9: {  	v0 =	vmax.f32 v0, v3  }
0xfa: {  	v0 =	vmax.f32 v0, v4  }
0xfb: {  	v0 =	vmax.f32 v0, v5  }
0xfc: {  	[tilespmem:s23+$0x9410] =	vst v0  }
0xfd: {  	v0 =	vld [tilespmem:s25+$0xFFFFFC20]  }
0xfe: {  	v1 =	vld [tilespmem:s25+$0xFFFFFCA0]  }
0xff: {  	v2 =	vld [tilespmem:s25+$0xFFFFFD20]  }
0x100: {  	v3 =	vld [tilespmem:s25+$0xFFFFFDA0]  }
0x101: {  	v4 =	vld [tilespmem:s25+$0xFFFFFE20]  }
0x102: {  	v5 =	vld [tilespmem:s25+$0xFFFFFEA0]  }
0x103: {  	v0 =	vmax.f32 v0, v1;
	v1 =	vld [tilespmem:s25+$0xFFFFFF20]  }
0x104: {  	v0 =	vmax.f32 v0, v2;
	v2 =	vld [tilespmem:s25+$0xFFFFFFA0]  }
0x105: {  	v0 =	vmax.f32 v0, v3;
	v3 =	vld [tilespmem:s25+$0x20]  }
0x106: {  	v0 =	vmax.f32 v0, v4;
	v4 =	vld [tilespmem:s25+$0xA0]  }
0x107: {  	v0 =	vmax.f32 v0, v5;
	v5 =	vld [tilespmem:s25+$0x120]  }
0x108: {  	v0 =	vmax.f32 v0, v1;
	v1 =	vld [tilespmem:s25+$0x1A0]  }
0x109: {  	v0 =	vmax.f32 v0, v2;
	v2 =	vld [tilespmem:s25+$0x220]  }
0x10a: {  	v0 =	vmax.f32 v0, v3;
	v3 =	vld [tilespmem:s25+$0x2A0]  }
0x10b: {  	v0 =	vmax.f32 v0, v4;
	v4 =	vld [tilespmem:s25+$0x320]  }
0x10c: {  	v0 =	vmax.f32 v0, v5;
	v5 =	vld [tilespmem:s25+$0x3A0]  }
0x10d: {  	v0 =	vmax.f32 v0, v1  }
0x10e: {  	v0 =	vmax.f32 v0, v2  }
0x10f: {  	v0 =	vmax.f32 v0, v3  }
0x110: {  	v0 =	vmax.f32 v0, v4  }
0x111: {  	v0 =	vmax.f32 v0, v5  }
0x112: {  	[tilespmem:s23+$0x9420] =	vst v0  }
0x113: {  	v0 =	vld [tilespmem:s25+$0xFFFFFC30]  }
0x114: {  	v1 =	vld [tilespmem:s25+$0xFFFFFCB0]  }
0x115: {  	v2 =	vld [tilespmem:s25+$0xFFFFFD30]  }
0x116: {  	v3 =	vld [tilespmem:s25+$0xFFFFFDB0]  }
0x117: {  	v4 =	vld [tilespmem:s25+$0xFFFFFE30]  }
0x118: {  	v5 =	vld [tilespmem:s25+$0xFFFFFEB0]  }
0x119: {  	v0 =	vmax.f32 v0, v1;
	v1 =	vld [tilespmem:s25+$0xFFFFFF30]  }
0x11a: {  	v0 =	vmax.f32 v0, v2;
	v2 =	vld [tilespmem:s25+$0xFFFFFFB0]  }
0x11b: {  	v0 =	vmax.f32 v0, v3;
	v3 =	vld [tilespmem:s25+$0x30]  }
0x11c: {  	v0 =	vmax.f32 v0, v4;
	v4 =	vld [tilespmem:s25+$0xB0]  }
0x11d: {  	v0 =	vmax.f32 v0, v5;
	v5 =	vld [tilespmem:s25+$0x130]  }
0x11e: {  	v0 =	vmax.f32 v0, v1;
	v1 =	vld [tilespmem:s25+$0x1B0]  }
0x11f: {  	v0 =	vmax.f32 v0, v2;
	v2 =	vld [tilespmem:s25+$0x230]  }
0x120: {  	v0 =	vmax.f32 v0, v3;
	v3 =	vld [tilespmem:s25+$0x2B0]  }
0x121: {  	v0 =	vmax.f32 v0, v4;
	v4 =	vld [tilespmem:s25+$0x330]  }
0x122: {  	v0 =	vmax.f32 v0, v5;
	v5 =	vld [tilespmem:s25+$0x3B0]  }
0x123: {  	v0 =	vmax.f32 v0, v1  }
0x124: {  	v0 =	vmax.f32 v0, v2  }
0x125: {  	v0 =	vmax.f32 v0, v3  }
0x126: {  	v0 =	vmax.f32 v0, v4  }
0x127: {  	v0 =	vmax.f32 v0, v5  }
0x128: {  	[tilespmem:s23+$0x9430] =	vst v0  }
0x129: {  	v0 =	vld [tilespmem:s25+$0xFFFFFC40]  }
0x12a: {  	v1 =	vld [tilespmem:s25+$0xFFFFFCC0]  }
0x12b: {  	v2 =	vld [tilespmem:s25+$0xFFFFFD40]  }
0x12c: {  	v3 =	vld [tilespmem:s25+$0xFFFFFDC0]  }
0x12d: {  	v4 =	vld [tilespmem:s25+$0xFFFFFE40]  }
0x12e: {  	v5 =	vld [tilespmem:s25+$0xFFFFFEC0]  }
0x12f: {  	v0 =	vmax.f32 v0, v1;
	v1 =	vld [tilespmem:s25+$0xFFFFFF40]  }
0x130: {  	v0 =	vmax.f32 v0, v2;
	v2 =	vld [tilespmem:s25+$0xFFFFFFC0]  }
0x131: {  	v0 =	vmax.f32 v0, v3;
	v3 =	vld [tilespmem:s25+$0x40]  }
0x132: {  	v0 =	vmax.f32 v0, v4;
	v4 =	vld [tilespmem:s25+$0xC0]  }
0x133: {  	v0 =	vmax.f32 v0, v5;
	v5 =	vld [tilespmem:s25+$0x140]  }
0x134: {  	v0 =	vmax.f32 v0, v1;
	v1 =	vld [tilespmem:s25+$0x1C0]  }
0x135: {  	v0 =	vmax.f32 v0, v2;
	v2 =	vld [tilespmem:s25+$0x240]  }
0x136: {  	v0 =	vmax.f32 v0, v3;
	v3 =	vld [tilespmem:s25+$0x2C0]  }
0x137: {  	v0 =	vmax.f32 v0, v4;
	v4 =	vld [tilespmem:s25+$0x340]  }
0x138: {  	v0 =	vmax.f32 v0, v5;
	v5 =	vld [tilespmem:s25+$0x3C0]  }
0x139: {  	v0 =	vmax.f32 v0, v1  }
0x13a: {  	v0 =	vmax.f32 v0, v2  }
0x13b: {  	v0 =	vmax.f32 v0, v3  }
0x13c: {  	v0 =	vmax.f32 v0, v4  }
0x13d: {  	v0 =	vmax.f32 v0, v5  }
0x13e: {  	[tilespmem:s23+$0x9440] =	vst v0  }
0x13f: {  	v0 =	vld [tilespmem:s25+$0xFFFFFC50]  }
0x140: {  	v1 =	vld [tilespmem:s25+$0xFFFFFCD0]  }
0x141: {  	v2 =	vld [tilespmem:s25+$0xFFFFFD50]  }
0x142: {  	v3 =	vld [tilespmem:s25+$0xFFFFFDD0]  }
0x143: {  	v4 =	vld [tilespmem:s25+$0xFFFFFE50]  }
0x144: {  	v5 =	vld [tilespmem:s25+$0xFFFFFED0]  }
0x145: {  	v0 =	vmax.f32 v0, v1;
	v1 =	vld [tilespmem:s25+$0xFFFFFF50]  }
0x146: {  	v0 =	vmax.f32 v0, v2;
	v2 =	vld [tilespmem:s25+$0xFFFFFFD0]  }
0x147: {  	v0 =	vmax.f32 v0, v3;
	v3 =	vld [tilespmem:s25+$0x50]  }
0x148: {  	v0 =	vmax.f32 v0, v4;
	v4 =	vld [tilespmem:s25+$0xD0]  }
0x149: {  	v0 =	vmax.f32 v0, v5;
	v5 =	vld [tilespmem:s25+$0x150]  }
0x14a: {  	v0 =	vmax.f32 v0, v1;
	v1 =	vld [tilespmem:s25+$0x1D0]  }
0x14b: {  	v0 =	vmax.f32 v0, v2;
	v2 =	vld [tilespmem:s25+$0x250]  }
0x14c: {  	v0 =	vmax.f32 v0, v3;
	v3 =	vld [tilespmem:s25+$0x2D0]  }
0x14d: {  	v0 =	vmax.f32 v0, v4;
	v4 =	vld [tilespmem:s25+$0x350]  }
0x14e: {  	v0 =	vmax.f32 v0, v5;
	v5 =	vld [tilespmem:s25+$0x3D0]  }
0x14f: {  	v0 =	vmax.f32 v0, v1  }
0x150: {  	v0 =	vmax.f32 v0, v2  }
0x151: {  	v0 =	vmax.f32 v0, v3  }
0x152: {  	v0 =	vmax.f32 v0, v4  }
0x153: {  	v0 =	vmax.f32 v0, v5  }
0x154: {  	[tilespmem:s23+$0x9450] =	vst v0  }
0x155: {  	v0 =	vld [tilespmem:s25+$0xFFFFFC60]  }
0x156: {  	v1 =	vld [tilespmem:s25+$0xFFFFFCE0]  }
0x157: {  	v2 =	vld [tilespmem:s25+$0xFFFFFD60]  }
0x158: {  	v3 =	vld [tilespmem:s25+$0xFFFFFDE0]  }
0x159: {  	v4 =	vld [tilespmem:s25+$0xFFFFFE60]  }
0x15a: {  	v5 =	vld [tilespmem:s25+$0xFFFFFEE0]  }
0x15b: {  	v0 =	vmax.f32 v0, v1;
	v1 =	vld [tilespmem:s25+$0xFFFFFF60]  }
0x15c: {  	v0 =	vmax.f32 v0, v2;
	v2 =	vld [tilespmem:s25+$0xFFFFFFE0]  }
0x15d: {  	v0 =	vmax.f32 v0, v3;
	v3 =	vld [tilespmem:s25+$0x60]  }
0x15e: {  	v0 =	vmax.f32 v0, v4;
	v4 =	vld [tilespmem:s25+$0xE0]  }
0x15f: {  	v0 =	vmax.f32 v0, v5;
	v5 =	vld [tilespmem:s25+$0x160]  }
0x160: {  	v0 =	vmax.f32 v0, v1;
	v1 =	vld [tilespmem:s25+$0x1E0]  }
0x161: {  	v0 =	vmax.f32 v0, v2;
	v2 =	vld [tilespmem:s25+$0x260]  }
0x162: {  	v0 =	vmax.f32 v0, v3;
	v3 =	vld [tilespmem:s25+$0x2E0]  }
0x163: {  	v0 =	vmax.f32 v0, v4;
	v4 =	vld [tilespmem:s25+$0x360]  }
0x164: {  	v0 =	vmax.f32 v0, v5;
	v5 =	vld [tilespmem:s25+$0x3E0]  }
0x165: {  	v0 =	vmax.f32 v0, v1  }
0x166: {  	v0 =	vmax.f32 v0, v2  }
0x167: {  	v0 =	vmax.f32 v0, v3  }
0x168: {  	v0 =	vmax.f32 v0, v4  }
0x169: {  	v0 =	vmax.f32 v0, v5  }
0x16a: {  	[tilespmem:s23+$0x9460] =	vst v0  }
0x16b: {  	v0 =	vld [tilespmem:s25+$0xFFFFFC70]  }
0x16c: {  	v1 =	vld [tilespmem:s25+$0xFFFFFCF0]  }
0x16d: {  	v2 =	vld [tilespmem:s25+$0xFFFFFD70]  }
0x16e: {  	v3 =	vld [tilespmem:s25+$0xFFFFFDF0]  }
0x16f: {  	v5 =	vld [tilespmem:s25+$0xFFFFFE70]  }
0x170: {  	v6 =	vld [tilespmem:s25+$0xFFFFFEF0]  }
0x171: {  	v0 =	vmax.f32 v0, v1;
	v7 =	vld [tilespmem:s25+$0xFFFFFF70]  }
0x172: {  	v0 =	vmax.f32 v0, v2;
	v8 =	vld [tilespmem:s25+$0xFFFFFFF0]  }
.Ltmp0:
0x173: {  	v0 =	vmax.f32 v0, v3;
	v4 =	vld [tilespmem:s25+$0x70];
	(pc) =	sbr.rel @p0 .LBB2_3-.Ltmp0, $4  }
0x174: {  	v0 =	vmax.f32 v0, v5;
	v1 =	vld [tilespmem:s25+$0xF0]  }
0x175: {  	v0 =	vmax.f32 v0, v6;
	v2 =	vld [tilespmem:s25+$0x170]  }
0x176: {  	v3 =	vmax.f32 v0, v7;
	v0 =	vld [tilespmem:s25+$0x1F0]  }
0x177: {  	v5 =	vmax.f32 v3, v8;
	v3 =	vld [tilespmem:s25+$0x270]  }
0x178: {  	v4 =	vmax.f32 v5, v4;
	v5 =	vld [tilespmem:s22+$0x2F0]  }
0x179: {  	v1 =	vmax.f32 v4, v1;
	v4 =	vld [tilespmem:s22+$0x370]  }
0x17a: {  	v1 =	vmax.f32 v1, v2;
	v2 =	vld [tilespmem:s22+$0x3F0]  }
0x17b: {  	v0 =	vmax.f32 v1, v0  }
0x17c: {  	v0 =	vmax.f32 v0, v3  }
0x17d: {  	s28 =	sshll.u32 s21, $0xB;
	v0 =	vmax.f32 v0, v5  }
0x17e: {  	s22 =	sadd.s32 s8, s28;
	v0 =	vmax.f32 v0, v4  }
0x17f: {  	s24 =	sshrl.u32 s22, $0x3;
	v0 =	vmax.f32 v0, v2  }
0x180: {  	s30 =	simm.s32 $0x0;
	s22 =	sshll.u32 s21, $0x1;
	s29 =	sadd.s32 s4, s24;
	[tilespmem:s23+$0x9470] =	vst v0  }
0x181: {  	[hbm4b:s29+s30] =	stream.linear.scatter [tilespmem:s17], [sflag:$0x3], $0x400, $0x38;
	[tilespmem:$0x1DC00] =	vst v63  }
0x182: {  	s31 =	smin.u32 s22, $0x25;
	_ =	swait.ge [sflag:s12], $0x400  }
0x183: {  	s23 =	sshll.u32 s31, $0x7;
	[sflag:s12] =	ssyncset.done $0x0  }
0x184: {  	s23 =	sadd.s32 $0x100, s23;
	[sflag:s12] =	ssyncadd.s32 $0xFFFFFC00  }
0x185: {  	[tilespmem:s14], [sflag:$0x1] =	stream.indirect.gather [spmem:s2], $0x80, s23, s13, $0xb8;
	[tilespmem:$0x1DC00] =	vst v63  }
0x186: {  	_ =	swait.ge [sflag:s18], $0x4000  }
0x187: {  	[sflag:s18] =	ssyncset.done $0x0  }
0x188: {  	s23 =	simm.s32 $0x5800;
	[sflag:s18] =	ssyncadd.s32 $0xFFFFC000  }
0x189: {  	v0 =	vld [tilespmem:s23+$0xFFFFFC80]  }
0x18a: {  	v1 =	vld [tilespmem:s23+$0xFFFFFC00]  }
0x18b: {  	v2 =	vld [tilespmem:s23+$0xFFFFFD00]  }
0x18c: {  	v3 =	vld [tilespmem:s23+$0xFFFFFD80]  }
0x18d: {  	v4 =	vld [tilespmem:s23+$0xFFFFFE00]  }
0x18e: {  	v5 =	vld [tilespmem:s23+$0xFFFFFE80]  }
0x18f: {  	v0 =	vmax.f32 v1, v0;
	v1 =	vld [tilespmem:s23+$0xFFFFFF00]  }
0x190: {  	v0 =	vmax.f32 v0, v2;
	v2 =	vld [tilespmem:s23+$0xFFFFFF80]  }
0x191: {  	v0 =	vmax.f32 v0, v3;
	v3 =	vld [tilespmem:s23+$0x0]  }
0x192: {  	v0 =	vmax.f32 v0, v4;
	v4 =	vld [tilespmem:s23+$0x80]  }
0x193: {  	v0 =	vmax.f32 v0, v5;
	v5 =	vld [tilespmem:s23+$0x100]  }
0x194: {  	v0 =	vmax.f32 v0, v1;
	v1 =	vld [tilespmem:s23+$0x180]  }
0x195: {  	v0 =	vmax.f32 v0, v2;
	v2 =	vld [tilespmem:s23+$0x200]  }
0x196: {  	v0 =	vmax.f32 v0, v3;
	v3 =	vld [tilespmem:s23+$0x280]  }
0x197: {  	v0 =	vmax.f32 v0, v4;
	v4 =	vld [tilespmem:s23+$0x300]  }
0x198: {  	v0 =	vmax.f32 v0, v5;
	v5 =	vld [tilespmem:s23+$0x380]  }
0x199: {  	v0 =	vmax.f32 v0, v1  }
0x19a: {  	v0 =	vmax.f32 v0, v2  }
0x19b: {  	v0 =	vmax.f32 v0, v3  }
0x19c: {  	v0 =	vmax.f32 v0, v4  }
0x19d: {  	s24 =	simm.s32 $0x0;
	v0 =	vmax.f32 v0, v5  }
0x19e: {  	[tilespmem:s24+$0x9800] =	vst v0  }
0x19f: {  	v0 =	vld [tilespmem:s23+$0xFFFFFC10]  }
0x1a0: {  	v1 =	vld [tilespmem:s23+$0xFFFFFC90]  }
0x1a1: {  	v2 =	vld [tilespmem:s23+$0xFFFFFD10]  }
0x1a2: {  	v3 =	vld [tilespmem:s23+$0xFFFFFD90]  }
0x1a3: {  	v4 =	vld [tilespmem:s23+$0xFFFFFE10]  }
0x1a4: {  	v5 =	vld [tilespmem:s23+$0xFFFFFE90]  }
0x1a5: {  	v0 =	vmax.f32 v0, v1;
	v1 =	vld [tilespmem:s23+$0xFFFFFF10]  }
0x1a6: {  	v0 =	vmax.f32 v0, v2;
	v2 =	vld [tilespmem:s23+$0xFFFFFF90]  }
0x1a7: {  	v0 =	vmax.f32 v0, v3;
	v3 =	vld [tilespmem:s23+$0x10]  }
0x1a8: {  	v0 =	vmax.f32 v0, v4;
	v4 =	vld [tilespmem:s23+$0x90]  }
0x1a9: {  	v0 =	vmax.f32 v0, v5;
	v5 =	vld [tilespmem:s23+$0x110]  }
0x1aa: {  	v0 =	vmax.f32 v0, v1;
	v1 =	vld [tilespmem:s23+$0x190]  }
0x1ab: {  	v0 =	vmax.f32 v0, v2;
	v2 =	vld [tilespmem:s23+$0x210]  }
0x1ac: {  	v0 =	vmax.f32 v0, v3;
	v3 =	vld [tilespmem:s23+$0x290]  }
0x1ad: {  	v0 =	vmax.f32 v0, v4;
	v4 =	vld [tilespmem:s23+$0x310]  }
0x1ae: {  	v0 =	vmax.f32 v0, v5;
	v5 =	vld [tilespmem:s23+$0x390]  }
0x1af: {  	v0 =	vmax.f32 v0, v1  }
0x1b0: {  	v0 =	vmax.f32 v0, v2  }
0x1b1: {  	v0 =	vmax.f32 v0, v3  }
0x1b2: {  	v0 =	vmax.f32 v0, v4  }
0x1b3: {  	v0 =	vmax.f32 v0, v5  }
0x1b4: {  	[tilespmem:s24+$0x9810] =	vst v0  }
0x1b5: {  	v0 =	vld [tilespmem:s23+$0xFFFFFC20]  }
0x1b6: {  	v1 =	vld [tilespmem:s23+$0xFFFFFCA0]  }
0x1b7: {  	v2 =	vld [tilespmem:s23+$0xFFFFFD20]  }
0x1b8: {  	v3 =	vld [tilespmem:s23+$0xFFFFFDA0]  }
0x1b9: {  	v4 =	vld [tilespmem:s23+$0xFFFFFE20]  }
0x1ba: {  	v5 =	vld [tilespmem:s23+$0xFFFFFEA0]  }
0x1bb: {  	v0 =	vmax.f32 v0, v1;
	v1 =	vld [tilespmem:s23+$0xFFFFFF20]  }
0x1bc: {  	v0 =	vmax.f32 v0, v2;
	v2 =	vld [tilespmem:s23+$0xFFFFFFA0]  }
0x1bd: {  	v0 =	vmax.f32 v0, v3;
	v3 =	vld [tilespmem:s23+$0x20]  }
0x1be: {  	v0 =	vmax.f32 v0, v4;
	v4 =	vld [tilespmem:s23+$0xA0]  }
0x1bf: {  	v0 =	vmax.f32 v0, v5;
	v5 =	vld [tilespmem:s23+$0x120]  }
0x1c0: {  	v0 =	vmax.f32 v0, v1;
	v1 =	vld [tilespmem:s23+$0x1A0]  }
0x1c1: {  	v0 =	vmax.f32 v0, v2;
	v2 =	vld [tilespmem:s23+$0x220]  }
0x1c2: {  	v0 =	vmax.f32 v0, v3;
	v3 =	vld [tilespmem:s23+$0x2A0]  }
0x1c3: {  	v0 =	vmax.f32 v0, v4;
	v4 =	vld [tilespmem:s23+$0x320]  }
0x1c4: {  	v0 =	vmax.f32 v0, v5;
	v5 =	vld [tilespmem:s23+$0x3A0]  }
0x1c5: {  	v0 =	vmax.f32 v0, v1  }
0x1c6: {  	v0 =	vmax.f32 v0, v2  }
0x1c7: {  	v0 =	vmax.f32 v0, v3  }
0x1c8: {  	v0 =	vmax.f32 v0, v4  }
0x1c9: {  	v0 =	vmax.f32 v0, v5  }
0x1ca: {  	[tilespmem:s24+$0x9820] =	vst v0  }
0x1cb: {  	v0 =	vld [tilespmem:s23+$0xFFFFFC30]  }
0x1cc: {  	v1 =	vld [tilespmem:s23+$0xFFFFFCB0]  }
0x1cd: {  	v2 =	vld [tilespmem:s23+$0xFFFFFD30]  }
0x1ce: {  	v3 =	vld [tilespmem:s23+$0xFFFFFDB0]  }
0x1cf: {  	v4 =	vld [tilespmem:s23+$0xFFFFFE30]  }
0x1d0: {  	v5 =	vld [tilespmem:s23+$0xFFFFFEB0]  }
0x1d1: {  	v0 =	vmax.f32 v0, v1;
	v1 =	vld [tilespmem:s23+$0xFFFFFF30]  }
0x1d2: {  	v0 =	vmax.f32 v0, v2;
	v2 =	vld [tilespmem:s23+$0xFFFFFFB0]  }
0x1d3: {  	v0 =	vmax.f32 v0, v3;
	v3 =	vld [tilespmem:s23+$0x30]  }
0x1d4: {  	v0 =	vmax.f32 v0, v4;
	v4 =	vld [tilespmem:s23+$0xB0]  }
0x1d5: {  	v0 =	vmax.f32 v0, v5;
	v5 =	vld [tilespmem:s23+$0x130]  }
0x1d6: {  	v0 =	vmax.f32 v0, v1;
	v1 =	vld [tilespmem:s23+$0x1B0]  }
0x1d7: {  	v0 =	vmax.f32 v0, v2;
	v2 =	vld [tilespmem:s23+$0x230]  }
0x1d8: {  	v0 =	vmax.f32 v0, v3;
	v3 =	vld [tilespmem:s23+$0x2B0]  }
0x1d9: {  	v0 =	vmax.f32 v0, v4;
	v4 =	vld [tilespmem:s23+$0x330]  }
0x1da: {  	v0 =	vmax.f32 v0, v5;
	v5 =	vld [tilespmem:s23+$0x3B0]  }
0x1db: {  	v0 =	vmax.f32 v0, v1  }
0x1dc: {  	v0 =	vmax.f32 v0, v2  }
0x1dd: {  	v0 =	vmax.f32 v0, v3  }
0x1de: {  	v0 =	vmax.f32 v0, v4  }
0x1df: {  	v0 =	vmax.f32 v0, v5  }
0x1e0: {  	[tilespmem:s24+$0x9830] =	vst v0  }
0x1e1: {  	v0 =	vld [tilespmem:s23+$0xFFFFFC40]  }
0x1e2: {  	v1 =	vld [tilespmem:s23+$0xFFFFFCC0]  }
0x1e3: {  	v2 =	vld [tilespmem:s23+$0xFFFFFD40]  }
0x1e4: {  	v3 =	vld [tilespmem:s23+$0xFFFFFDC0]  }
0x1e5: {  	v4 =	vld [tilespmem:s23+$0xFFFFFE40]  }
0x1e6: {  	v5 =	vld [tilespmem:s23+$0xFFFFFEC0]  }
0x1e7: {  	v0 =	vmax.f32 v0, v1;
	v1 =	vld [tilespmem:s23+$0xFFFFFF40]  }
0x1e8: {  	v0 =	vmax.f32 v0, v2;
	v2 =	vld [tilespmem:s23+$0xFFFFFFC0]  }
0x1e9: {  	v0 =	vmax.f32 v0, v3;
	v3 =	vld [tilespmem:s23+$0x40]  }
0x1ea: {  	v0 =	vmax.f32 v0, v4;
	v4 =	vld [tilespmem:s23+$0xC0]  }
0x1eb: {  	v0 =	vmax.f32 v0, v5;
	v5 =	vld [tilespmem:s23+$0x140]  }
0x1ec: {  	v0 =	vmax.f32 v0, v1;
	v1 =	vld [tilespmem:s23+$0x1C0]  }
0x1ed: {  	v0 =	vmax.f32 v0, v2;
	v2 =	vld [tilespmem:s23+$0x240]  }
0x1ee: {  	v0 =	vmax.f32 v0, v3;
	v3 =	vld [tilespmem:s23+$0x2C0]  }
0x1ef: {  	v0 =	vmax.f32 v0, v4;
	v4 =	vld [tilespmem:s23+$0x340]  }
0x1f0: {  	v0 =	vmax.f32 v0, v5;
	v5 =	vld [tilespmem:s23+$0x3C0]  }
0x1f1: {  	v0 =	vmax.f32 v0, v1  }
0x1f2: {  	v0 =	vmax.f32 v0, v2  }
0x1f3: {  	v0 =	vmax.f32 v0, v3  }
0x1f4: {  	v0 =	vmax.f32 v0, v4  }
0x1f5: {  	v0 =	vmax.f32 v0, v5  }
0x1f6: {  	[tilespmem:s24+$0x9840] =	vst v0  }
0x1f7: {  	v0 =	vld [tilespmem:s23+$0xFFFFFC50]  }
0x1f8: {  	v1 =	vld [tilespmem:s23+$0xFFFFFCD0]  }
0x1f9: {  	v2 =	vld [tilespmem:s23+$0xFFFFFD50]  }
0x1fa: {  	v3 =	vld [tilespmem:s23+$0xFFFFFDD0]  }
0x1fb: {  	v4 =	vld [tilespmem:s23+$0xFFFFFE50]  }
0x1fc: {  	v5 =	vld [tilespmem:s23+$0xFFFFFED0]  }
0x1fd: {  	v0 =	vmax.f32 v0, v1;
	v1 =	vld [tilespmem:s23+$0xFFFFFF50]  }
0x1fe: {  	v0 =	vmax.f32 v0, v2;
	v2 =	vld [tilespmem:s23+$0xFFFFFFD0]  }
0x1ff: {  	v0 =	vmax.f32 v0, v3;
	v3 =	vld [tilespmem:s23+$0x50]  }
0x200: {  	v0 =	vmax.f32 v0, v4;
	v4 =	vld [tilespmem:s23+$0xD0]  }
0x201: {  	v0 =	vmax.f32 v0, v5;
	v5 =	vld [tilespmem:s23+$0x150]  }
0x202: {  	v0 =	vmax.f32 v0, v1;
	v1 =	vld [tilespmem:s23+$0x1D0]  }
0x203: {  	v0 =	vmax.f32 v0, v2;
	v2 =	vld [tilespmem:s23+$0x250]  }
0x204: {  	v0 =	vmax.f32 v0, v3;
	v3 =	vld [tilespmem:s23+$0x2D0]  }
0x205: {  	v0 =	vmax.f32 v0, v4;
	v4 =	vld [tilespmem:s23+$0x350]  }
0x206: {  	v0 =	vmax.f32 v0, v5;
	v5 =	vld [tilespmem:s23+$0x3D0]  }
0x207: {  	v0 =	vmax.f32 v0, v1  }
0x208: {  	v0 =	vmax.f32 v0, v2  }
0x209: {  	v0 =	vmax.f32 v0, v3  }
0x20a: {  	v0 =	vmax.f32 v0, v4  }
0x20b: {  	v0 =	vmax.f32 v0, v5  }
0x20c: {  	[tilespmem:s24+$0x9850] =	vst v0  }
0x20d: {  	v0 =	vld [tilespmem:s23+$0xFFFFFC60]  }
0x20e: {  	v1 =	vld [tilespmem:s23+$0xFFFFFCE0]  }
0x20f: {  	v2 =	vld [tilespmem:s23+$0xFFFFFD60]  }
0x210: {  	v3 =	vld [tilespmem:s23+$0xFFFFFDE0]  }
0x211: {  	v4 =	vld [tilespmem:s23+$0xFFFFFE60]  }
0x212: {  	v5 =	vld [tilespmem:s23+$0xFFFFFEE0]  }
0x213: {  	v0 =	vmax.f32 v0, v1;
	v1 =	vld [tilespmem:s23+$0xFFFFFF60]  }
0x214: {  	v0 =	vmax.f32 v0, v2;
	v2 =	vld [tilespmem:s23+$0xFFFFFFE0]  }
0x215: {  	v0 =	vmax.f32 v0, v3;
	v3 =	vld [tilespmem:s23+$0x60]  }
0x216: {  	v0 =	vmax.f32 v0, v4;
	v4 =	vld [tilespmem:s23+$0xE0]  }
0x217: {  	v0 =	vmax.f32 v0, v5;
	v5 =	vld [tilespmem:s23+$0x160]  }
0x218: {  	v0 =	vmax.f32 v0, v1;
	v1 =	vld [tilespmem:s23+$0x1E0]  }
0x219: {  	v0 =	vmax.f32 v0, v2;
	v2 =	vld [tilespmem:s23+$0x260]  }
0x21a: {  	v0 =	vmax.f32 v0, v3;
	v3 =	vld [tilespmem:s23+$0x2E0]  }
0x21b: {  	v0 =	vmax.f32 v0, v4;
	v4 =	vld [tilespmem:s23+$0x360]  }
0x21c: {  	v0 =	vmax.f32 v0, v5;
	v5 =	vld [tilespmem:s23+$0x3E0]  }
0x21d: {  	v0 =	vmax.f32 v0, v1  }
0x21e: {  	v0 =	vmax.f32 v0, v2  }
0x21f: {  	v0 =	vmax.f32 v0, v3  }
0x220: {  	v0 =	vmax.f32 v0, v4  }
0x221: {  	v0 =	vmax.f32 v0, v5  }
0x222: {  	[tilespmem:s24+$0x9860] =	vst v0  }
0x223: {  	v0 =	vld [tilespmem:s23+$0xFFFFFC70]  }
0x224: {  	v1 =	vld [tilespmem:s23+$0xFFFFFCF0]  }
0x225: {  	v2 =	vld [tilespmem:s23+$0xFFFFFD70]  }
0x226: {  	v3 =	vld [tilespmem:s23+$0xFFFFFDF0]  }
0x227: {  	v5 =	vld [tilespmem:s23+$0xFFFFFE70]  }
0x228: {  	v6 =	vld [tilespmem:s23+$0xFFFFFEF0]  }
0x229: {  	v7 =	vld [tilespmem:s23+$0xFFFFFF70];
	v0 =	vmax.f32 v0, v1  }
0x22a: {  	v8 =	vld [tilespmem:s23+$0xFFFFFFF0];
	v0 =	vmax.f32 v0, v2  }
0x22b: {  	v4 =	vld [tilespmem:s23+$0x70];
	v0 =	vmax.f32 v0, v3  }
0x22c: {  	v1 =	vld [tilespmem:s23+$0xF0];
	v0 =	vmax.f32 v0, v5  }
0x22d: {  	v2 =	vld [tilespmem:s23+$0x170];
	v0 =	vmax.f32 v0, v6  }
0x22e: {  	v3 =	vmax.f32 v0, v7;
	v0 =	vld [tilespmem:s23+$0x1F0]  }
0x22f: {  	s25 =	simm.s32 $0x200;
	s26 =	simm.s32 $0x5800;
	v5 =	vmax.f32 v3, v8;
	v3 =	vld [tilespmem:s23+$0x270]  }
.LBB2_5:
0x230: {  	p0 =	sne.s32 s25, $0xE00  }
0x231: {  	v4 =	vmax.f32 v5, v4;
	v5 =	vld [tilespmem:s23+$0x2F0];
	s26 =	sadd.s32 $0x800, s26;
	s28 =	smov.u32 s25;
	s25 =	sadd.s32 $0x200, s25  }
0x232: {  	v1 =	vmax.f32 v4, v1;
	v4 =	vld [tilespmem:s23+$0x370]  }
0x233: {  	v1 =	vmax.f32 v1, v2;
	v2 =	vld [tilespmem:s23+$0x3F0];
	s23 =	smov.u32 s26  }
0x234: {  	v0 =	vmax.f32 v1, v0  }
0x235: {  	v0 =	vmax.f32 v0, v3  }
0x236: {  	v0 =	vmax.f32 v0, v5  }
0x237: {  	v0 =	vmax.f32 v0, v4  }
0x238: {  	v0 =	vmax.f32 v0, v2  }
0x239: {  	[tilespmem:s24+$0x9870] =	vst v0  }
0x23a: {  	v0 =	vld [tilespmem:s26+$0xFFFFFD00]  }
0x23b: {  	v1 =	vld [tilespmem:s26+$0xFFFFFC80]  }
0x23c: {  	v2 =	vld [tilespmem:s26+$0xFFFFFC00]  }
0x23d: {  	v3 =	vld [tilespmem:s26+$0xFFFFFD80]  }
0x23e: {  	v4 =	vld [tilespmem:s26+$0xFFFFFE00];
	_ =	sdelay $0x1  }
0x23f: {  	v5 =	vld [tilespmem:s26+$0xFFFFFE80]  }
0x240: {  	v1 =	vmax.f32 v2, v1;
	v2 =	vld [tilespmem:s26+$0xFFFFFF00]  }
0x241: {  	v0 =	vmax.f32 v1, v0;
	v1 =	vld [tilespmem:s26+$0xFFFFFF80]  }
0x242: {  	v0 =	vmax.f32 v0, v3;
	v3 =	vld [tilespmem:s26+$0x0]  }
0x243: {  	v0 =	vmax.f32 v0, v4;
	v4 =	vld [tilespmem:s26+$0x80]  }
0x244: {  	v0 =	vmax.f32 v0, v5;
	v5 =	vld [tilespmem:s26+$0x100]  }
0x245: {  	v0 =	vmax.f32 v0, v2;
	v2 =	vld [tilespmem:s26+$0x180]  }
0x246: {  	v0 =	vmax.f32 v0, v1;
	v1 =	vld [tilespmem:s26+$0x200]  }
0x247: {  	v0 =	vmax.f32 v0, v3;
	v3 =	vld [tilespmem:s26+$0x280]  }
0x248: {  	v0 =	vmax.f32 v0, v4;
	v4 =	vld [tilespmem:s26+$0x300]  }
0x249: {  	v0 =	vmax.f32 v0, v5;
	v5 =	vld [tilespmem:s26+$0x380]  }
0x24a: {  	v0 =	vmax.f32 v0, v2  }
0x24b: {  	v0 =	vmax.f32 v0, v1  }
0x24c: {  	v0 =	vmax.f32 v0, v3  }
0x24d: {  	v0 =	vmax.f32 v0, v4  }
0x24e: {  	s24 =	sshra.s32 s28, $0x2;
	v0 =	vmax.f32 v0, v5  }
0x24f: {  	[tilespmem:s24+$0x9800] =	vst v0  }
0x250: {  	v0 =	vld [tilespmem:s26+$0xFFFFFC10]  }
0x251: {  	v1 =	vld [tilespmem:s26+$0xFFFFFC90]  }
0x252: {  	v2 =	vld [tilespmem:s26+$0xFFFFFD10]  }
0x253: {  	v3 =	vld [tilespmem:s26+$0xFFFFFD90]  }
0x254: {  	v4 =	vld [tilespmem:s26+$0xFFFFFE10]  }
0x255: {  	v5 =	vld [tilespmem:s26+$0xFFFFFE90]  }
0x256: {  	v0 =	vmax.f32 v0, v1;
	v1 =	vld [tilespmem:s26+$0xFFFFFF10]  }
0x257: {  	v0 =	vmax.f32 v0, v2;
	v2 =	vld [tilespmem:s26+$0xFFFFFF90]  }
0x258: {  	v0 =	vmax.f32 v0, v3;
	v3 =	vld [tilespmem:s26+$0x10]  }
0x259: {  	v0 =	vmax.f32 v0, v4;
	v4 =	vld [tilespmem:s26+$0x90]  }
0x25a: {  	v0 =	vmax.f32 v0, v5;
	v5 =	vld [tilespmem:s26+$0x110]  }
0x25b: {  	v0 =	vmax.f32 v0, v1;
	v1 =	vld [tilespmem:s26+$0x190]  }
0x25c: {  	v0 =	vmax.f32 v0, v2;
	v2 =	vld [tilespmem:s26+$0x210]  }
0x25d: {  	v0 =	vmax.f32 v0, v3;
	v3 =	vld [tilespmem:s26+$0x290]  }
0x25e: {  	v0 =	vmax.f32 v0, v4;
	v4 =	vld [tilespmem:s26+$0x310]  }
0x25f: {  	v0 =	vmax.f32 v0, v5;
	v5 =	vld [tilespmem:s26+$0x390]  }
0x260: {  	v0 =	vmax.f32 v0, v1  }
0x261: {  	v0 =	vmax.f32 v0, v2  }
0x262: {  	v0 =	vmax.f32 v0, v3  }
0x263: {  	v0 =	vmax.f32 v0, v4  }
0x264: {  	v0 =	vmax.f32 v0, v5  }
0x265: {  	[tilespmem:s24+$0x9810] =	vst v0  }
0x266: {  	v0 =	vld [tilespmem:s26+$0xFFFFFC20]  }
0x267: {  	v1 =	vld [tilespmem:s26+$0xFFFFFCA0]  }
0x268: {  	v2 =	vld [tilespmem:s26+$0xFFFFFD20]  }
0x269: {  	v3 =	vld [tilespmem:s26+$0xFFFFFDA0]  }
0x26a: {  	v4 =	vld [tilespmem:s26+$0xFFFFFE20]  }
0x26b: {  	v5 =	vld [tilespmem:s26+$0xFFFFFEA0]  }
0x26c: {  	v0 =	vmax.f32 v0, v1;
	v1 =	vld [tilespmem:s26+$0xFFFFFF20]  }
0x26d: {  	v0 =	vmax.f32 v0, v2;
	v2 =	vld [tilespmem:s26+$0xFFFFFFA0]  }
0x26e: {  	v0 =	vmax.f32 v0, v3;
	v3 =	vld [tilespmem:s26+$0x20]  }
0x26f: {  	v0 =	vmax.f32 v0, v4;
	v4 =	vld [tilespmem:s26+$0xA0]  }
0x270: {  	v0 =	vmax.f32 v0, v5;
	v5 =	vld [tilespmem:s26+$0x120]  }
0x271: {  	v0 =	vmax.f32 v0, v1;
	v1 =	vld [tilespmem:s26+$0x1A0]  }
0x272: {  	v0 =	vmax.f32 v0, v2;
	v2 =	vld [tilespmem:s26+$0x220]  }
0x273: {  	v0 =	vmax.f32 v0, v3;
	v3 =	vld [tilespmem:s26+$0x2A0]  }
0x274: {  	v0 =	vmax.f32 v0, v4;
	v4 =	vld [tilespmem:s26+$0x320]  }
0x275: {  	v0 =	vmax.f32 v0, v5;
	v5 =	vld [tilespmem:s26+$0x3A0]  }
0x276: {  	v0 =	vmax.f32 v0, v1  }
0x277: {  	v0 =	vmax.f32 v0, v2  }
0x278: {  	v0 =	vmax.f32 v0, v3  }
0x279: {  	v0 =	vmax.f32 v0, v4  }
0x27a: {  	v0 =	vmax.f32 v0, v5  }
0x27b: {  	[tilespmem:s24+$0x9820] =	vst v0  }
0x27c: {  	v0 =	vld [tilespmem:s26+$0xFFFFFC30]  }
0x27d: {  	v1 =	vld [tilespmem:s26+$0xFFFFFCB0]  }
0x27e: {  	v2 =	vld [tilespmem:s26+$0xFFFFFD30]  }
0x27f: {  	v3 =	vld [tilespmem:s26+$0xFFFFFDB0]  }
0x280: {  	v4 =	vld [tilespmem:s26+$0xFFFFFE30]  }
0x281: {  	v5 =	vld [tilespmem:s26+$0xFFFFFEB0]  }
0x282: {  	v0 =	vmax.f32 v0, v1;
	v1 =	vld [tilespmem:s26+$0xFFFFFF30]  }
0x283: {  	v0 =	vmax.f32 v0, v2;
	v2 =	vld [tilespmem:s26+$0xFFFFFFB0]  }
0x284: {  	v0 =	vmax.f32 v0, v3;
	v3 =	vld [tilespmem:s26+$0x30]  }
0x285: {  	v0 =	vmax.f32 v0, v4;
	v4 =	vld [tilespmem:s26+$0xB0]  }
0x286: {  	v0 =	vmax.f32 v0, v5;
	v5 =	vld [tilespmem:s26+$0x130]  }
0x287: {  	v0 =	vmax.f32 v0, v1;
	v1 =	vld [tilespmem:s26+$0x1B0]  }
0x288: {  	v0 =	vmax.f32 v0, v2;
	v2 =	vld [tilespmem:s26+$0x230]  }
0x289: {  	v0 =	vmax.f32 v0, v3;
	v3 =	vld [tilespmem:s26+$0x2B0]  }
0x28a: {  	v0 =	vmax.f32 v0, v4;
	v4 =	vld [tilespmem:s26+$0x330]  }
0x28b: {  	v0 =	vmax.f32 v0, v5;
	v5 =	vld [tilespmem:s26+$0x3B0]  }
0x28c: {  	v0 =	vmax.f32 v0, v1  }
0x28d: {  	v0 =	vmax.f32 v0, v2  }
0x28e: {  	v0 =	vmax.f32 v0, v3  }
0x28f: {  	v0 =	vmax.f32 v0, v4  }
0x290: {  	v0 =	vmax.f32 v0, v5  }
0x291: {  	[tilespmem:s24+$0x9830] =	vst v0  }
0x292: {  	v0 =	vld [tilespmem:s26+$0xFFFFFC40]  }
0x293: {  	v1 =	vld [tilespmem:s26+$0xFFFFFCC0]  }
0x294: {  	v2 =	vld [tilespmem:s26+$0xFFFFFD40]  }
0x295: {  	v3 =	vld [tilespmem:s26+$0xFFFFFDC0]  }
0x296: {  	v4 =	vld [tilespmem:s26+$0xFFFFFE40]  }
0x297: {  	v5 =	vld [tilespmem:s26+$0xFFFFFEC0]  }
0x298: {  	v0 =	vmax.f32 v0, v1;
	v1 =	vld [tilespmem:s26+$0xFFFFFF40]  }
0x299: {  	v0 =	vmax.f32 v0, v2;
	v2 =	vld [tilespmem:s26+$0xFFFFFFC0]  }
0x29a: {  	v0 =	vmax.f32 v0, v3;
	v3 =	vld [tilespmem:s26+$0x40]  }
0x29b: {  	v0 =	vmax.f32 v0, v4;
	v4 =	vld [tilespmem:s26+$0xC0]  }
0x29c: {  	v0 =	vmax.f32 v0, v5;
	v5 =	vld [tilespmem:s26+$0x140]  }
0x29d: {  	v0 =	vmax.f32 v0, v1;
	v1 =	vld [tilespmem:s26+$0x1C0]  }
0x29e: {  	v0 =	vmax.f32 v0, v2;
	v2 =	vld [tilespmem:s26+$0x240]  }
0x29f: {  	v0 =	vmax.f32 v0, v3;
	v3 =	vld [tilespmem:s26+$0x2C0]  }
0x2a0: {  	v0 =	vmax.f32 v0, v4;
	v4 =	vld [tilespmem:s26+$0x340]  }
0x2a1: {  	v0 =	vmax.f32 v0, v5;
	v5 =	vld [tilespmem:s26+$0x3C0]  }
0x2a2: {  	v0 =	vmax.f32 v0, v1  }
0x2a3: {  	v0 =	vmax.f32 v0, v2  }
0x2a4: {  	v0 =	vmax.f32 v0, v3  }
0x2a5: {  	v0 =	vmax.f32 v0, v4  }
0x2a6: {  	v0 =	vmax.f32 v0, v5  }
0x2a7: {  	[tilespmem:s24+$0x9840] =	vst v0  }
0x2a8: {  	v0 =	vld [tilespmem:s26+$0xFFFFFC50]  }
0x2a9: {  	v1 =	vld [tilespmem:s26+$0xFFFFFCD0]  }
0x2aa: {  	v2 =	vld [tilespmem:s26+$0xFFFFFD50]  }
0x2ab: {  	v3 =	vld [tilespmem:s26+$0xFFFFFDD0]  }
0x2ac: {  	v4 =	vld [tilespmem:s26+$0xFFFFFE50]  }
0x2ad: {  	v5 =	vld [tilespmem:s26+$0xFFFFFED0]  }
0x2ae: {  	v0 =	vmax.f32 v0, v1;
	v1 =	vld [tilespmem:s26+$0xFFFFFF50]  }
0x2af: {  	v0 =	vmax.f32 v0, v2;
	v2 =	vld [tilespmem:s26+$0xFFFFFFD0]  }
0x2b0: {  	v0 =	vmax.f32 v0, v3;
	v3 =	vld [tilespmem:s26+$0x50]  }
0x2b1: {  	v0 =	vmax.f32 v0, v4;
	v4 =	vld [tilespmem:s26+$0xD0]  }
0x2b2: {  	v0 =	vmax.f32 v0, v5;
	v5 =	vld [tilespmem:s26+$0x150]  }
0x2b3: {  	v0 =	vmax.f32 v0, v1;
	v1 =	vld [tilespmem:s26+$0x1D0]  }
0x2b4: {  	v0 =	vmax.f32 v0, v2;
	v2 =	vld [tilespmem:s26+$0x250]  }
0x2b5: {  	v0 =	vmax.f32 v0, v3;
	v3 =	vld [tilespmem:s26+$0x2D0]  }
0x2b6: {  	v0 =	vmax.f32 v0, v4;
	v4 =	vld [tilespmem:s26+$0x350]  }
0x2b7: {  	v0 =	vmax.f32 v0, v5;
	v5 =	vld [tilespmem:s26+$0x3D0]  }
0x2b8: {  	v0 =	vmax.f32 v0, v1  }
0x2b9: {  	v0 =	vmax.f32 v0, v2  }
0x2ba: {  	v0 =	vmax.f32 v0, v3  }
0x2bb: {  	v0 =	vmax.f32 v0, v4  }
0x2bc: {  	v0 =	vmax.f32 v0, v5  }
0x2bd: {  	[tilespmem:s24+$0x9850] =	vst v0  }
0x2be: {  	v0 =	vld [tilespmem:s26+$0xFFFFFC60]  }
0x2bf: {  	v1 =	vld [tilespmem:s26+$0xFFFFFCE0]  }
0x2c0: {  	v2 =	vld [tilespmem:s26+$0xFFFFFD60]  }
0x2c1: {  	v3 =	vld [tilespmem:s26+$0xFFFFFDE0]  }
0x2c2: {  	v4 =	vld [tilespmem:s26+$0xFFFFFE60]  }
0x2c3: {  	v5 =	vld [tilespmem:s26+$0xFFFFFEE0]  }
0x2c4: {  	v0 =	vmax.f32 v0, v1;
	v1 =	vld [tilespmem:s26+$0xFFFFFF60]  }
0x2c5: {  	v0 =	vmax.f32 v0, v2;
	v2 =	vld [tilespmem:s26+$0xFFFFFFE0]  }
0x2c6: {  	v0 =	vmax.f32 v0, v3;
	v3 =	vld [tilespmem:s26+$0x60]  }
0x2c7: {  	v0 =	vmax.f32 v0, v4;
	v4 =	vld [tilespmem:s26+$0xE0]  }
0x2c8: {  	v0 =	vmax.f32 v0, v5;
	v5 =	vld [tilespmem:s26+$0x160]  }
0x2c9: {  	v0 =	vmax.f32 v0, v1;
	v1 =	vld [tilespmem:s26+$0x1E0]  }
0x2ca: {  	v0 =	vmax.f32 v0, v2;
	v2 =	vld [tilespmem:s26+$0x260]  }
0x2cb: {  	v0 =	vmax.f32 v0, v3;
	v3 =	vld [tilespmem:s26+$0x2E0]  }
0x2cc: {  	v0 =	vmax.f32 v0, v4;
	v4 =	vld [tilespmem:s26+$0x360]  }
0x2cd: {  	v0 =	vmax.f32 v0, v5;
	v5 =	vld [tilespmem:s26+$0x3E0]  }
0x2ce: {  	v0 =	vmax.f32 v0, v1  }
0x2cf: {  	v0 =	vmax.f32 v0, v2  }
0x2d0: {  	v0 =	vmax.f32 v0, v3  }
0x2d1: {  	v0 =	vmax.f32 v0, v4  }
0x2d2: {  	v0 =	vmax.f32 v0, v5  }
0x2d3: {  	[tilespmem:s24+$0x9860] =	vst v0  }
0x2d4: {  	v0 =	vld [tilespmem:s26+$0xFFFFFC70]  }
0x2d5: {  	v1 =	vld [tilespmem:s26+$0xFFFFFCF0]  }
0x2d6: {  	v2 =	vld [tilespmem:s26+$0xFFFFFD70]  }
0x2d7: {  	v3 =	vld [tilespmem:s26+$0xFFFFFDF0]  }
0x2d8: {  	v5 =	vld [tilespmem:s26+$0xFFFFFE70]  }
0x2d9: {  	v6 =	vld [tilespmem:s26+$0xFFFFFEF0]  }
0x2da: {  	v0 =	vmax.f32 v0, v1;
	v7 =	vld [tilespmem:s26+$0xFFFFFF70]  }
0x2db: {  	v0 =	vmax.f32 v0, v2;
	v8 =	vld [tilespmem:s26+$0xFFFFFFF0]  }
.Ltmp1:
0x2dc: {  	v0 =	vmax.f32 v0, v3;
	v4 =	vld [tilespmem:s26+$0x70];
	(pc) =	sbr.rel @p0 .LBB2_5-.Ltmp1, $4  }
0x2dd: {  	v0 =	vmax.f32 v0, v5;
	v1 =	vld [tilespmem:s26+$0xF0]  }
0x2de: {  	v0 =	vmax.f32 v0, v6;
	v2 =	vld [tilespmem:s26+$0x170]  }
0x2df: {  	v3 =	vmax.f32 v0, v7;
	v0 =	vld [tilespmem:s26+$0x1F0]  }
0x2e0: {  	v5 =	vmax.f32 v3, v8;
	v3 =	vld [tilespmem:s26+$0x270]  }
0x2e1: {  	v4 =	vmax.f32 v5, v4;
	v61 =	vld [tilespmem:s23+$0x2F0]  }
0x2e2: {  	v62 =	vld [tilespmem:s23+$0x370];
	v1 =	vmax.f32 v4, v1  }
0x2e3: {  	v63 =	vld [tilespmem:s23+$0x3F0];
	v1 =	vmax.f32 v1, v2  }
0x2e4: {  	v0 =	vmax.f32 v1, v0  }
0x2e5: {  	v0 =	vmax.f32 v0, v3  }
0x2e6: {  	v0 =	vmax.f32 v0, v61  }
0x2e7: {  	v0 =	vmax.f32 v0, v62  }
0x2e8: {  	s31 =	sshll.u32 s21, $0x8;
	s21 =	sadd.s32 $0x1, s21;
	v0 =	vmax.f32 v0, v63  }
0x2e9: {  	s23 =	sadd.s32 s10, s31;
	p0 =	sne.s32 s21, $0x14;
	[tilespmem:s24+$0x9870] =	vst v0  }
0x2ea: {  	[hbm4b:s23+s3] =	stream.linear.scatter [tilespmem:s19], [sflag:$0x3], $0x400, $0x38;
	[tilespmem:$0x1DC00] =	vst v63  }
.Ltmp2:
0x2eb: {  	_ = 	snop;
	(pc) =	sbr.rel @p0 .LBB2_2-.Ltmp2, $4  }
0x2ec: {  	s22 =	smin.u32 s22, $0x24;
	_ =	swait.ge [sflag:s12], $0x400  }
0x2ed: {  	s22 =	sshll.u32 s22, $0x7;
	[sflag:s12] =	ssyncset.done $0x0  }
0x2ee: {  	s22 =	sadd.s32 $0x180, s22;
	[sflag:s12] =	ssyncadd.s32 $0xFFFFFC00  }
0x2ef: {  	[tilespmem:s15], [sflag:$0x2] =	stream.indirect.gather [spmem:s2], $0x80, s22, s13, $0xb8;
	[tilespmem:$0x1DC00] =	vst v63  }
0x2f0: {  	s20 =	sadd.s32 $0x1, s20  }
0x2f1: {  	_ =	swait.ge [sflag:s16], $0x4000;
	p0 =	sne.s32 s20, s9  }
.Ltmp3:
0x2f2: {  	[sflag:s16] =	ssyncset.done $0x0;
	(pc) =	sbr.rel @p0 .LBB2_1-.Ltmp3, $4  }
0x2f3: {  	[sflag:s16] =	ssyncadd.s32 $0xFFFFC000  }
0x2f4: {  	_ =	swait.ge [sflag:s18], $0x4000  }
0x2f5: {  	[sflag:s18] =	ssyncset.done $0x0  }
0x2f6: {  	[sflag:s18] =	ssyncadd.s32 $0xFFFFC000  }
0x2f7: {  	_ =	sfence.sel $0x180000  }
0x2f8: {  	[bflag:$0x0] =	sbarrier.arrive $0xFFFF  }
0x2f9: {  	p0 =	sne.s32 s1, $0x0;
	_ =	strace $0x90000047  }
0x2fa: {  	s0 =	sadd.s32 @!p0 $0x100000, s0;
	[bflag:$0x2] =	sbarrier.arrive $0xFFFF  }
0x2fb: {  	[sflag:s0] =	ssyncadd.tile.s32 @!p0 $0x1;
	_ =	shalt  }
.Lfunc_end2:
_tile_overlayer_lowered:
.L_overlay_start_2:
0x2fc: {  	(tag) =	ssettag $0x2  }
0x2fd: {  	s0 =	rddreg [dreg:$0x0];
	s2 =	stileid.u32  }
0x2fe: {  	s1 =	rddreg [dreg:$0x1];
	p0 =	sne.s32 s2, $0x0  }
0x2ff: {  	s3 =	rddreg [dreg:$0x2];
	[bflag:$0x3] =	sbarrier.arrive $0xFFFF;
	s2 =	simm.s32 @!p0 $0x1C03  }
0x300: {  	[timem:s3], [sflag:s2] =	dma.local @!p0 [hbm:s0], s1  }
0x301: {  	s0 =	simm.s32 @!p0 $0x3  }
0x302: {  	_ =	swait.ge @!p0 [sflag:s0], s1  }
0x303: {  	s1 =	ssub.s32 @!p0 $0x0, s1;
	[sflag:s0] =	ssyncset.done @!p0 $0x0  }
0x304: {  	[sflag:s0] =	ssyncadd.s32 @!p0 s1  }
0x305: {  	[bflag:$0x3] =	sbarrier.arrive $0xFFFF  }
0x306: {  	_ =	shalt  }

</sc_bundles>
